<compile_context>
chip_gen: v7x
topology: tpu7x:2x2x1
jax: 0.10.2.dev20260603
libtpu: 0.0.44.dev20260713+nightly
codegen_flags: <defaults>
</compile_context>

<pallas_src>
import jax
import jax.numpy as jnp
from jax import lax
from jax.experimental import pallas as pl
from jax.experimental.pallas import tpu as pltpu
from jax.experimental.pallas import tpu_sc as plsc

_B, _T, _H = 1, 2048, 1024
_M, _D = 4096, 256
_G = 16
_NH = 4
_TOP_K = 32

_TT = 128
_R = _TT * _NH
_CH = 1024
_NCH = _M // _CH

_bf = jnp.bfloat16
_f32 = jnp.float32


def _dot(a, b):
    return jax.lax.dot_general(
        a.astype(_bf), b if b.dtype == _bf else b.astype(_bf),
        (((1,), (0,)), ((), ())), preferred_element_type=_f32)


def _main_body(hid_ref, belT_ref, bel_ref, bias_ref, nw_ref, wcat_ref,
               bg_ref, ho_ref, wv_ref, conf_ref, util_ref, attn_ref,
               retr_ref, obs_ref, mass_ref, scr_ref):
    t = pl.program_id(0)

    @pl.when(t == 0)
    def _init():
        mass_ref[...] = jnp.zeros_like(mass_ref)

    x = hid_ref[0]
    v = jnp.mean(x * x, axis=-1, keepdims=True)
    normed = x * jax.lax.rsqrt(v + 1e-6) * nw_ref[...]

    q = _dot(normed, wcat_ref[:, 0:_H])
    q4 = (q * 0.0625).reshape(_R, _D).astype(_bf)

    mcs, sums = [], []
    for c in range(_NCH):
        sl = slice(c * _CH, (c + 1) * _CH)
        raw = jax.lax.dot_general(
            q4, belT_ref[:, sl],
            (((1,), (0,)), ((), ())), preferred_element_type=_f32)
        s = raw + bias_ref[:, sl]
        m_c = jnp.max(s, axis=-1, keepdims=True)
        e = jnp.exp(s - m_c)
        sums.append(jnp.sum(e, axis=-1, keepdims=True))
        mcs.append(m_c)
        scr_ref[:, sl] = e
    m = mcs[0]
    for c in range(1, _NCH):
        m = jnp.maximum(m, mcs[c])
    corr = [jnp.exp(mc - m) for mc in mcs]
    total = corr[0] * sums[0]
    for c in range(1, _NCH):
        total = total + corr[c] * sums[c]
    sinv = 1.0 / total
    racc = jnp.zeros((_R, _D), _f32)
    for c in range(_NCH):
        sl = slice(c * _CH, (c + 1) * _CH)
        a = scr_ref[:, sl] * (corr[c] * sinv)
        attn_ref[0, :, :, sl] = a.reshape(_TT, _NH, _CH)
        mass_ref[:, sl] += jnp.sum(a, axis=0, keepdims=True)
        racc = racc + _dot(a, bel_ref[sl, :])
    retr_ref[0] = racc.reshape(_TT, _NH, _D)

    rflat = racc.reshape(_TT, _NH * _D)
    binfo = _dot(rflat, wcat_ref[:, _H:2 * _H])
    gc = _dot(normed, wcat_ref[:, 3 * _H + 2 * _D:3 * _H + 2 * _D + 2])
    gate = jax.nn.sigmoid(gc[:, 0:1] + bg_ref[0, 0])
    conf_ref[0] = jax.nn.sigmoid(gc[:, 1:2])
    ho_ref[0] = x + binfo * gate
    util_ref[0] = _dot(normed, wcat_ref[:, 2 * _H:3 * _H])
    obs_ref[0] = _dot(normed, wcat_ref[:, 3 * _H:3 * _H + _D])
    wv_ref[0] = _dot(normed, wcat_ref[:, 3 * _H + _D:3 * _H + 2 * _D])


_NSUB = 16
_SEG = _M // _NSUB
_NV = _SEG // 16
_NEG = -3.0e38
_BIG = 2 ** 30


def _prep_body(wq, wout, wutil, wobs, wwrite, wgate, wconf, bel, ge, prio,
               db, wcat_o, bel_o, belT_o, bias_o):
    wcat_o[:, 0:_H] = wq[...].astype(_bf)
    wcat_o[:, _H:2 * _H] = wout[...].astype(_bf)
    wcat_o[:, 2 * _H:3 * _H] = wutil[...].astype(_bf)
    wcat_o[:, 3 * _H:3 * _H + _D] = wobs[...].astype(_bf)
    wcat_o[:, 3 * _H + _D:3 * _H + 2 * _D] = wwrite[...].astype(_bf)
    wcat_o[:, 3 * _H + 2 * _D:3 * _H + 2 * _D + 1] = wgate[...].astype(_bf)
    wcat_o[:, 3 * _H + 2 * _D + 1:3 * _H + 2 * _D + 2] = wconf[...].astype(_bf)
    b = bel[...].astype(_bf)
    bel_o[...] = b
    bT = b.T
    belT_o[...] = bT
    gb1 = jax.lax.dot_general(
        b, ge[...].astype(_bf),
        (((1,), (1,)), ((), ())), preferred_element_type=_f32)
    gb = jax.lax.dot_general(
        prio[...].astype(_bf), gb1.astype(_bf),
        (((1,), (1,)), ((), ())), preferred_element_type=_f32)
    bias_o[...] = gb * (1.0 / _G) + db[0, 0]


def _vmaxall(x):
    s = plsc.cummax(x)
    return plsc.cummax(lax.rev(s, (0,)))


def _vminall_i32(x):
    return -_vmaxall(-x)


def _sc_topk(mass_hbm, out_hbm, stagev_hbm, stagei_hbm,
             xv, bufv, bufi, mv, mi, outb):
    cid = lax.axis_index("c")
    sid = lax.axis_index("s")
    iota = lax.iota(jnp.int32, 16)

    @pl.when(cid == 0)
    def _():
        base = sid * _SEG
        pltpu.sync_copy(mass_hbm.at[pl.ds(base, _SEG)], xv)

        def local_step(k, res):
            rv0, rv1, ri0, ri1 = res
            vm = xv[pl.ds(0, 16)]
            for v in range(1, _NV):
                vm = jnp.maximum(vm, xv[pl.ds(v * 16, 16)])
            m = _vmaxall(vm)
            cand = jnp.full((16,), _BIG, jnp.int32)
            for v in range(_NV):
                xvv = xv[pl.ds(v * 16, 16)]
                cand = jnp.minimum(
                    cand, jnp.where(xvv == m, iota + (base + v * 16), _BIG))
            gi = _vminall_i32(cand)
            for v in range(_NV):
                xvv = xv[pl.ds(v * 16, 16)]
                xv[pl.ds(v * 16, 16)] = jnp.where(
                    iota + (base + v * 16) == gi, _NEG, xvv)
            lo = (iota == (k % 16)) & (k < 16)
            hi = (iota == (k % 16)) & (k >= 16)
            rv0 = jnp.where(lo, m, rv0)
            rv1 = jnp.where(hi, m, rv1)
            ri0 = jnp.where(lo, gi, ri0)
            ri1 = jnp.where(hi, gi, ri1)
            return (rv0, rv1, ri0, ri1)

        z16f = jnp.full((16,), _NEG, _f32)
        z16i = jnp.zeros((16,), jnp.int32)
        rv0, rv1, ri0, ri1 = lax.fori_loop(
            0, _TOP_K, local_step, (z16f, z16f, z16i, z16i))
        bufv[pl.ds(0, 16)] = rv0
        bufv[pl.ds(16, 16)] = rv1
        bufi[pl.ds(0, 16)] = ri0
        bufi[pl.ds(16, 16)] = ri1
        pltpu.sync_copy(bufv, stagev_hbm.at[pl.ds(sid * _TOP_K, _TOP_K)])
        pltpu.sync_copy(bufi, stagei_hbm.at[pl.ds(sid * _TOP_K, _TOP_K)])
        plsc.subcore_barrier()

        @pl.when(sid == 0)
        def _merge():
            pltpu.sync_copy(stagev_hbm, mv)
            pltpu.sync_copy(stagei_hbm, mi)
            npool = _NSUB * _TOP_K // 16

            def merge_step(k, res):
                rv0, rv1, ri0, ri1 = res
                vm = mv[pl.ds(0, 16)]
                for v in range(1, npool):
                    vm = jnp.maximum(vm, mv[pl.ds(v * 16, 16)])
                m = _vmaxall(vm)
                cand = jnp.full((16,), _BIG, jnp.int32)
                for v in range(npool):
                    vv = mv[pl.ds(v * 16, 16)]
                    iv = mi[pl.ds(v * 16, 16)]
                    cand = jnp.minimum(cand, jnp.where(vv == m, iv, _BIG))
                gi = _vminall_i32(cand)
                for v in range(npool):
                    vv = mv[pl.ds(v * 16, 16)]
                    iv = mi[pl.ds(v * 16, 16)]
                    mv[pl.ds(v * 16, 16)] = jnp.where(
                        (vv == m) & (iv == gi), _NEG, vv)
                lo = (iota == (k % 16)) & (k < 16)
                hi = (iota == (k % 16)) & (k >= 16)
                rv0 = jnp.where(lo, m, rv0)
                rv1 = jnp.where(hi, m, rv1)
                ri0 = jnp.where(lo, gi, ri0)
                ri1 = jnp.where(hi, gi, ri1)
                return (rv0, rv1, ri0, ri1)

            _, _, ri0, ri1 = lax.fori_loop(
                0, _TOP_K, merge_step, (z16f, z16f, z16i, z16i))
            outb[pl.ds(0, 16)] = ri0
            outb[pl.ds(16, 16)] = ri1
            pltpu.sync_copy(outb, out_hbm)


def kernel(hidden, beliefs, goal_embeddings, goal_priorities, norm_weight,
           depth_bias, W_q, W_out, W_gate, b_gate, W_util, W_obs, W_write,
           W_conf):
    B, T, H, M, D, G, NH = _B, _T, _H, _M, _D, _G, _NH
    wcat_bf, bel_bf, belT_bf, bias_row = pl.pallas_call(
        _prep_body,
        out_shape=(
            jax.ShapeDtypeStruct((H, 3 * H + 2 * D + 2), _bf),
            jax.ShapeDtypeStruct((M, D), _bf),
            jax.ShapeDtypeStruct((D, M), _bf),
            jax.ShapeDtypeStruct((1, M), _f32),
        ),
    )(W_q, W_out, W_util, W_obs, W_write, W_gate, W_conf, beliefs,
      goal_embeddings, goal_priorities.reshape(1, G),
      depth_bias.reshape(1, 1))
    nw = norm_weight.reshape(1, H)
    bg = b_gate.reshape(1, 1)

    grid = T // _TT

    out_shapes = (
        jax.ShapeDtypeStruct((B, T, H), _f32),
        jax.ShapeDtypeStruct((B, T, D), _f32),
        jax.ShapeDtypeStruct((B, T, 1), _f32),
        jax.ShapeDtypeStruct((B, T, H), _f32),
        jax.ShapeDtypeStruct((B, T, NH, M), _f32),
        jax.ShapeDtypeStruct((B, T, NH, D), _f32),
        jax.ShapeDtypeStruct((B, T, D), _f32),
        jax.ShapeDtypeStruct((1, M), _f32),
    )
    full = lambda shape: pl.BlockSpec(shape, lambda t: (0,) * len(shape))
    row = lambda last: pl.BlockSpec((1, _TT, last), lambda t: (0, t, 0))
    row4 = lambda last: pl.BlockSpec((1, _TT, _NH, last),
                                     lambda t: (0, t, 0, 0))

    outs = pl.pallas_call(
        _main_body,
        grid=(grid,),
        in_specs=[
            row(H),
            full((D, M)),
            full((M, D)),
            full((1, M)),
            full((1, H)),
            full((H, 3 * H + 2 * D + 2)),
            full((1, 1)),
        ],
        out_specs=[
            row(H), row(D), row(1), row(H),
            row4(M), row4(D), row(D),
            full((1, M)),
        ],
        out_shape=out_shapes,
        scratch_shapes=[pltpu.VMEM((_R, _M), _f32)],
    )(hidden, belT_bf, bel_bf, bias_row, nw, wcat_bf, bg)

    (hidden_out, write_vec, confidence, utility_logits, attn_weights,
     retrieved, obs_vectors, mass) = outs

    topk_call = pl.kernel(
        _sc_topk,
        out_type=(
            jax.ShapeDtypeStruct((_TOP_K,), jnp.int32),
            jax.ShapeDtypeStruct((_NSUB * _TOP_K,), _f32),
            jax.ShapeDtypeStruct((_NSUB * _TOP_K,), jnp.int32),
        ),
        scratch_types=[
            pltpu.VMEM((_SEG,), _f32),
            pltpu.VMEM((_TOP_K,), _f32),
            pltpu.VMEM((_TOP_K,), jnp.int32),
            pltpu.VMEM((_NSUB * _TOP_K,), _f32),
            pltpu.VMEM((_NSUB * _TOP_K,), jnp.int32),
            pltpu.VMEM((_TOP_K,), jnp.int32),
        ],
        mesh=plsc.VectorSubcoreMesh(core_axis_name="c", subcore_axis_name="s"),
        compiler_params=pltpu.CompilerParams(needs_layout_passes=False),
    )
    read_indices, _, _ = topk_call(mass.reshape(M))

    return (hidden_out, write_vec, confidence, utility_logits, read_indices,
            attn_weights, retrieved, obs_vectors)

# --- scband reference (transcript-rebuilt; emitter-appended) ---
"""Pipeline reference for scband-state-interface-layer-64957085384842 (READ-ONLY COPY).

The authoritative reference and input builder live on the scoring server;
editing this copy changes nothing except your own understanding.
"""

import jax, jax.numpy as jnp
import numpy as np

B, T, H = 1, 2048, 1024
M, D = 4096, 256
G = 16
NH = 4
TOP_K = 32

def rmsnorm(x, w, eps=1e-6):
    v = jnp.mean(x * x, axis=-1, keepdims=True)
    return x * jax.lax.rsqrt(v + eps) * w

def setup_inputs(seed: int = 0) -> dict:
    key = jax.random.key(seed)
    ks = jax.random.split(key, 16)
    inp = {}
    inp['hidden'] = jax.random.normal(ks[0], (B, T, H), dtype=jnp.float32)
    inp['beliefs'] = jax.random.normal(ks[1], (M, D), dtype=jnp.float32)
    inp['goal_embeddings'] = jax.random.normal(ks[2], (G, D), dtype=jnp.float32)
    inp['goal_priorities'] = jax.random.uniform(ks[3], (G,), dtype=jnp.float32)
    inp['norm_weight'] = jnp.ones((H,), dtype=jnp.float32)
    inp['depth_bias'] = jnp.zeros((1,), dtype=jnp.float32)
    inp['W_q'] = jax.random.normal(ks[4], (H, NH * D), dtype=jnp.float32) * 0.02
    inp['W_out'] = jax.random.normal(ks[5], (NH * D, H), dtype=jnp.float32) * 0.02
    inp['W_gate'] = jax.random.normal(ks[6], (H, 1), dtype=jnp.float32) * 0.02
    inp['b_gate'] = jnp.full((1,), 2.0, dtype=jnp.float32)
    inp['W_util'] = jax.random.normal(ks[7], (H, H), dtype=jnp.float32) * 0.02
    inp['W_obs'] = jax.random.normal(ks[8], (H, D), dtype=jnp.float32) * 0.02
    inp['W_write'] = jax.random.normal(ks[9], (H, D), dtype=jnp.float32) * 0.02
    inp['W_conf'] = jax.random.normal(ks[10], (H, 1), dtype=jnp.float32) * 0.02
    return inp

def reference(hidden, beliefs, goal_embeddings, goal_priorities, norm_weight, depth_bias, W_q, W_out, W_gate, b_gate, W_util, W_obs, W_write, W_conf):
    normed = rmsnorm(hidden, norm_weight)
    # ---- read path: multi-head attention over active belief memory ----
    q = (normed @ W_q).reshape(B, T, NH, D)
    # goal-conditioned bias on each belief slot (parallel_goals)
    goal_bias = (beliefs @ goal_embeddings.T) @ goal_priorities / G  # [M]
    scores = jnp.einsum('bthd,md->bthm', q, beliefs) / jnp.sqrt(jnp.float32(D))
    scores = scores + depth_bias[0] + goal_bias[None, None, None, :]
    attn_weights = jax.nn.softmax(scores, axis=-1)  # [B,T,NH,M]
    retrieved = jnp.einsum('bthm,md->bthd', attn_weights, beliefs)  # [B,T,NH,D]
    gate = jax.nn.sigmoid(normed @ W_gate + b_gate)  # [B,T,1]
    belief_info = (retrieved.reshape(B, T, NH * D) @ W_out) * gate
    hidden_out = hidden + belief_info
    utility_logits = normed @ W_util  # [B,T,H]
    mass = attn_weights.sum(axis=(0, 1, 2))  # [M]
    _, read_indices = jax.lax.top_k(mass, TOP_K)  # beliefs actually retrieved
    # ---- write path: buffered write candidates (not committed) ----
    obs_vectors = normed @ W_obs  # [B,T,D]
    write_vec = normed @ W_write  # [B,T,D] candidate belief updates
    confidence = jax.nn.sigmoid(normed @ W_conf)  # [B,T,1]
    return (hidden_out, write_vec, confidence, utility_logits, read_indices, attn_weights, retrieved, obs_vectors)

if __name__ == "__main__":
    import jax
    _d = setup_inputs()
    print(jax.jit(kernel)(*tuple(_d.values())))

</pallas_src>

<mosaic_0001>
#map = affine_map<(d0, d1) -> (0)>
module attributes {stable_mosaic.version = 14 : i64} {
  func.func @_sc_topk(%arg0: i32, %arg1: i32, %arg2: memref<4096xf32, #tpu.memory_space<hbm>>, %arg3: memref<32xi32, #tpu.memory_space<hbm>>, %arg4: memref<512xf32, #tpu.memory_space<hbm>>, %arg5: memref<512xi32, #tpu.memory_space<hbm>>, %arg6: memref<256xf32, #tpu.memory_space<vmem>>, %arg7: memref<32xf32, #tpu.memory_space<vmem>>, %arg8: memref<32xi32, #tpu.memory_space<vmem>>, %arg9: memref<512xf32, #tpu.memory_space<vmem>>, %arg10: memref<512xi32, #tpu.memory_space<vmem>>, %arg11: memref<32xi32, #tpu.memory_space<vmem>>) attributes {dimension_semantics = [#tpu.dimension_semantics<core_parallel>, #tpu.dimension_semantics<subcore_parallel>], iteration_bounds = array<i64: 2, 16>, scalar_prefetch = 0 : i64, scratch_operands = 6 : i64, tpu.core_type = #tpu.core_type<sc_vector_subcore>, window_params = [{transform_indices = #map}, {transform_indices = #map}, {transform_indices = #map}, {transform_indices = #map}]} {
    %iota3A = tpu.iota {dimensions = array<i32: 0>} : vector<16xi32>
    %eq3A = arith.constant 0 : i32
    %eq3A_0 = arith.cmpi eq, %arg0, %eq3A : i32
    %convert_element_type3A = arith.extui %eq3A_0 : i1 to i32
    %cond3A = arith.constant 0 : i32
    %cond3A_1 = arith.cmpi ne, %convert_element_type3A, %cond3A : i32
    scf.if %cond3A_1 {
      %mul3A = arith.constant 256 : i32
      %mul3A_2 = arith.muli %arg1, %mul3A : i32
      "tpu.region"() ({
        %run_scoped3A = tpu.sem_alloc : memref<!tpu.dma_semaphore, #tpu.memory_space<semaphore_mem>>
        %dma_start3A = tpu.memref_slice %arg2[%mul3A_2] : memref<4096xf32, #tpu.memory_space<hbm>> -> memref<256xf32, #tpu.memory_space<hbm>>
        %dma_start3A_27 = tpu.memref_slice %arg2[%mul3A_2] : memref<4096xf32, #tpu.memory_space<hbm>> -> memref<256xf32, #tpu.memory_space<hbm>>
        tpu.enqueue_dma source(%dma_start3A_27 : memref<256xf32, #tpu.memory_space<hbm>>) target(%arg6 : memref<256xf32, #tpu.memory_space<vmem>>) target_semaphore(%run_scoped3A : memref<!tpu.dma_semaphore, #tpu.memory_space<semaphore_mem>>)
        %dma_wait3A = tpu.memref_slice %arg2[%mul3A_2] : memref<4096xf32, #tpu.memory_space<hbm>> -> memref<256xf32, #tpu.memory_space<hbm>>
        %dma_wait3A_28 = tpu.memref_slice %arg2[%mul3A_2] : memref<4096xf32, #tpu.memory_space<hbm>> -> memref<256xf32, #tpu.memory_space<hbm>>
        tpu.wait_dma2 semaphore(%run_scoped3A : memref<!tpu.dma_semaphore, #tpu.memory_space<semaphore_mem>>) src(%dma_wait3A_28 : memref<256xf32, #tpu.memory_space<hbm>>) dst(%arg6 : memref<256xf32, #tpu.memory_space<vmem>>)
        tpu.yield
      }) : () -> ()
      %broadcast_in_dim3A = arith.constant -3.000000e+38 : f32
      %broadcast_in_dim3A_3 = vector.broadcast %broadcast_in_dim3A : f32 to vector<16xf32>
      %broadcast_in_dim3A_4 = arith.constant 0 : i32
      %broadcast_in_dim3A_5 = vector.broadcast %broadcast_in_dim3A_4 : i32 to vector<16xi32>
      %scan3A = arith.constant 0 : i32
      %scan3A_6 = arith.constant 32 : i32
      %scan3A_7 = arith.addi %scan3A, %scan3A_6 : i32
      %scan3A_8 = arith.constant 1 : i32
      %scan3A_9:4 = scf.for %scan3A_27 = %scan3A to %scan3A_7 step %scan3A_8 iter_args(%scan3A_28 = %broadcast_in_dim3A_3, %scan3A_29 = %broadcast_in_dim3A_3, %scan3A_30 = %broadcast_in_dim3A_5, %scan3A_31 = %broadcast_in_dim3A_5) -> (vector<16xf32>, vector<16xf32>, vector<16xi32>, vector<16xi32>)  : i32 {
        %get3A = arith.constant 0 : index
        %get3A_32 = tpu.vector_load %arg6[%get3A] {strides = array<i32>} : memref<256xf32, #tpu.memory_space<vmem>>, vector<16xf32>,
        %get3A_33 = arith.constant 16 : index
        %get3A_34 = tpu.vector_load %arg6[%get3A_33] {strides = array<i32>} : memref<256xf32, #tpu.memory_space<vmem>>, vector<16xf32>,
        %max3A = arith.maximumf %get3A_32, %get3A_34 : vector<16xf32>
        %get3A_35 = arith.constant 32 : index
        %get3A_36 = tpu.vector_load %arg6[%get3A_35] {strides = array<i32>} : memref<256xf32, #tpu.memory_space<vmem>>, vector<16xf32>,
        %max3A_37 = arith.maximumf %max3A, %get3A_36 : vector<16xf32>
        %get3A_38 = arith.constant 48 : index
        %get3A_39 = tpu.vector_load %arg6[%get3A_38] {strides = array<i32>} : memref<256xf32, #tpu.memory_space<vmem>>, vector<16xf32>,
        %max3A_40 = arith.maximumf %max3A_37, %get3A_39 : vector<16xf32>
        %get3A_41 = arith.constant 64 : index
        %get3A_42 = tpu.vector_load %arg6[%get3A_41] {strides = array<i32>} : memref<256xf32, #tpu.memory_space<vmem>>, vector<16xf32>,
        %max3A_43 = arith.maximumf %max3A_40, %get3A_42 : vector<16xf32>
        %get3A_44 = arith.constant 80 : index
        %get3A_45 = tpu.vector_load %arg6[%get3A_44] {strides = array<i32>} : memref<256xf32, #tpu.memory_space<vmem>>, vector<16xf32>,
        %max3A_46 = arith.maximumf %max3A_43, %get3A_45 : vector<16xf32>
        %get3A_47 = arith.constant 96 : index
        %get3A_48 = tpu.vector_load %arg6[%get3A_47] {strides = array<i32>} : memref<256xf32, #tpu.memory_space<vmem>>, vector<16xf32>,
        %max3A_49 = arith.maximumf %max3A_46, %get3A_48 : vector<16xf32>
        %get3A_50 = arith.constant 112 : index
        %get3A_51 = tpu.vector_load %arg6[%get3A_50] {strides = array<i32>} : memref<256xf32, #tpu.memory_space<vmem>>, vector<16xf32>,
        %max3A_52 = arith.maximumf %max3A_49, %get3A_51 : vector<16xf32>
        %get3A_53 = arith.constant 128 : index
        %get3A_54 = tpu.vector_load %arg6[%get3A_53] {strides = array<i32>} : memref<256xf32, #tpu.memory_space<vmem>>, vector<16xf32>,
        %max3A_55 = arith.maximumf %max3A_52, %get3A_54 : vector<16xf32>
        %get3A_56 = arith.constant 144 : index
        %get3A_57 = tpu.vector_load %arg6[%get3A_56] {strides = array<i32>} : memref<256xf32, #tpu.memory_space<vmem>>, vector<16xf32>,
        %max3A_58 = arith.maximumf %max3A_55, %get3A_57 : vector<16xf32>
        %get3A_59 = arith.constant 160 : index
        %get3A_60 = tpu.vector_load %arg6[%get3A_59] {strides = array<i32>} : memref<256xf32, #tpu.memory_space<vmem>>, vector<16xf32>,
        %max3A_61 = arith.maximumf %max3A_58, %get3A_60 : vector<16xf32>
        %get3A_62 = arith.constant 176 : index
        %get3A_63 = tpu.vector_load %arg6[%get3A_62] {strides = array<i32>} : memref<256xf32, #tpu.memory_space<vmem>>, vector<16xf32>,
        %max3A_64 = arith.maximumf %max3A_61, %get3A_63 : vector<16xf32>
        %get3A_65 = arith.constant 192 : index
        %get3A_66 = tpu.vector_load %arg6[%get3A_65] {strides = array<i32>} : memref<256xf32, #tpu.memory_space<vmem>>, vector<16xf32>,
        %max3A_67 = arith.maximumf %max3A_64, %get3A_66 : vector<16xf32>
        %get3A_68 = arith.constant 208 : index
        %get3A_69 = tpu.vector_load %arg6[%get3A_68] {strides = array<i32>} : memref<256xf32, #tpu.memory_space<vmem>>, vector<16xf32>,
        %max3A_70 = arith.maximumf %max3A_67, %get3A_69 : vector<16xf32>
        %get3A_71 = arith.constant 224 : index
        %get3A_72 = tpu.vector_load %arg6[%get3A_71] {strides = array<i32>} : memref<256xf32, #tpu.memory_space<vmem>>, vector<16xf32>,
        %max3A_73 = arith.maximumf %max3A_70, %get3A_72 : vector<16xf32>
        %get3A_74 = arith.constant 240 : index
        %get3A_75 = tpu.vector_load %arg6[%get3A_74] {strides = array<i32>} : memref<256xf32, #tpu.memory_space<vmem>>, vector<16xf32>,
        %max3A_76 = arith.maximumf %max3A_73, %get3A_75 : vector<16xf32>
        %broadcast_in_dim3A_77 = arith.constant true
        %broadcast_in_dim3A_78 = vector.broadcast %broadcast_in_dim3A_77 : i1 to vector<16xi1>
        %masked_cummax3A = tpu.scan <max>, %max3A_76 masked %broadcast_in_dim3A_78 : vector<16xf32>, vector<16xi1> -> vector<16xf32>
        %rev3A = arith.constant 15 : i32
        %rev3A_79 = vector.broadcast %rev3A : i32 to vector<16xi32>
        %rev3A_80 = tpu.iota {dimensions = array<i32: 0>} : vector<16xi32>
        %rev3A_81 = arith.subi %rev3A_79, %rev3A_80 : vector<16xi32>
        %rev3A_82 = tpu.dynamic_gather %masked_cummax3A[%rev3A_81] in [0] : vector<16xf32>, vector<16xi32> -> vector<16xf32>
        %broadcast_in_dim3A_83 = arith.constant true
        %broadcast_in_dim3A_84 = vector.broadcast %broadcast_in_dim3A_83 : i1 to vector<16xi1>
        %masked_cummax3A_85 = tpu.scan <max>, %rev3A_82 masked %broadcast_in_dim3A_84 : vector<16xf32>, vector<16xi1> -> vector<16xf32>
        %broadcast_in_dim3A_86 = arith.constant 1073741824 : i32
        %broadcast_in_dim3A_87 = vector.broadcast %broadcast_in_dim3A_86 : i32 to vector<16xi32>
        %get3A_88 = arith.constant 0 : index
        %get3A_89 = tpu.vector_load %arg6[%get3A_88] {strides = array<i32>} : memref<256xf32, #tpu.memory_space<vmem>>, vector<16xf32>,
        %eq3A_90 = arith.cmpf oeq, %get3A_89, %masked_cummax3A_85 : vector<16xf32>
        %add3A = arith.constant 0 : i32
        %add3A_91 = arith.addi %mul3A_2, %add3A : i32
        %add3A_92 = vector.broadcast %add3A_91 : i32 to vector<16xi32>
        %add3A_93 = arith.addi %iota3A, %add3A_92 : vector<16xi32>
        %jit3A = arith.constant 1073741824 : i32
        %broadcast_in_dim3A_94 = vector.broadcast %jit3A : i32 to vector<16xi32>
        %select_n3A = arith.select %eq3A_90, %add3A_93, %broadcast_in_dim3A_94 : vector<16xi1>, vector<16xi32>
        %min3A = arith.minsi %broadcast_in_dim3A_87, %select_n3A : vector<16xi32>
        %get3A_95 = arith.constant 16 : index
        %get3A_96 = tpu.vector_load %arg6[%get3A_95] {strides = array<i32>} : memref<256xf32, #tpu.memory_space<vmem>>, vector<16xf32>,
        %eq3A_97 = arith.cmpf oeq, %get3A_96, %masked_cummax3A_85 : vector<16xf32>
        %add3A_98 = arith.constant 16 : i32
        %add3A_99 = arith.addi %mul3A_2, %add3A_98 : i32
        %add3A_100 = vector.broadcast %add3A_99 : i32 to vector<16xi32>
        %add3A_101 = arith.addi %iota3A, %add3A_100 : vector<16xi32>
        %jit3A_102 = arith.constant 1073741824 : i32
        %broadcast_in_dim3A_103 = vector.broadcast %jit3A_102 : i32 to vector<16xi32>
        %select_n3A_104 = arith.select %eq3A_97, %add3A_101, %broadcast_in_dim3A_103 : vector<16xi1>, vector<16xi32>
        %min3A_105 = arith.minsi %min3A, %select_n3A_104 : vector<16xi32>
        %get3A_106 = arith.constant 32 : index
        %get3A_107 = tpu.vector_load %arg6[%get3A_106] {strides = array<i32>} : memref<256xf32, #tpu.memory_space<vmem>>, vector<16xf32>,
        %eq3A_108 = arith.cmpf oeq, %get3A_107, %masked_cummax3A_85 : vector<16xf32>
        %add3A_109 = arith.constant 32 : i32
        %add3A_110 = arith.addi %mul3A_2, %add3A_109 : i32
        %add3A_111 = vector.broadcast %add3A_110 : i32 to vector<16xi32>
        %add3A_112 = arith.addi %iota3A, %add3A_111 : vector<16xi32>
        %jit3A_113 = arith.constant 1073741824 : i32
        %broadcast_in_dim3A_114 = vector.broadcast %jit3A_113 : i32 to vector<16xi32>
        %select_n3A_115 = arith.select %eq3A_108, %add3A_112, %broadcast_in_dim3A_114 : vector<16xi1>, vector<16xi32>
        %min3A_116 = arith.minsi %min3A_105, %select_n3A_115 : vector<16xi32>
        %get3A_117 = arith.constant 48 : index
        %get3A_118 = tpu.vector_load %arg6[%get3A_117] {strides = array<i32>} : memref<256xf32, #tpu.memory_space<vmem>>, vector<16xf32>,
        %eq3A_119 = arith.cmpf oeq, %get3A_118, %masked_cummax3A_85 : vector<16xf32>
        %add3A_120 = arith.constant 48 : i32
        %add3A_121 = arith.addi %mul3A_2, %add3A_120 : i32
        %add3A_122 = vector.broadcast %add3A_121 : i32 to vector<16xi32>
        %add3A_123 = arith.addi %iota3A, %add3A_122 : vector<16xi32>
        %jit3A_124 = arith.constant 1073741824 : i32
        %broadcast_in_dim3A_125 = vector.broadcast %jit3A_124 : i32 to vector<16xi32>
        %select_n3A_126 = arith.select %eq3A_119, %add3A_123, %broadcast_in_dim3A_125 : vector<16xi1>, vector<16xi32>
        %min3A_127 = arith.minsi %min3A_116, %select_n3A_126 : vector<16xi32>
        %get3A_128 = arith.constant 64 : index
        %get3A_129 = tpu.vector_load %arg6[%get3A_128] {strides = array<i32>} : memref<256xf32, #tpu.memory_space<vmem>>, vector<16xf32>,
        %eq3A_130 = arith.cmpf oeq, %get3A_129, %masked_cummax3A_85 : vector<16xf32>
        %add3A_131 = arith.constant 64 : i32
        %add3A_132 = arith.addi %mul3A_2, %add3A_131 : i32
        %add3A_133 = vector.broadcast %add3A_132 : i32 to vector<16xi32>
        %add3A_134 = arith.addi %iota3A, %add3A_133 : vector<16xi32>
        %jit3A_135 = arith.constant 1073741824 : i32
        %broadcast_in_dim3A_136 = vector.broadcast %jit3A_135 : i32 to vector<16xi32>
        %select_n3A_137 = arith.select %eq3A_130, %add3A_134, %broadcast_in_dim3A_136 : vector<16xi1>, vector<16xi32>
        %min3A_138 = arith.minsi %min3A_127, %select_n3A_137 : vector<16xi32>
        %get3A_139 = arith.constant 80 : index
        %get3A_140 = tpu.vector_load %arg6[%get3A_139] {strides = array<i32>} : memref<256xf32, #tpu.memory_space<vmem>>, vector<16xf32>,
        %eq3A_141 = arith.cmpf oeq, %get3A_140, %masked_cummax3A_85 : vector<16xf32>
        %add3A_142 = arith.constant 80 : i32
        %add3A_143 = arith.addi %mul3A_2, %add3A_142 : i32
        %add3A_144 = vector.broadcast %add3A_143 : i32 to vector<16xi32>
        %add3A_145 = arith.addi %iota3A, %add3A_144 : vector<16xi32>
        %jit3A_146 = arith.constant 1073741824 : i32
        %broadcast_in_dim3A_147 = vector.broadcast %jit3A_146 : i32 to vector<16xi32>
        %select_n3A_148 = arith.select %eq3A_141, %add3A_145, %broadcast_in_dim3A_147 : vector<16xi1>, vector<16xi32>
        %min3A_149 = arith.minsi %min3A_138, %select_n3A_148 : vector<16xi32>
        %get3A_150 = arith.constant 96 : index
        %get3A_151 = tpu.vector_load %arg6[%get3A_150] {strides = array<i32>} : memref<256xf32, #tpu.memory_space<vmem>>, vector<16xf32>,
        %eq3A_152 = arith.cmpf oeq, %get3A_151, %masked_cummax3A_85 : vector<16xf32>
        %add3A_153 = arith.constant 96 : i32
        %add3A_154 = arith.addi %mul3A_2, %add3A_153 : i32
        %add3A_155 = vector.broadcast %add3A_154 : i32 to vector<16xi32>
        %add3A_156 = arith.addi %iota3A, %add3A_155 : vector<16xi32>
        %jit3A_157 = arith.constant 1073741824 : i32
        %broadcast_in_dim3A_158 = vector.broadcast %jit3A_157 : i32 to vector<16xi32>
        %select_n3A_159 = arith.select %eq3A_152, %add3A_156, %broadcast_in_dim3A_158 : vector<16xi1>, vector<16xi32>
        %min3A_160 = arith.minsi %min3A_149, %select_n3A_159 : vector<16xi32>
        %get3A_161 = arith.constant 112 : index
        %get3A_162 = tpu.vector_load %arg6[%get3A_161] {strides = array<i32>} : memref<256xf32, #tpu.memory_space<vmem>>, vector<16xf32>,
        %eq3A_163 = arith.cmpf oeq, %get3A_162, %masked_cummax3A_85 : vector<16xf32>
        %add3A_164 = arith.constant 112 : i32
        %add3A_165 = arith.addi %mul3A_2, %add3A_164 : i32
        %add3A_166 = vector.broadcast %add3A_165 : i32 to vector<16xi32>
        %add3A_167 = arith.addi %iota3A, %add3A_166 : vector<16xi32>
        %jit3A_168 = arith.constant 1073741824 : i32
        %broadcast_in_dim3A_169 = vector.broadcast %jit3A_168 : i32 to vector<16xi32>
        %select_n3A_170 = arith.select %eq3A_163, %add3A_167, %broadcast_in_dim3A_169 : vector<16xi1>, vector<16xi32>
        %min3A_171 = arith.minsi %min3A_160, %select_n3A_170 : vector<16xi32>
        %get3A_172 = arith.constant 128 : index
        %get3A_173 = tpu.vector_load %arg6[%get3A_172] {strides = array<i32>} : memref<256xf32, #tpu.memory_space<vmem>>, vector<16xf32>,
        %eq3A_174 = arith.cmpf oeq, %get3A_173, %masked_cummax3A_85 : vector<16xf32>
        %add3A_175 = arith.constant 128 : i32
        %add3A_176 = arith.addi %mul3A_2, %add3A_175 : i32
        %add3A_177 = vector.broadcast %add3A_176 : i32 to vector<16xi32>
        %add3A_178 = arith.addi %iota3A, %add3A_177 : vector<16xi32>
        %jit3A_179 = arith.constant 1073741824 : i32
        %broadcast_in_dim3A_180 = vector.broadcast %jit3A_179 : i32 to vector<16xi32>
        %select_n3A_181 = arith.select %eq3A_174, %add3A_178, %broadcast_in_dim3A_180 : vector<16xi1>, vector<16xi32>
        %min3A_182 = arith.minsi %min3A_171, %select_n3A_181 : vector<16xi32>
        %get3A_183 = arith.constant 144 : index
        %get3A_184 = tpu.vector_load %arg6[%get3A_183] {strides = array<i32>} : memref<256xf32, #tpu.memory_space<vmem>>, vector<16xf32>,
        %eq3A_185 = arith.cmpf oeq, %get3A_184, %masked_cummax3A_85 : vector<16xf32>
        %add3A_186 = arith.constant 144 : i32
        %add3A_187 = arith.addi %mul3A_2, %add3A_186 : i32
        %add3A_188 = vector.broadcast %add3A_187 : i32 to vector<16xi32>
        %add3A_189 = arith.addi %iota3A, %add3A_188 : vector<16xi32>
        %jit3A_190 = arith.constant 1073741824 : i32
        %broadcast_in_dim3A_191 = vector.broadcast %jit3A_190 : i32 to vector<16xi32>
        %select_n3A_192 = arith.select %eq3A_185, %add3A_189, %broadcast_in_dim3A_191 : vector<16xi1>, vector<16xi32>
        %min3A_193 = arith.minsi %min3A_182, %select_n3A_192 : vector<16xi32>
        %get3A_194 = arith.constant 160 : index
        %get3A_195 = tpu.vector_load %arg6[%get3A_194] {strides = array<i32>} : memref<256xf32, #tpu.memory_space<vmem>>, vector<16xf32>,
        %eq3A_196 = arith.cmpf oeq, %get3A_195, %masked_cummax3A_85 : vector<16xf32>
        %add3A_197 = arith.constant 160 : i32
        %add3A_198 = arith.addi %mul3A_2, %add3A_197 : i32
        %add3A_199 = vector.broadcast %add3A_198 : i32 to vector<16xi32>
        %add3A_200 = arith.addi %iota3A, %add3A_199 : vector<16xi32>
        %jit3A_201 = arith.constant 1073741824 : i32
        %broadcast_in_dim3A_202 = vector.broadcast %jit3A_201 : i32 to vector<16xi32>
        %select_n3A_203 = arith.select %eq3A_196, %add3A_200, %broadcast_in_dim3A_202 : vector<16xi1>, vector<16xi32>
        %min3A_204 = arith.minsi %min3A_193, %select_n3A_203 : vector<16xi32>
        %get3A_205 = arith.constant 176 : index
        %get3A_206 = tpu.vector_load %arg6[%get3A_205] {strides = array<i32>} : memref<256xf32, #tpu.memory_space<vmem>>, vector<16xf32>,
        %eq3A_207 = arith.cmpf oeq, %get3A_206, %masked_cummax3A_85 : vector<16xf32>
        %add3A_208 = arith.constant 176 : i32
        %add3A_209 = arith.addi %mul3A_2, %add3A_208 : i32
        %add3A_210 = vector.broadcast %add3A_209 : i32 to vector<16xi32>
        %add3A_211 = arith.addi %iota3A, %add3A_210 : vector<16xi32>
        %jit3A_212 = arith.constant 1073741824 : i32
        %broadcast_in_dim3A_213 = vector.broadcast %jit3A_212 : i32 to vector<16xi32>
        %select_n3A_214 = arith.select %eq3A_207, %add3A_211, %broadcast_in_dim3A_213 : vector<16xi1>, vector<16xi32>
        %min3A_215 = arith.minsi %min3A_204, %select_n3A_214 : vector<16xi32>
        %get3A_216 = arith.constant 192 : index
        %get3A_217 = tpu.vector_load %arg6[%get3A_216] {strides = array<i32>} : memref<256xf32, #tpu.memory_space<vmem>>, vector<16xf32>,
        %eq3A_218 = arith.cmpf oeq, %get3A_217, %masked_cummax3A_85 : vector<16xf32>
        %add3A_219 = arith.constant 192 : i32
        %add3A_220 = arith.addi %mul3A_2, %add3A_219 : i32
        %add3A_221 = vector.broadcast %add3A_220 : i32 to vector<16xi32>
        %add3A_222 = arith.addi %iota3A, %add3A_221 : vector<16xi32>
        %jit3A_223 = arith.constant 1073741824 : i32
        %broadcast_in_dim3A_224 = vector.broadcast %jit3A_223 : i32 to vector<16xi32>
        %select_n3A_225 = arith.select %eq3A_218, %add3A_222, %broadcast_in_dim3A_224 : vector<16xi1>, vector<16xi32>
        %min3A_226 = arith.minsi %min3A_215, %select_n3A_225 : vector<16xi32>
        %get3A_227 = arith.constant 208 : index
        %get3A_228 = tpu.vector_load %arg6[%get3A_227] {strides = array<i32>} : memref<256xf32, #tpu.memory_space<vmem>>, vector<16xf32>,
        %eq3A_229 = arith.cmpf oeq, %get3A_228, %masked_cummax3A_85 : vector<16xf32>
        %add3A_230 = arith.constant 208 : i32
        %add3A_231 = arith.addi %mul3A_2, %add3A_230 : i32
        %add3A_232 = vector.broadcast %add3A_231 : i32 to vector<16xi32>
        %add3A_233 = arith.addi %iota3A, %add3A_232 : vector<16xi32>
        %jit3A_234 = arith.constant 1073741824 : i32
        %broadcast_in_dim3A_235 = vector.broadcast %jit3A_234 : i32 to vector<16xi32>
        %select_n3A_236 = arith.select %eq3A_229, %add3A_233, %broadcast_in_dim3A_235 : vector<16xi1>, vector<16xi32>
        %min3A_237 = arith.minsi %min3A_226, %select_n3A_236 : vector<16xi32>
        %get3A_238 = arith.constant 224 : index
        %get3A_239 = tpu.vector_load %arg6[%get3A_238] {strides = array<i32>} : memref<256xf32, #tpu.memory_space<vmem>>, vector<16xf32>,
        %eq3A_240 = arith.cmpf oeq, %get3A_239, %masked_cummax3A_85 : vector<16xf32>
        %add3A_241 = arith.constant 224 : i32
        %add3A_242 = arith.addi %mul3A_2, %add3A_241 : i32
        %add3A_243 = vector.broadcast %add3A_242 : i32 to vector<16xi32>
        %add3A_244 = arith.addi %iota3A, %add3A_243 : vector<16xi32>
        %jit3A_245 = arith.constant 1073741824 : i32
        %broadcast_in_dim3A_246 = vector.broadcast %jit3A_245 : i32 to vector<16xi32>
        %select_n3A_247 = arith.select %eq3A_240, %add3A_244, %broadcast_in_dim3A_246 : vector<16xi1>, vector<16xi32>
        %min3A_248 = arith.minsi %min3A_237, %select_n3A_247 : vector<16xi32>
        %get3A_249 = arith.constant 240 : index
        %get3A_250 = tpu.vector_load %arg6[%get3A_249] {strides = array<i32>} : memref<256xf32, #tpu.memory_space<vmem>>, vector<16xf32>,
        %eq3A_251 = arith.cmpf oeq, %get3A_250, %masked_cummax3A_85 : vector<16xf32>
        %add3A_252 = arith.constant 240 : i32
        %add3A_253 = arith.addi %mul3A_2, %add3A_252 : i32
        %add3A_254 = vector.broadcast %add3A_253 : i32 to vector<16xi32>
        %add3A_255 = arith.addi %iota3A, %add3A_254 : vector<16xi32>
        %jit3A_256 = arith.constant 1073741824 : i32
        %broadcast_in_dim3A_257 = vector.broadcast %jit3A_256 : i32 to vector<16xi32>
        %select_n3A_258 = arith.select %eq3A_251, %add3A_255, %broadcast_in_dim3A_257 : vector<16xi1>, vector<16xi32>
        %min3A_259 = arith.minsi %min3A_248, %select_n3A_258 : vector<16xi32>
        %neg3A = arith.constant 0 : i32
        %neg3A_260 = vector.broadcast %neg3A : i32 to vector<16xi32>
        %neg3A_261 = arith.subi %neg3A_260, %min3A_259 : vector<16xi32>
        %broadcast_in_dim3A_262 = arith.constant true
        %broadcast_in_dim3A_263 = vector.broadcast %broadcast_in_dim3A_262 : i1 to vector<16xi1>
        %masked_cummax3A_264 = arith.constant -2147483648 : i32
        %masked_cummax3A_265 = vector.broadcast %masked_cummax3A_264 : i32 to vector<16xi32>
        %masked_cummax3A_266 = arith.xori %neg3A_261, %masked_cummax3A_265 : vector<16xi32>
        %masked_cummax3A_267 = tpu.scan <max>, %masked_cummax3A_266 masked %broadcast_in_dim3A_263 : vector<16xi32>, vector<16xi1> -> vector<16xi32>
        %masked_cummax3A_268 = arith.xori %masked_cummax3A_267, %masked_cummax3A_265 : vector<16xi32>
        %rev3A_269 = arith.constant 15 : i32
        %rev3A_270 = vector.broadcast %rev3A_269 : i32 to vector<16xi32>
        %rev3A_271 = tpu.iota {dimensions = array<i32: 0>} : vector<16xi32>
        %rev3A_272 = arith.subi %rev3A_270, %rev3A_271 : vector<16xi32>
        %rev3A_273 = tpu.dynamic_gather %masked_cummax3A_268[%rev3A_272] in [0] : vector<16xi32>, vector<16xi32> -> vector<16xi32>
        %broadcast_in_dim3A_274 = arith.constant true
        %broadcast_in_dim3A_275 = vector.broadcast %broadcast_in_dim3A_274 : i1 to vector<16xi1>
        %masked_cummax3A_276 = arith.constant -2147483648 : i32
        %masked_cummax3A_277 = vector.broadcast %masked_cummax3A_276 : i32 to vector<16xi32>
        %masked_cummax3A_278 = arith.xori %rev3A_273, %masked_cummax3A_277 : vector<16xi32>
        %masked_cummax3A_279 = tpu.scan <max>, %masked_cummax3A_278 masked %broadcast_in_dim3A_275 : vector<16xi32>, vector<16xi1> -> vector<16xi32>
        %masked_cummax3A_280 = arith.xori %masked_cummax3A_279, %masked_cummax3A_277 : vector<16xi32>
        %neg3A_281 = arith.constant 0 : i32
        %neg3A_282 = vector.broadcast %neg3A_281 : i32 to vector<16xi32>
        %neg3A_283 = arith.subi %neg3A_282, %masked_cummax3A_280 : vector<16xi32>
        %get3A_284 = arith.constant 0 : index
        %get3A_285 = tpu.vector_load %arg6[%get3A_284] {strides = array<i32>} : memref<256xf32, #tpu.memory_space<vmem>>, vector<16xf32>,
        %add3A_286 = arith.constant 0 : i32
        %add3A_287 = arith.addi %mul3A_2, %add3A_286 : i32
        %add3A_288 = vector.broadcast %add3A_287 : i32 to vector<16xi32>
        %add3A_289 = arith.addi %iota3A, %add3A_288 : vector<16xi32>
        %eq3A_290 = arith.cmpi eq, %add3A_289, %neg3A_283 : vector<16xi32>
        %jit3A_291 = arith.constant -3.000000e+38 : f32
        %broadcast_in_dim3A_292 = vector.broadcast %jit3A_291 : f32 to vector<16xf32>
        %select_n3A_293 = arith.select %eq3A_290, %broadcast_in_dim3A_292, %get3A_285 : vector<16xi1>, vector<16xf32>
        %swap3A_294 = arith.constant 0 : index
        %swap3A_295 = tpu.vector_load %arg6[%swap3A_294] {strides = array<i32>} : memref<256xf32, #tpu.memory_space<vmem>>, vector<16xf32>,
        tpu.vector_store %arg6[%swap3A_294], %select_n3A_293 {strides = array<i32>} : memref<256xf32, #tpu.memory_space<vmem>>, vector<16xf32>,
        %get3A_296 = arith.constant 16 : index
        %get3A_297 = tpu.vector_load %arg6[%get3A_296] {strides = array<i32>} : memref<256xf32, #tpu.memory_space<vmem>>, vector<16xf32>,
        %add3A_298 = arith.constant 16 : i32
        %add3A_299 = arith.addi %mul3A_2, %add3A_298 : i32
        %add3A_300 = vector.broadcast %add3A_299 : i32 to vector<16xi32>
        %add3A_301 = arith.addi %iota3A, %add3A_300 : vector<16xi32>
        %eq3A_302 = arith.cmpi eq, %add3A_301, %neg3A_283 : vector<16xi32>
        %jit3A_303 = arith.constant -3.000000e+38 : f32
        %broadcast_in_dim3A_304 = vector.broadcast %jit3A_303 : f32 to vector<16xf32>
        %select_n3A_305 = arith.select %eq3A_302, %broadcast_in_dim3A_304, %get3A_297 : vector<16xi1>, vector<16xf32>
        %swap3A_306 = arith.constant 16 : index
        %swap3A_307 = tpu.vector_load %arg6[%swap3A_306] {strides = array<i32>} : memref<256xf32, #tpu.memory_space<vmem>>, vector<16xf32>,
        tpu.vector_store %arg6[%swap3A_306], %select_n3A_305 {strides = array<i32>} : memref<256xf32, #tpu.memory_space<vmem>>, vector<16xf32>,
        %get3A_308 = arith.constant 32 : index
        %get3A_309 = tpu.vector_load %arg6[%get3A_308] {strides = array<i32>} : memref<256xf32, #tpu.memory_space<vmem>>, vector<16xf32>,
        %add3A_310 = arith.constant 32 : i32
        %add3A_311 = arith.addi %mul3A_2, %add3A_310 : i32
        %add3A_312 = vector.broadcast %add3A_311 : i32 to vector<16xi32>
        %add3A_313 = arith.addi %iota3A, %add3A_312 : vector<16xi32>
        %eq3A_314 = arith.cmpi eq, %add3A_313, %neg3A_283 : vector<16xi32>
        %jit3A_315 = arith.constant -3.000000e+38 : f32
        %broadcast_in_dim3A_316 = vector.broadcast %jit3A_315 : f32 to vector<16xf32>
        %select_n3A_317 = arith.select %eq3A_314, %broadcast_in_dim3A_316, %get3A_309 : vector<16xi1>, vector<16xf32>
        %swap3A_318 = arith.constant 32 : index
        %swap3A_319 = tpu.vector_load %arg6[%swap3A_318] {strides = array<i32>} : memref<256xf32, #tpu.memory_space<vmem>>, vector<16xf32>,
        tpu.vector_store %arg6[%swap3A_318], %select_n3A_317 {strides = array<i32>} : memref<256xf32, #tpu.memory_space<vmem>>, vector<16xf32>,
        %get3A_320 = arith.constant 48 : index
        %get3A_321 = tpu.vector_load %arg6[%get3A_320] {strides = array<i32>} : memref<256xf32, #tpu.memory_space<vmem>>, vector<16xf32>,
        %add3A_322 = arith.constant 48 : i32
        %add3A_323 = arith.addi %mul3A_2, %add3A_322 : i32
        %add3A_324 = vector.broadcast %add3A_323 : i32 to vector<16xi32>
        %add3A_325 = arith.addi %iota3A, %add3A_324 : vector<16xi32>
        %eq3A_326 = arith.cmpi eq, %add3A_325, %neg3A_283 : vector<16xi32>
        %jit3A_327 = arith.constant -3.000000e+38 : f32
        %broadcast_in_dim3A_328 = vector.broadcast %jit3A_327 : f32 to vector<16xf32>
        %select_n3A_329 = arith.select %eq3A_326, %broadcast_in_dim3A_328, %get3A_321 : vector<16xi1>, vector<16xf32>
        %swap3A_330 = arith.constant 48 : index
        %swap3A_331 = tpu.vector_load %arg6[%swap3A_330] {strides = array<i32>} : memref<256xf32, #tpu.memory_space<vmem>>, vector<16xf32>,
        tpu.vector_store %arg6[%swap3A_330], %select_n3A_329 {strides = array<i32>} : memref<256xf32, #tpu.memory_space<vmem>>, vector<16xf32>,
        %get3A_332 = arith.constant 64 : index
        %get3A_333 = tpu.vector_load %arg6[%get3A_332] {strides = array<i32>} : memref<256xf32, #tpu.memory_space<vmem>>, vector<16xf32>,
        %add3A_334 = arith.constant 64 : i32
        %add3A_335 = arith.addi %mul3A_2, %add3A_334 : i32
        %add3A_336 = vector.broadcast %add3A_335 : i32 to vector<16xi32>
        %add3A_337 = arith.addi %iota3A, %add3A_336 : vector<16xi32>
        %eq3A_338 = arith.cmpi eq, %add3A_337, %neg3A_283 : vector<16xi32>
        %jit3A_339 = arith.constant -3.000000e+38 : f32
        %broadcast_in_dim3A_340 = vector.broadcast %jit3A_339 : f32 to vector<16xf32>
        %select_n3A_341 = arith.select %eq3A_338, %broadcast_in_dim3A_340, %get3A_333 : vector<16xi1>, vector<16xf32>
        %swap3A_342 = arith.constant 64 : index
        %swap3A_343 = tpu.vector_load %arg6[%swap3A_342] {strides = array<i32>} : memref<256xf32, #tpu.memory_space<vmem>>, vector<16xf32>,
        tpu.vector_store %arg6[%swap3A_342], %select_n3A_341 {strides = array<i32>} : memref<256xf32, #tpu.memory_space<vmem>>, vector<16xf32>,
        %get3A_344 = arith.constant 80 : index
        %get3A_345 = tpu.vector_load %arg6[%get3A_344] {strides = array<i32>} : memref<256xf32, #tpu.memory_space<vmem>>, vector<16xf32>,
        %add3A_346 = arith.constant 80 : i32
        %add3A_347 = arith.addi %mul3A_2, %add3A_346 : i32
        %add3A_348 = vector.broadcast %add3A_347 : i32 to vector<16xi32>
        %add3A_349 = arith.addi %iota3A, %add3A_348 : vector<16xi32>
        %eq3A_350 = arith.cmpi eq, %add3A_349, %neg3A_283 : vector<16xi32>
        %jit3A_351 = arith.constant -3.000000e+38 : f32
        %broadcast_in_dim3A_352 = vector.broadcast %jit3A_351 : f32 to vector<16xf32>
        %select_n3A_353 = arith.select %eq3A_350, %broadcast_in_dim3A_352, %get3A_345 : vector<16xi1>, vector<16xf32>
        %swap3A_354 = arith.constant 80 : index
        %swap3A_355 = tpu.vector_load %arg6[%swap3A_354] {strides = array<i32>} : memref<256xf32, #tpu.memory_space<vmem>>, vector<16xf32>,
        tpu.vector_store %arg6[%swap3A_354], %select_n3A_353 {strides = array<i32>} : memref<256xf32, #tpu.memory_space<vmem>>, vector<16xf32>,
        %get3A_356 = arith.constant 96 : index
        %get3A_357 = tpu.vector_load %arg6[%get3A_356] {strides = array<i32>} : memref<256xf32, #tpu.memory_space<vmem>>, vector<16xf32>,
        %add3A_358 = arith.constant 96 : i32
        %add3A_359 = arith.addi %mul3A_2, %add3A_358 : i32
        %add3A_360 = vector.broadcast %add3A_359 : i32 to vector<16xi32>
        %add3A_361 = arith.addi %iota3A, %add3A_360 : vector<16xi32>
        %eq3A_362 = arith.cmpi eq, %add3A_361, %neg3A_283 : vector<16xi32>
        %jit3A_363 = arith.constant -3.000000e+38 : f32
        %broadcast_in_dim3A_364 = vector.broadcast %jit3A_363 : f32 to vector<16xf32>
        %select_n3A_365 = arith.select %eq3A_362, %broadcast_in_dim3A_364, %get3A_357 : vector<16xi1>, vector<16xf32>
        %swap3A_366 = arith.constant 96 : index
        %swap3A_367 = tpu.vector_load %arg6[%swap3A_366] {strides = array<i32>} : memref<256xf32, #tpu.memory_space<vmem>>, vector<16xf32>,
        tpu.vector_store %arg6[%swap3A_366], %select_n3A_365 {strides = array<i32>} : memref<256xf32, #tpu.memory_space<vmem>>, vector<16xf32>,
        %get3A_368 = arith.constant 112 : index
        %get3A_369 = tpu.vector_load %arg6[%get3A_368] {strides = array<i32>} : memref<256xf32, #tpu.memory_space<vmem>>, vector<16xf32>,
        %add3A_370 = arith.constant 112 : i32
        %add3A_371 = arith.addi %mul3A_2, %add3A_370 : i32
        %add3A_372 = vector.broadcast %add3A_371 : i32 to vector<16xi32>
        %add3A_373 = arith.addi %iota3A, %add3A_372 : vector<16xi32>
        %eq3A_374 = arith.cmpi eq, %add3A_373, %neg3A_283 : vector<16xi32>
        %jit3A_375 = arith.constant -3.000000e+38 : f32
        %broadcast_in_dim3A_376 = vector.broadcast %jit3A_375 : f32 to vector<16xf32>
        %select_n3A_377 = arith.select %eq3A_374, %broadcast_in_dim3A_376, %get3A_369 : vector<16xi1>, vector<16xf32>
        %swap3A_378 = arith.constant 112 : index
        %swap3A_379 = tpu.vector_load %arg6[%swap3A_378] {strides = array<i32>} : memref<256xf32, #tpu.memory_space<vmem>>, vector<16xf32>,
        tpu.vector_store %arg6[%swap3A_378], %select_n3A_377 {strides = array<i32>} : memref<256xf32, #tpu.memory_space<vmem>>, vector<16xf32>,
        %get3A_380 = arith.constant 128 : index
        %get3A_381 = tpu.vector_load %arg6[%get3A_380] {strides = array<i32>} : memref<256xf32, #tpu.memory_space<vmem>>, vector<16xf32>,
        %add3A_382 = arith.constant 128 : i32
        %add3A_383 = arith.addi %mul3A_2, %add3A_382 : i32
        %add3A_384 = vector.broadcast %add3A_383 : i32 to vector<16xi32>
        %add3A_385 = arith.addi %iota3A, %add3A_384 : vector<16xi32>
        %eq3A_386 = arith.cmpi eq, %add3A_385, %neg3A_283 : vector<16xi32>
        %jit3A_387 = arith.constant -3.000000e+38 : f32
        %broadcast_in_dim3A_388 = vector.broadcast %jit3A_387 : f32 to vector<16xf32>
        %select_n3A_389 = arith.select %eq3A_386, %broadcast_in_dim3A_388, %get3A_381 : vector<16xi1>, vector<16xf32>
        %swap3A_390 = arith.constant 128 : index
        %swap3A_391 = tpu.vector_load %arg6[%swap3A_390] {strides = array<i32>} : memref<256xf32, #tpu.memory_space<vmem>>, vector<16xf32>,
        tpu.vector_store %arg6[%swap3A_390], %select_n3A_389 {strides = array<i32>} : memref<256xf32, #tpu.memory_space<vmem>>, vector<16xf32>,
        %get3A_392 = arith.constant 144 : index
        %get3A_393 = tpu.vector_load %arg6[%get3A_392] {strides = array<i32>} : memref<256xf32, #tpu.memory_space<vmem>>, vector<16xf32>,
        %add3A_394 = arith.constant 144 : i32
        %add3A_395 = arith.addi %mul3A_2, %add3A_394 : i32
        %add3A_396 = vector.broadcast %add3A_395 : i32 to vector<16xi32>
        %add3A_397 = arith.addi %iota3A, %add3A_396 : vector<16xi32>
        %eq3A_398 = arith.cmpi eq, %add3A_397, %neg3A_283 : vector<16xi32>
        %jit3A_399 = arith.constant -3.000000e+38 : f32
        %broadcast_in_dim3A_400 = vector.broadcast %jit3A_399 : f32 to vector<16xf32>
        %select_n3A_401 = arith.select %eq3A_398, %broadcast_in_dim3A_400, %get3A_393 : vector<16xi1>, vector<16xf32>
        %swap3A_402 = arith.constant 144 : index
        %swap3A_403 = tpu.vector_load %arg6[%swap3A_402] {strides = array<i32>} : memref<256xf32, #tpu.memory_space<vmem>>, vector<16xf32>,
        tpu.vector_store %arg6[%swap3A_402], %select_n3A_401 {strides = array<i32>} : memref<256xf32, #tpu.memory_space<vmem>>, vector<16xf32>,
        %get3A_404 = arith.constant 160 : index
        %get3A_405 = tpu.vector_load %arg6[%get3A_404] {strides = array<i32>} : memref<256xf32, #tpu.memory_space<vmem>>, vector<16xf32>,
        %add3A_406 = arith.constant 160 : i32
        %add3A_407 = arith.addi %mul3A_2, %add3A_406 : i32
        %add3A_408 = vector.broadcast %add3A_407 : i32 to vector<16xi32>
        %add3A_409 = arith.addi %iota3A, %add3A_408 : vector<16xi32>
        %eq3A_410 = arith.cmpi eq, %add3A_409, %neg3A_283 : vector<16xi32>
        %jit3A_411 = arith.constant -3.000000e+38 : f32
        %broadcast_in_dim3A_412 = vector.broadcast %jit3A_411 : f32 to vector<16xf32>
        %select_n3A_413 = arith.select %eq3A_410, %broadcast_in_dim3A_412, %get3A_405 : vector<16xi1>, vector<16xf32>
        %swap3A_414 = arith.constant 160 : index
        %swap3A_415 = tpu.vector_load %arg6[%swap3A_414] {strides = array<i32>} : memref<256xf32, #tpu.memory_space<vmem>>, vector<16xf32>,
        tpu.vector_store %arg6[%swap3A_414], %select_n3A_413 {strides = array<i32>} : memref<256xf32, #tpu.memory_space<vmem>>, vector<16xf32>,
        %get3A_416 = arith.constant 176 : index
        %get3A_417 = tpu.vector_load %arg6[%get3A_416] {strides = array<i32>} : memref<256xf32, #tpu.memory_space<vmem>>, vector<16xf32>,
        %add3A_418 = arith.constant 176 : i32
        %add3A_419 = arith.addi %mul3A_2, %add3A_418 : i32
        %add3A_420 = vector.broadcast %add3A_419 : i32 to vector<16xi32>
        %add3A_421 = arith.addi %iota3A, %add3A_420 : vector<16xi32>
        %eq3A_422 = arith.cmpi eq, %add3A_421, %neg3A_283 : vector<16xi32>
        %jit3A_423 = arith.constant -3.000000e+38 : f32
        %broadcast_in_dim3A_424 = vector.broadcast %jit3A_423 : f32 to vector<16xf32>
        %select_n3A_425 = arith.select %eq3A_422, %broadcast_in_dim3A_424, %get3A_417 : vector<16xi1>, vector<16xf32>
        %swap3A_426 = arith.constant 176 : index
        %swap3A_427 = tpu.vector_load %arg6[%swap3A_426] {strides = array<i32>} : memref<256xf32, #tpu.memory_space<vmem>>, vector<16xf32>,
        tpu.vector_store %arg6[%swap3A_426], %select_n3A_425 {strides = array<i32>} : memref<256xf32, #tpu.memory_space<vmem>>, vector<16xf32>,
        %get3A_428 = arith.constant 192 : index
        %get3A_429 = tpu.vector_load %arg6[%get3A_428] {strides = array<i32>} : memref<256xf32, #tpu.memory_space<vmem>>, vector<16xf32>,
        %add3A_430 = arith.constant 192 : i32
        %add3A_431 = arith.addi %mul3A_2, %add3A_430 : i32
        %add3A_432 = vector.broadcast %add3A_431 : i32 to vector<16xi32>
        %add3A_433 = arith.addi %iota3A, %add3A_432 : vector<16xi32>
        %eq3A_434 = arith.cmpi eq, %add3A_433, %neg3A_283 : vector<16xi32>
        %jit3A_435 = arith.constant -3.000000e+38 : f32
        %broadcast_in_dim3A_436 = vector.broadcast %jit3A_435 : f32 to vector<16xf32>
        %select_n3A_437 = arith.select %eq3A_434, %broadcast_in_dim3A_436, %get3A_429 : vector<16xi1>, vector<16xf32>
        %swap3A_438 = arith.constant 192 : index
        %swap3A_439 = tpu.vector_load %arg6[%swap3A_438] {strides = array<i32>} : memref<256xf32, #tpu.memory_space<vmem>>, vector<16xf32>,
        tpu.vector_store %arg6[%swap3A_438], %select_n3A_437 {strides = array<i32>} : memref<256xf32, #tpu.memory_space<vmem>>, vector<16xf32>,
        %get3A_440 = arith.constant 208 : index
        %get3A_441 = tpu.vector_load %arg6[%get3A_440] {strides = array<i32>} : memref<256xf32, #tpu.memory_space<vmem>>, vector<16xf32>,
        %add3A_442 = arith.constant 208 : i32
        %add3A_443 = arith.addi %mul3A_2, %add3A_442 : i32
        %add3A_444 = vector.broadcast %add3A_443 : i32 to vector<16xi32>
        %add3A_445 = arith.addi %iota3A, %add3A_444 : vector<16xi32>
        %eq3A_446 = arith.cmpi eq, %add3A_445, %neg3A_283 : vector<16xi32>
        %jit3A_447 = arith.constant -3.000000e+38 : f32
        %broadcast_in_dim3A_448 = vector.broadcast %jit3A_447 : f32 to vector<16xf32>
        %select_n3A_449 = arith.select %eq3A_446, %broadcast_in_dim3A_448, %get3A_441 : vector<16xi1>, vector<16xf32>
        %swap3A_450 = arith.constant 208 : index
        %swap3A_451 = tpu.vector_load %arg6[%swap3A_450] {strides = array<i32>} : memref<256xf32, #tpu.memory_space<vmem>>, vector<16xf32>,
        tpu.vector_store %arg6[%swap3A_450], %select_n3A_449 {strides = array<i32>} : memref<256xf32, #tpu.memory_space<vmem>>, vector<16xf32>,
        %get3A_452 = arith.constant 224 : index
        %get3A_453 = tpu.vector_load %arg6[%get3A_452] {strides = array<i32>} : memref<256xf32, #tpu.memory_space<vmem>>, vector<16xf32>,
        %add3A_454 = arith.constant 224 : i32
        %add3A_455 = arith.addi %mul3A_2, %add3A_454 : i32
        %add3A_456 = vector.broadcast %add3A_455 : i32 to vector<16xi32>
        %add3A_457 = arith.addi %iota3A, %add3A_456 : vector<16xi32>
        %eq3A_458 = arith.cmpi eq, %add3A_457, %neg3A_283 : vector<16xi32>
        %jit3A_459 = arith.constant -3.000000e+38 : f32
        %broadcast_in_dim3A_460 = vector.broadcast %jit3A_459 : f32 to vector<16xf32>
        %select_n3A_461 = arith.select %eq3A_458, %broadcast_in_dim3A_460, %get3A_453 : vector<16xi1>, vector<16xf32>
        %swap3A_462 = arith.constant 224 : index
        %swap3A_463 = tpu.vector_load %arg6[%swap3A_462] {strides = array<i32>} : memref<256xf32, #tpu.memory_space<vmem>>, vector<16xf32>,
        tpu.vector_store %arg6[%swap3A_462], %select_n3A_461 {strides = array<i32>} : memref<256xf32, #tpu.memory_space<vmem>>, vector<16xf32>,
        %get3A_464 = arith.constant 240 : index
        %get3A_465 = tpu.vector_load %arg6[%get3A_464] {strides = array<i32>} : memref<256xf32, #tpu.memory_space<vmem>>, vector<16xf32>,
        %add3A_466 = arith.constant 240 : i32
        %add3A_467 = arith.addi %mul3A_2, %add3A_466 : i32
        %add3A_468 = vector.broadcast %add3A_467 : i32 to vector<16xi32>
        %add3A_469 = arith.addi %iota3A, %add3A_468 : vector<16xi32>
        %eq3A_470 = arith.cmpi eq, %add3A_469, %neg3A_283 : vector<16xi32>
        %jit3A_471 = arith.constant -3.000000e+38 : f32
        %broadcast_in_dim3A_472 = vector.broadcast %jit3A_471 : f32 to vector<16xf32>
        %select_n3A_473 = arith.select %eq3A_470, %broadcast_in_dim3A_472, %get3A_465 : vector<16xi1>, vector<16xf32>
        %swap3A_474 = arith.constant 240 : index
        %swap3A_475 = tpu.vector_load %arg6[%swap3A_474] {strides = array<i32>} : memref<256xf32, #tpu.memory_space<vmem>>, vector<16xf32>,
        tpu.vector_store %arg6[%swap3A_474], %select_n3A_473 {strides = array<i32>} : memref<256xf32, #tpu.memory_space<vmem>>, vector<16xf32>,
        %jit3A_476 = arith.constant 16 : i32
        %eq3A_477 = arith.constant 0 : i32
        %eq3A_478 = arith.cmpi eq, %jit3A_476, %eq3A_477 : i32
        %jit3A_479 = arith.constant 1 : i32
        %select_n3A_480 = arith.select %eq3A_478, %jit3A_479, %jit3A_476 : i32
        %rem3A = arith.remsi %scan3A_27, %select_n3A_480 : i32
        %ne3A = arith.constant 0 : i32
        %ne3A_481 = arith.cmpi ne, %rem3A, %ne3A : i32
        %lt3A = arith.constant 0 : i32
        %lt3A_482 = arith.cmpi slt, %rem3A, %lt3A : i32
        %lt3A_483 = arith.constant 0 : i32
        %lt3A_484 = arith.cmpi slt, %select_n3A_480, %lt3A_483 : i32
        %ne3A_485 = arith.xori %lt3A_482, %lt3A_484 : i1
        %and3A = arith.andi %ne3A_485, %ne3A_481 : i1
        %add3A_486 = arith.addi %rem3A, %select_n3A_480 : i32
        %select_n3A_487 = arith.select %and3A, %add3A_486, %rem3A : i32
        %eq3A_488 = vector.broadcast %select_n3A_487 : i32 to vector<16xi32>
        %eq3A_489 = arith.cmpi eq, %iota3A, %eq3A_488 : vector<16xi32>
        %lt3A_490 = arith.constant 16 : i32
        %lt3A_491 = arith.cmpi slt, %scan3A_27, %lt3A_490 : i32
        %and3A_492 = vector.broadcast %lt3A_491 : i1 to vector<16xi1>
        %and3A_493 = arith.andi %eq3A_489, %and3A_492 : vector<16xi1>
        %jit3A_494 = arith.constant 16 : i32
        %eq3A_495 = arith.constant 0 : i32
        %eq3A_496 = arith.cmpi eq, %jit3A_494, %eq3A_495 : i32
        %jit3A_497 = arith.constant 1 : i32
        %select_n3A_498 = arith.select %eq3A_496, %jit3A_497, %jit3A_494 : i32
        %rem3A_499 = arith.remsi %scan3A_27, %select_n3A_498 : i32
        %ne3A_500 = arith.constant 0 : i32
        %ne3A_501 = arith.cmpi ne, %rem3A_499, %ne3A_500 : i32
        %lt3A_502 = arith.constant 0 : i32
        %lt3A_503 = arith.cmpi slt, %rem3A_499, %lt3A_502 : i32
        %lt3A_504 = arith.constant 0 : i32
        %lt3A_505 = arith.cmpi slt, %select_n3A_498, %lt3A_504 : i32
        %ne3A_506 = arith.xori %lt3A_503, %lt3A_505 : i1
        %and3A_507 = arith.andi %ne3A_506, %ne3A_501 : i1
        %add3A_508 = arith.addi %rem3A_499, %select_n3A_498 : i32
        %select_n3A_509 = arith.select %and3A_507, %add3A_508, %rem3A_499 : i32
        %eq3A_510 = vector.broadcast %select_n3A_509 : i32 to vector<16xi32>
        %eq3A_511 = arith.cmpi eq, %iota3A, %eq3A_510 : vector<16xi32>
        %ge3A = arith.constant 16 : i32
        %ge3A_512 = arith.cmpi sge, %scan3A_27, %ge3A : i32
        %and3A_513 = vector.broadcast %ge3A_512 : i1 to vector<16xi1>
        %and3A_514 = arith.andi %eq3A_511, %and3A_513 : vector<16xi1>
        %select_n3A_515 = arith.select %and3A_493, %masked_cummax3A_85, %scan3A_28 : vector<16xi1>, vector<16xf32>
        %select_n3A_516 = arith.select %and3A_514, %masked_cummax3A_85, %scan3A_29 : vector<16xi1>, vector<16xf32>
        %select_n3A_517 = arith.select %and3A_493, %neg3A_283, %scan3A_30 : vector<16xi1>, vector<16xi32>
        %select_n3A_518 = arith.select %and3A_514, %neg3A_283, %scan3A_31 : vector<16xi1>, vector<16xi32>
        scf.yield %select_n3A_515, %select_n3A_516, %select_n3A_517, %select_n3A_518 : vector<16xf32>, vector<16xf32>, vector<16xi32>, vector<16xi32>
      }
      %scan3A_10 = arith.constant 32 : i32
      %swap3A = arith.constant 0 : index
      %swap3A_11 = tpu.vector_load %arg7[%swap3A] {strides = array<i32>} : memref<32xf32, #tpu.memory_space<vmem>>, vector<16xf32>,
      tpu.vector_store %arg7[%swap3A], %scan3A_9#0 {strides = array<i32>} : memref<32xf32, #tpu.memory_space<vmem>>, vector<16xf32>,
      %swap3A_12 = arith.constant 16 : index
      %swap3A_13 = tpu.vector_load %arg7[%swap3A_12] {strides = array<i32>} : memref<32xf32, #tpu.memory_space<vmem>>, vector<16xf32>,
      tpu.vector_store %arg7[%swap3A_12], %scan3A_9#1 {strides = array<i32>} : memref<32xf32, #tpu.memory_space<vmem>>, vector<16xf32>,
      %swap3A_14 = arith.constant 0 : index
      %swap3A_15 = tpu.vector_load %arg8[%swap3A_14] {strides = array<i32>} : memref<32xi32, #tpu.memory_space<vmem>>, vector<16xi32>,
      tpu.vector_store %arg8[%swap3A_14], %scan3A_9#2 {strides = array<i32>} : memref<32xi32, #tpu.memory_space<vmem>>, vector<16xi32>,
      %swap3A_16 = arith.constant 16 : index
      %swap3A_17 = tpu.vector_load %arg8[%swap3A_16] {strides = array<i32>} : memref<32xi32, #tpu.memory_space<vmem>>, vector<16xi32>,
      tpu.vector_store %arg8[%swap3A_16], %scan3A_9#3 {strides = array<i32>} : memref<32xi32, #tpu.memory_space<vmem>>, vector<16xi32>,
      %mul3A_18 = arith.constant 32 : i32
      %mul3A_19 = arith.muli %arg1, %mul3A_18 : i32
      "tpu.region"() ({
        %run_scoped3A = tpu.sem_alloc : memref<!tpu.dma_semaphore, #tpu.memory_space<semaphore_mem>>
        %dma_start3A = tpu.memref_slice %arg4[%mul3A_19] : memref<512xf32, #tpu.memory_space<hbm>> -> memref<32xf32, #tpu.memory_space<hbm>>
        %dma_start3A_27 = tpu.memref_slice %arg4[%mul3A_19] : memref<512xf32, #tpu.memory_space<hbm>> -> memref<32xf32, #tpu.memory_space<hbm>>
        tpu.enqueue_dma source(%arg7 : memref<32xf32, #tpu.memory_space<vmem>>) target(%dma_start3A_27 : memref<32xf32, #tpu.memory_space<hbm>>) target_semaphore(%run_scoped3A : memref<!tpu.dma_semaphore, #tpu.memory_space<semaphore_mem>>)
        %dma_wait3A = tpu.memref_slice %arg4[%mul3A_19] : memref<512xf32, #tpu.memory_space<hbm>> -> memref<32xf32, #tpu.memory_space<hbm>>
        %dma_wait3A_28 = tpu.memref_slice %arg4[%mul3A_19] : memref<512xf32, #tpu.memory_space<hbm>> -> memref<32xf32, #tpu.memory_space<hbm>>
        tpu.wait_dma2 semaphore(%run_scoped3A : memref<!tpu.dma_semaphore, #tpu.memory_space<semaphore_mem>>) src(%arg7 : memref<32xf32, #tpu.memory_space<vmem>>) dst(%dma_wait3A_28 : memref<32xf32, #tpu.memory_space<hbm>>)
        tpu.yield
      }) : () -> ()
      %mul3A_20 = arith.constant 32 : i32
      %mul3A_21 = arith.muli %arg1, %mul3A_20 : i32
      "tpu.region"() ({
        %run_scoped3A = tpu.sem_alloc : memref<!tpu.dma_semaphore, #tpu.memory_space<semaphore_mem>>
        %dma_start3A = tpu.memref_slice %arg5[%mul3A_21] : memref<512xi32, #tpu.memory_space<hbm>> -> memref<32xi32, #tpu.memory_space<hbm>>
        %dma_start3A_27 = tpu.memref_slice %arg5[%mul3A_21] : memref<512xi32, #tpu.memory_space<hbm>> -> memref<32xi32, #tpu.memory_space<hbm>>
        tpu.enqueue_dma source(%arg8 : memref<32xi32, #tpu.memory_space<vmem>>) target(%dma_start3A_27 : memref<32xi32, #tpu.memory_space<hbm>>) target_semaphore(%run_scoped3A : memref<!tpu.dma_semaphore, #tpu.memory_space<semaphore_mem>>)
        %dma_wait3A = tpu.memref_slice %arg5[%mul3A_21] : memref<512xi32, #tpu.memory_space<hbm>> -> memref<32xi32, #tpu.memory_space<hbm>>
        %dma_wait3A_28 = tpu.memref_slice %arg5[%mul3A_21] : memref<512xi32, #tpu.memory_space<hbm>> -> memref<32xi32, #tpu.memory_space<hbm>>
        tpu.wait_dma2 semaphore(%run_scoped3A : memref<!tpu.dma_semaphore, #tpu.memory_space<semaphore_mem>>) src(%arg8 : memref<32xi32, #tpu.memory_space<vmem>>) dst(%dma_wait3A_28 : memref<32xi32, #tpu.memory_space<hbm>>)
        tpu.yield
      }) : () -> ()
      %barrier3A = arith.constant 0 : index
      tpu.barrier barrier_id(%barrier3A)
      %eq3A_22 = arith.constant 0 : i32
      %eq3A_23 = arith.cmpi eq, %arg1, %eq3A_22 : i32
      %convert_element_type3A_24 = arith.extui %eq3A_23 : i1 to i32
      %cond3A_25 = arith.constant 0 : i32
      %cond3A_26 = arith.cmpi ne, %convert_element_type3A_24, %cond3A_25 : i32
      scf.if %cond3A_26 {
        "tpu.region"() ({
          %run_scoped3A = tpu.sem_alloc : memref<!tpu.dma_semaphore, #tpu.memory_space<semaphore_mem>>
          tpu.enqueue_dma source(%arg4 : memref<512xf32, #tpu.memory_space<hbm>>) target(%arg9 : memref<512xf32, #tpu.memory_space<vmem>>) target_semaphore(%run_scoped3A : memref<!tpu.dma_semaphore, #tpu.memory_space<semaphore_mem>>)
          tpu.wait_dma2 semaphore(%run_scoped3A : memref<!tpu.dma_semaphore, #tpu.memory_space<semaphore_mem>>) src(%arg4 : memref<512xf32, #tpu.memory_space<hbm>>) dst(%arg9 : memref<512xf32, #tpu.memory_space<vmem>>)
          tpu.yield
        }) : () -> ()
        "tpu.region"() ({
          %run_scoped3A = tpu.sem_alloc : memref<!tpu.dma_semaphore, #tpu.memory_space<semaphore_mem>>
          tpu.enqueue_dma source(%arg5 : memref<512xi32, #tpu.memory_space<hbm>>) target(%arg10 : memref<512xi32, #tpu.memory_space<vmem>>) target_semaphore(%run_scoped3A : memref<!tpu.dma_semaphore, #tpu.memory_space<semaphore_mem>>)
          tpu.wait_dma2 semaphore(%run_scoped3A : memref<!tpu.dma_semaphore, #tpu.memory_space<semaphore_mem>>) src(%arg5 : memref<512xi32, #tpu.memory_space<hbm>>) dst(%arg10 : memref<512xi32, #tpu.memory_space<vmem>>)
          tpu.yield
        }) : () -> ()
        %scan3A_27 = arith.constant 0 : i32
        %scan3A_28 = arith.constant 32 : i32
        %scan3A_29 = arith.addi %scan3A_27, %scan3A_28 : i32
        %scan3A_30 = arith.constant 1 : i32
        %scan3A_31:4 = scf.for %scan3A_37 = %scan3A_27 to %scan3A_29 step %scan3A_30 iter_args(%scan3A_38 = %broadcast_in_dim3A_3, %scan3A_39 = %broadcast_in_dim3A_3, %scan3A_40 = %broadcast_in_dim3A_5, %scan3A_41 = %broadcast_in_dim3A_5) -> (vector<16xf32>, vector<16xf32>, vector<16xi32>, vector<16xi32>)  : i32 {
          %get3A = arith.constant 0 : index
          %get3A_42 = tpu.vector_load %arg9[%get3A] {strides = array<i32>} : memref<512xf32, #tpu.memory_space<vmem>>, vector<16xf32>,
          %get3A_43 = arith.constant 16 : index
          %get3A_44 = tpu.vector_load %arg9[%get3A_43] {strides = array<i32>} : memref<512xf32, #tpu.memory_space<vmem>>, vector<16xf32>,
          %max3A = arith.maximumf %get3A_42, %get3A_44 : vector<16xf32>
          %get3A_45 = arith.constant 32 : index
          %get3A_46 = tpu.vector_load %arg9[%get3A_45] {strides = array<i32>} : memref<512xf32, #tpu.memory_space<vmem>>, vector<16xf32>,
          %max3A_47 = arith.maximumf %max3A, %get3A_46 : vector<16xf32>
          %get3A_48 = arith.constant 48 : index
          %get3A_49 = tpu.vector_load %arg9[%get3A_48] {strides = array<i32>} : memref<512xf32, #tpu.memory_space<vmem>>, vector<16xf32>,
          %max3A_50 = arith.maximumf %max3A_47, %get3A_49 : vector<16xf32>
          %get3A_51 = arith.constant 64 : index
          %get3A_52 = tpu.vector_load %arg9[%get3A_51] {strides = array<i32>} : memref<512xf32, #tpu.memory_space<vmem>>, vector<16xf32>,
          %max3A_53 = arith.maximumf %max3A_50, %get3A_52 : vector<16xf32>
          %get3A_54 = arith.constant 80 : index
          %get3A_55 = tpu.vector_load %arg9[%get3A_54] {strides = array<i32>} : memref<512xf32, #tpu.memory_space<vmem>>, vector<16xf32>,
          %max3A_56 = arith.maximumf %max3A_53, %get3A_55 : vector<16xf32>
          %get3A_57 = arith.constant 96 : index
          %get3A_58 = tpu.vector_load %arg9[%get3A_57] {strides = array<i32>} : memref<512xf32, #tpu.memory_space<vmem>>, vector<16xf32>,
          %max3A_59 = arith.maximumf %max3A_56, %get3A_58 : vector<16xf32>
          %get3A_60 = arith.constant 112 : index
          %get3A_61 = tpu.vector_load %arg9[%get3A_60] {strides = array<i32>} : memref<512xf32, #tpu.memory_space<vmem>>, vector<16xf32>,
          %max3A_62 = arith.maximumf %max3A_59, %get3A_61 : vector<16xf32>
          %get3A_63 = arith.constant 128 : index
          %get3A_64 = tpu.vector_load %arg9[%get3A_63] {strides = array<i32>} : memref<512xf32, #tpu.memory_space<vmem>>, vector<16xf32>,
          %max3A_65 = arith.maximumf %max3A_62, %get3A_64 : vector<16xf32>
          %get3A_66 = arith.constant 144 : index
          %get3A_67 = tpu.vector_load %arg9[%get3A_66] {strides = array<i32>} : memref<512xf32, #tpu.memory_space<vmem>>, vector<16xf32>,
          %max3A_68 = arith.maximumf %max3A_65, %get3A_67 : vector<16xf32>
          %get3A_69 = arith.constant 160 : index
          %get3A_70 = tpu.vector_load %arg9[%get3A_69] {strides = array<i32>} : memref<512xf32, #tpu.memory_space<vmem>>, vector<16xf32>,
          %max3A_71 = arith.maximumf %max3A_68, %get3A_70 : vector<16xf32>
          %get3A_72 = arith.constant 176 : index
          %get3A_73 = tpu.vector_load %arg9[%get3A_72] {strides = array<i32>} : memref<512xf32, #tpu.memory_space<vmem>>, vector<16xf32>,
          %max3A_74 = arith.maximumf %max3A_71, %get3A_73 : vector<16xf32>
          %get3A_75 = arith.constant 192 : index
          %get3A_76 = tpu.vector_load %arg9[%get3A_75] {strides = array<i32>} : memref<512xf32, #tpu.memory_space<vmem>>, vector<16xf32>,
          %max3A_77 = arith.maximumf %max3A_74, %get3A_76 : vector<16xf32>
          %get3A_78 = arith.constant 208 : index
          %get3A_79 = tpu.vector_load %arg9[%get3A_78] {strides = array<i32>} : memref<512xf32, #tpu.memory_space<vmem>>, vector<16xf32>,
          %max3A_80 = arith.maximumf %max3A_77, %get3A_79 : vector<16xf32>
          %get3A_81 = arith.constant 224 : index
          %get3A_82 = tpu.vector_load %arg9[%get3A_81] {strides = array<i32>} : memref<512xf32, #tpu.memory_space<vmem>>, vector<16xf32>,
          %max3A_83 = arith.maximumf %max3A_80, %get3A_82 : vector<16xf32>
          %get3A_84 = arith.constant 240 : index
          %get3A_85 = tpu.vector_load %arg9[%get3A_84] {strides = array<i32>} : memref<512xf32, #tpu.memory_space<vmem>>, vector<16xf32>,
          %max3A_86 = arith.maximumf %max3A_83, %get3A_85 : vector<16xf32>
          %get3A_87 = arith.constant 256 : index
          %get3A_88 = tpu.vector_load %arg9[%get3A_87] {strides = array<i32>} : memref<512xf32, #tpu.memory_space<vmem>>, vector<16xf32>,
          %max3A_89 = arith.maximumf %max3A_86, %get3A_88 : vector<16xf32>
          %get3A_90 = arith.constant 272 : index
          %get3A_91 = tpu.vector_load %arg9[%get3A_90] {strides = array<i32>} : memref<512xf32, #tpu.memory_space<vmem>>, vector<16xf32>,
          %max3A_92 = arith.maximumf %max3A_89, %get3A_91 : vector<16xf32>
          %get3A_93 = arith.constant 288 : index
          %get3A_94 = tpu.vector_load %arg9[%get3A_93] {strides = array<i32>} : memref<512xf32, #tpu.memory_space<vmem>>, vector<16xf32>,
          %max3A_95 = arith.maximumf %max3A_92, %get3A_94 : vector<16xf32>
          %get3A_96 = arith.constant 304 : index
          %get3A_97 = tpu.vector_load %arg9[%get3A_96] {strides = array<i32>} : memref<512xf32, #tpu.memory_space<vmem>>, vector<16xf32>,
          %max3A_98 = arith.maximumf %max3A_95, %get3A_97 : vector<16xf32>
          %get3A_99 = arith.constant 320 : index
          %get3A_100 = tpu.vector_load %arg9[%get3A_99] {strides = array<i32>} : memref<512xf32, #tpu.memory_space<vmem>>, vector<16xf32>,
          %max3A_101 = arith.maximumf %max3A_98, %get3A_100 : vector<16xf32>
          %get3A_102 = arith.constant 336 : index
          %get3A_103 = tpu.vector_load %arg9[%get3A_102] {strides = array<i32>} : memref<512xf32, #tpu.memory_space<vmem>>, vector<16xf32>,
          %max3A_104 = arith.maximumf %max3A_101, %get3A_103 : vector<16xf32>
          %get3A_105 = arith.constant 352 : index
          %get3A_106 = tpu.vector_load %arg9[%get3A_105] {strides = array<i32>} : memref<512xf32, #tpu.memory_space<vmem>>, vector<16xf32>,
          %max3A_107 = arith.maximumf %max3A_104, %get3A_106 : vector<16xf32>
          %get3A_108 = arith.constant 368 : index
          %get3A_109 = tpu.vector_load %arg9[%get3A_108] {strides = array<i32>} : memref<512xf32, #tpu.memory_space<vmem>>, vector<16xf32>,
          %max3A_110 = arith.maximumf %max3A_107, %get3A_109 : vector<16xf32>
          %get3A_111 = arith.constant 384 : index
          %get3A_112 = tpu.vector_load %arg9[%get3A_111] {strides = array<i32>} : memref<512xf32, #tpu.memory_space<vmem>>, vector<16xf32>,
          %max3A_113 = arith.maximumf %max3A_110, %get3A_112 : vector<16xf32>
          %get3A_114 = arith.constant 400 : index
          %get3A_115 = tpu.vector_load %arg9[%get3A_114] {strides = array<i32>} : memref<512xf32, #tpu.memory_space<vmem>>, vector<16xf32>,
          %max3A_116 = arith.maximumf %max3A_113, %get3A_115 : vector<16xf32>
          %get3A_117 = arith.constant 416 : index
          %get3A_118 = tpu.vector_load %arg9[%get3A_117] {strides = array<i32>} : memref<512xf32, #tpu.memory_space<vmem>>, vector<16xf32>,
          %max3A_119 = arith.maximumf %max3A_116, %get3A_118 : vector<16xf32>
          %get3A_120 = arith.constant 432 : index
          %get3A_121 = tpu.vector_load %arg9[%get3A_120] {strides = array<i32>} : memref<512xf32, #tpu.memory_space<vmem>>, vector<16xf32>,
          %max3A_122 = arith.maximumf %max3A_119, %get3A_121 : vector<16xf32>
          %get3A_123 = arith.constant 448 : index
          %get3A_124 = tpu.vector_load %arg9[%get3A_123] {strides = array<i32>} : memref<512xf32, #tpu.memory_space<vmem>>, vector<16xf32>,
          %max3A_125 = arith.maximumf %max3A_122, %get3A_124 : vector<16xf32>
          %get3A_126 = arith.constant 464 : index
          %get3A_127 = tpu.vector_load %arg9[%get3A_126] {strides = array<i32>} : memref<512xf32, #tpu.memory_space<vmem>>, vector<16xf32>,
          %max3A_128 = arith.maximumf %max3A_125, %get3A_127 : vector<16xf32>
          %get3A_129 = arith.constant 480 : index
          %get3A_130 = tpu.vector_load %arg9[%get3A_129] {strides = array<i32>} : memref<512xf32, #tpu.memory_space<vmem>>, vector<16xf32>,
          %max3A_131 = arith.maximumf %max3A_128, %get3A_130 : vector<16xf32>
          %get3A_132 = arith.constant 496 : index
          %get3A_133 = tpu.vector_load %arg9[%get3A_132] {strides = array<i32>} : memref<512xf32, #tpu.memory_space<vmem>>, vector<16xf32>,
          %max3A_134 = arith.maximumf %max3A_131, %get3A_133 : vector<16xf32>
          %broadcast_in_dim3A_135 = arith.constant true
          %broadcast_in_dim3A_136 = vector.broadcast %broadcast_in_dim3A_135 : i1 to vector<16xi1>
          %masked_cummax3A = tpu.scan <max>, %max3A_134 masked %broadcast_in_dim3A_136 : vector<16xf32>, vector<16xi1> -> vector<16xf32>
          %rev3A = arith.constant 15 : i32
          %rev3A_137 = vector.broadcast %rev3A : i32 to vector<16xi32>
          %rev3A_138 = tpu.iota {dimensions = array<i32: 0>} : vector<16xi32>
          %rev3A_139 = arith.subi %rev3A_137, %rev3A_138 : vector<16xi32>
          %rev3A_140 = tpu.dynamic_gather %masked_cummax3A[%rev3A_139] in [0] : vector<16xf32>, vector<16xi32> -> vector<16xf32>
          %broadcast_in_dim3A_141 = arith.constant true
          %broadcast_in_dim3A_142 = vector.broadcast %broadcast_in_dim3A_141 : i1 to vector<16xi1>
          %masked_cummax3A_143 = tpu.scan <max>, %rev3A_140 masked %broadcast_in_dim3A_142 : vector<16xf32>, vector<16xi1> -> vector<16xf32>
          %broadcast_in_dim3A_144 = arith.constant 1073741824 : i32
          %broadcast_in_dim3A_145 = vector.broadcast %broadcast_in_dim3A_144 : i32 to vector<16xi32>
          %get3A_146 = arith.constant 0 : index
          %get3A_147 = tpu.vector_load %arg9[%get3A_146] {strides = array<i32>} : memref<512xf32, #tpu.memory_space<vmem>>, vector<16xf32>,
          %get3A_148 = arith.constant 0 : index
          %get3A_149 = tpu.vector_load %arg10[%get3A_148] {strides = array<i32>} : memref<512xi32, #tpu.memory_space<vmem>>, vector<16xi32>,
          %eq3A_150 = arith.cmpf oeq, %get3A_147, %masked_cummax3A_143 : vector<16xf32>
          %jit3A = arith.constant 1073741824 : i32
          %broadcast_in_dim3A_151 = vector.broadcast %jit3A : i32 to vector<16xi32>
          %select_n3A = arith.select %eq3A_150, %get3A_149, %broadcast_in_dim3A_151 : vector<16xi1>, vector<16xi32>
          %min3A = arith.minsi %broadcast_in_dim3A_145, %select_n3A : vector<16xi32>
          %get3A_152 = arith.constant 16 : index
          %get3A_153 = tpu.vector_load %arg9[%get3A_152] {strides = array<i32>} : memref<512xf32, #tpu.memory_space<vmem>>, vector<16xf32>,
          %get3A_154 = arith.constant 16 : index
          %get3A_155 = tpu.vector_load %arg10[%get3A_154] {strides = array<i32>} : memref<512xi32, #tpu.memory_space<vmem>>, vector<16xi32>,
          %eq3A_156 = arith.cmpf oeq, %get3A_153, %masked_cummax3A_143 : vector<16xf32>
          %jit3A_157 = arith.constant 1073741824 : i32
          %broadcast_in_dim3A_158 = vector.broadcast %jit3A_157 : i32 to vector<16xi32>
          %select_n3A_159 = arith.select %eq3A_156, %get3A_155, %broadcast_in_dim3A_158 : vector<16xi1>, vector<16xi32>
          %min3A_160 = arith.minsi %min3A, %select_n3A_159 : vector<16xi32>
          %get3A_161 = arith.constant 32 : index
          %get3A_162 = tpu.vector_load %arg9[%get3A_161] {strides = array<i32>} : memref<512xf32, #tpu.memory_space<vmem>>, vector<16xf32>,
          %get3A_163 = arith.constant 32 : index
          %get3A_164 = tpu.vector_load %arg10[%get3A_163] {strides = array<i32>} : memref<512xi32, #tpu.memory_space<vmem>>, vector<16xi32>,
          %eq3A_165 = arith.cmpf oeq, %get3A_162, %masked_cummax3A_143 : vector<16xf32>
          %jit3A_166 = arith.constant 1073741824 : i32
          %broadcast_in_dim3A_167 = vector.broadcast %jit3A_166 : i32 to vector<16xi32>
          %select_n3A_168 = arith.select %eq3A_165, %get3A_164, %broadcast_in_dim3A_167 : vector<16xi1>, vector<16xi32>
          %min3A_169 = arith.minsi %min3A_160, %select_n3A_168 : vector<16xi32>
          %get3A_170 = arith.constant 48 : index
          %get3A_171 = tpu.vector_load %arg9[%get3A_170] {strides = array<i32>} : memref<512xf32, #tpu.memory_space<vmem>>, vector<16xf32>,
          %get3A_172 = arith.constant 48 : index
          %get3A_173 = tpu.vector_load %arg10[%get3A_172] {strides = array<i32>} : memref<512xi32, #tpu.memory_space<vmem>>, vector<16xi32>,
          %eq3A_174 = arith.cmpf oeq, %get3A_171, %masked_cummax3A_143 : vector<16xf32>
          %jit3A_175 = arith.constant 1073741824 : i32
          %broadcast_in_dim3A_176 = vector.broadcast %jit3A_175 : i32 to vector<16xi32>
          %select_n3A_177 = arith.select %eq3A_174, %get3A_173, %broadcast_in_dim3A_176 : vector<16xi1>, vector<16xi32>
          %min3A_178 = arith.minsi %min3A_169, %select_n3A_177 : vector<16xi32>
          %get3A_179 = arith.constant 64 : index
          %get3A_180 = tpu.vector_load %arg9[%get3A_179] {strides = array<i32>} : memref<512xf32, #tpu.memory_space<vmem>>, vector<16xf32>,
          %get3A_181 = arith.constant 64 : index
          %get3A_182 = tpu.vector_load %arg10[%get3A_181] {strides = array<i32>} : memref<512xi32, #tpu.memory_space<vmem>>, vector<16xi32>,
          %eq3A_183 = arith.cmpf oeq, %get3A_180, %masked_cummax3A_143 : vector<16xf32>
          %jit3A_184 = arith.constant 1073741824 : i32
          %broadcast_in_dim3A_185 = vector.broadcast %jit3A_184 : i32 to vector<16xi32>
          %select_n3A_186 = arith.select %eq3A_183, %get3A_182, %broadcast_in_dim3A_185 : vector<16xi1>, vector<16xi32>
          %min3A_187 = arith.minsi %min3A_178, %select_n3A_186 : vector<16xi32>
          %get3A_188 = arith.constant 80 : index
          %get3A_189 = tpu.vector_load %arg9[%get3A_188] {strides = array<i32>} : memref<512xf32, #tpu.memory_space<vmem>>, vector<16xf32>,
          %get3A_190 = arith.constant 80 : index
          %get3A_191 = tpu.vector_load %arg10[%get3A_190] {strides = array<i32>} : memref<512xi32, #tpu.memory_space<vmem>>, vector<16xi32>,
          %eq3A_192 = arith.cmpf oeq, %get3A_189, %masked_cummax3A_143 : vector<16xf32>
          %jit3A_193 = arith.constant 1073741824 : i32
          %broadcast_in_dim3A_194 = vector.broadcast %jit3A_193 : i32 to vector<16xi32>
          %select_n3A_195 = arith.select %eq3A_192, %get3A_191, %broadcast_in_dim3A_194 : vector<16xi1>, vector<16xi32>
          %min3A_196 = arith.minsi %min3A_187, %select_n3A_195 : vector<16xi32>
          %get3A_197 = arith.constant 96 : index
          %get3A_198 = tpu.vector_load %arg9[%get3A_197] {strides = array<i32>} : memref<512xf32, #tpu.memory_space<vmem>>, vector<16xf32>,
          %get3A_199 = arith.constant 96 : index
          %get3A_200 = tpu.vector_load %arg10[%get3A_199] {strides = array<i32>} : memref<512xi32, #tpu.memory_space<vmem>>, vector<16xi32>,
          %eq3A_201 = arith.cmpf oeq, %get3A_198, %masked_cummax3A_143 : vector<16xf32>
          %jit3A_202 = arith.constant 1073741824 : i32
          %broadcast_in_dim3A_203 = vector.broadcast %jit3A_202 : i32 to vector<16xi32>
          %select_n3A_204 = arith.select %eq3A_201, %get3A_200, %broadcast_in_dim3A_203 : vector<16xi1>, vector<16xi32>
          %min3A_205 = arith.minsi %min3A_196, %select_n3A_204 : vector<16xi32>
          %get3A_206 = arith.constant 112 : index
          %get3A_207 = tpu.vector_load %arg9[%get3A_206] {strides = array<i32>} : memref<512xf32, #tpu.memory_space<vmem>>, vector<16xf32>,
          %get3A_208 = arith.constant 112 : index
          %get3A_209 = tpu.vector_load %arg10[%get3A_208] {strides = array<i32>} : memref<512xi32, #tpu.memory_space<vmem>>, vector<16xi32>,
          %eq3A_210 = arith.cmpf oeq, %get3A_207, %masked_cummax3A_143 : vector<16xf32>
          %jit3A_211 = arith.constant 1073741824 : i32
          %broadcast_in_dim3A_212 = vector.broadcast %jit3A_211 : i32 to vector<16xi32>
          %select_n3A_213 = arith.select %eq3A_210, %get3A_209, %broadcast_in_dim3A_212 : vector<16xi1>, vector<16xi32>
          %min3A_214 = arith.minsi %min3A_205, %select_n3A_213 : vector<16xi32>
          %get3A_215 = arith.constant 128 : index
          %get3A_216 = tpu.vector_load %arg9[%get3A_215] {strides = array<i32>} : memref<512xf32, #tpu.memory_space<vmem>>, vector<16xf32>,
          %get3A_217 = arith.constant 128 : index
          %get3A_218 = tpu.vector_load %arg10[%get3A_217] {strides = array<i32>} : memref<512xi32, #tpu.memory_space<vmem>>, vector<16xi32>,
          %eq3A_219 = arith.cmpf oeq, %get3A_216, %masked_cummax3A_143 : vector<16xf32>
          %jit3A_220 = arith.constant 1073741824 : i32
          %broadcast_in_dim3A_221 = vector.broadcast %jit3A_220 : i32 to vector<16xi32>
          %select_n3A_222 = arith.select %eq3A_219, %get3A_218, %broadcast_in_dim3A_221 : vector<16xi1>, vector<16xi32>
          %min3A_223 = arith.minsi %min3A_214, %select_n3A_222 : vector<16xi32>
          %get3A_224 = arith.constant 144 : index
          %get3A_225 = tpu.vector_load %arg9[%get3A_224] {strides = array<i32>} : memref<512xf32, #tpu.memory_space<vmem>>, vector<16xf32>,
          %get3A_226 = arith.constant 144 : index
          %get3A_227 = tpu.vector_load %arg10[%get3A_226] {strides = array<i32>} : memref<512xi32, #tpu.memory_space<vmem>>, vector<16xi32>,
          %eq3A_228 = arith.cmpf oeq, %get3A_225, %masked_cummax3A_143 : vector<16xf32>
          %jit3A_229 = arith.constant 1073741824 : i32
          %broadcast_in_dim3A_230 = vector.broadcast %jit3A_229 : i32 to vector<16xi32>
          %select_n3A_231 = arith.select %eq3A_228, %get3A_227, %broadcast_in_dim3A_230 : vector<16xi1>, vector<16xi32>
          %min3A_232 = arith.minsi %min3A_223, %select_n3A_231 : vector<16xi32>
          %get3A_233 = arith.constant 160 : index
          %get3A_234 = tpu.vector_load %arg9[%get3A_233] {strides = array<i32>} : memref<512xf32, #tpu.memory_space<vmem>>, vector<16xf32>,
          %get3A_235 = arith.constant 160 : index
          %get3A_236 = tpu.vector_load %arg10[%get3A_235] {strides = array<i32>} : memref<512xi32, #tpu.memory_space<vmem>>, vector<16xi32>,
          %eq3A_237 = arith.cmpf oeq, %get3A_234, %masked_cummax3A_143 : vector<16xf32>
          %jit3A_238 = arith.constant 1073741824 : i32
          %broadcast_in_dim3A_239 = vector.broadcast %jit3A_238 : i32 to vector<16xi32>
          %select_n3A_240 = arith.select %eq3A_237, %get3A_236, %broadcast_in_dim3A_239 : vector<16xi1>, vector<16xi32>
          %min3A_241 = arith.minsi %min3A_232, %select_n3A_240 : vector<16xi32>
          %get3A_242 = arith.constant 176 : index
          %get3A_243 = tpu.vector_load %arg9[%get3A_242] {strides = array<i32>} : memref<512xf32, #tpu.memory_space<vmem>>, vector<16xf32>,
          %get3A_244 = arith.constant 176 : index
          %get3A_245 = tpu.vector_load %arg10[%get3A_244] {strides = array<i32>} : memref<512xi32, #tpu.memory_space<vmem>>, vector<16xi32>,
          %eq3A_246 = arith.cmpf oeq, %get3A_243, %masked_cummax3A_143 : vector<16xf32>
          %jit3A_247 = arith.constant 1073741824 : i32
          %broadcast_in_dim3A_248 = vector.broadcast %jit3A_247 : i32 to vector<16xi32>
          %select_n3A_249 = arith.select %eq3A_246, %get3A_245, %broadcast_in_dim3A_248 : vector<16xi1>, vector<16xi32>
          %min3A_250 = arith.minsi %min3A_241, %select_n3A_249 : vector<16xi32>
          %get3A_251 = arith.constant 192 : index
          %get3A_252 = tpu.vector_load %arg9[%get3A_251] {strides = array<i32>} : memref<512xf32, #tpu.memory_space<vmem>>, vector<16xf32>,
          %get3A_253 = arith.constant 192 : index
          %get3A_254 = tpu.vector_load %arg10[%get3A_253] {strides = array<i32>} : memref<512xi32, #tpu.memory_space<vmem>>, vector<16xi32>,
          %eq3A_255 = arith.cmpf oeq, %get3A_252, %masked_cummax3A_143 : vector<16xf32>
          %jit3A_256 = arith.constant 1073741824 : i32
          %broadcast_in_dim3A_257 = vector.broadcast %jit3A_256 : i32 to vector<16xi32>
          %select_n3A_258 = arith.select %eq3A_255, %get3A_254, %broadcast_in_dim3A_257 : vector<16xi1>, vector<16xi32>
          %min3A_259 = arith.minsi %min3A_250, %select_n3A_258 : vector<16xi32>
          %get3A_260 = arith.constant 208 : index
          %get3A_261 = tpu.vector_load %arg9[%get3A_260] {strides = array<i32>} : memref<512xf32, #tpu.memory_space<vmem>>, vector<16xf32>,
          %get3A_262 = arith.constant 208 : index
          %get3A_263 = tpu.vector_load %arg10[%get3A_262] {strides = array<i32>} : memref<512xi32, #tpu.memory_space<vmem>>, vector<16xi32>,
          %eq3A_264 = arith.cmpf oeq, %get3A_261, %masked_cummax3A_143 : vector<16xf32>
          %jit3A_265 = arith.constant 1073741824 : i32
          %broadcast_in_dim3A_266 = vector.broadcast %jit3A_265 : i32 to vector<16xi32>
          %select_n3A_267 = arith.select %eq3A_264, %get3A_263, %broadcast_in_dim3A_266 : vector<16xi1>, vector<16xi32>
          %min3A_268 = arith.minsi %min3A_259, %select_n3A_267 : vector<16xi32>
          %get3A_269 = arith.constant 224 : index
          %get3A_270 = tpu.vector_load %arg9[%get3A_269] {strides = array<i32>} : memref<512xf32, #tpu.memory_space<vmem>>, vector<16xf32>,
          %get3A_271 = arith.constant 224 : index
          %get3A_272 = tpu.vector_load %arg10[%get3A_271] {strides = array<i32>} : memref<512xi32, #tpu.memory_space<vmem>>, vector<16xi32>,
          %eq3A_273 = arith.cmpf oeq, %get3A_270, %masked_cummax3A_143 : vector<16xf32>
          %jit3A_274 = arith.constant 1073741824 : i32
          %broadcast_in_dim3A_275 = vector.broadcast %jit3A_274 : i32 to vector<16xi32>
          %select_n3A_276 = arith.select %eq3A_273, %get3A_272, %broadcast_in_dim3A_275 : vector<16xi1>, vector<16xi32>
          %min3A_277 = arith.minsi %min3A_268, %select_n3A_276 : vector<16xi32>
          %get3A_278 = arith.constant 240 : index
          %get3A_279 = tpu.vector_load %arg9[%get3A_278] {strides = array<i32>} : memref<512xf32, #tpu.memory_space<vmem>>, vector<16xf32>,
          %get3A_280 = arith.constant 240 : index
          %get3A_281 = tpu.vector_load %arg10[%get3A_280] {strides = array<i32>} : memref<512xi32, #tpu.memory_space<vmem>>, vector<16xi32>,
          %eq3A_282 = arith.cmpf oeq, %get3A_279, %masked_cummax3A_143 : vector<16xf32>
          %jit3A_283 = arith.constant 1073741824 : i32
          %broadcast_in_dim3A_284 = vector.broadcast %jit3A_283 : i32 to vector<16xi32>
          %select_n3A_285 = arith.select %eq3A_282, %get3A_281, %broadcast_in_dim3A_284 : vector<16xi1>, vector<16xi32>
          %min3A_286 = arith.minsi %min3A_277, %select_n3A_285 : vector<16xi32>
          %get3A_287 = arith.constant 256 : index
          %get3A_288 = tpu.vector_load %arg9[%get3A_287] {strides = array<i32>} : memref<512xf32, #tpu.memory_space<vmem>>, vector<16xf32>,
          %get3A_289 = arith.constant 256 : index
          %get3A_290 = tpu.vector_load %arg10[%get3A_289] {strides = array<i32>} : memref<512xi32, #tpu.memory_space<vmem>>, vector<16xi32>,
          %eq3A_291 = arith.cmpf oeq, %get3A_288, %masked_cummax3A_143 : vector<16xf32>
          %jit3A_292 = arith.constant 1073741824 : i32
          %broadcast_in_dim3A_293 = vector.broadcast %jit3A_292 : i32 to vector<16xi32>
          %select_n3A_294 = arith.select %eq3A_291, %get3A_290, %broadcast_in_dim3A_293 : vector<16xi1>, vector<16xi32>
          %min3A_295 = arith.minsi %min3A_286, %select_n3A_294 : vector<16xi32>
          %get3A_296 = arith.constant 272 : index
          %get3A_297 = tpu.vector_load %arg9[%get3A_296] {strides = array<i32>} : memref<512xf32, #tpu.memory_space<vmem>>, vector<16xf32>,
          %get3A_298 = arith.constant 272 : index
          %get3A_299 = tpu.vector_load %arg10[%get3A_298] {strides = array<i32>} : memref<512xi32, #tpu.memory_space<vmem>>, vector<16xi32>,
          %eq3A_300 = arith.cmpf oeq, %get3A_297, %masked_cummax3A_143 : vector<16xf32>
          %jit3A_301 = arith.constant 1073741824 : i32
          %broadcast_in_dim3A_302 = vector.broadcast %jit3A_301 : i32 to vector<16xi32>
          %select_n3A_303 = arith.select %eq3A_300, %get3A_299, %broadcast_in_dim3A_302 : vector<16xi1>, vector<16xi32>
          %min3A_304 = arith.minsi %min3A_295, %select_n3A_303 : vector<16xi32>
          %get3A_305 = arith.constant 288 : index
          %get3A_306 = tpu.vector_load %arg9[%get3A_305] {strides = array<i32>} : memref<512xf32, #tpu.memory_space<vmem>>, vector<16xf32>,
          %get3A_307 = arith.constant 288 : index
          %get3A_308 = tpu.vector_load %arg10[%get3A_307] {strides = array<i32>} : memref<512xi32, #tpu.memory_space<vmem>>, vector<16xi32>,
          %eq3A_309 = arith.cmpf oeq, %get3A_306, %masked_cummax3A_143 : vector<16xf32>
          %jit3A_310 = arith.constant 1073741824 : i32
          %broadcast_in_dim3A_311 = vector.broadcast %jit3A_310 : i32 to vector<16xi32>
          %select_n3A_312 = arith.select %eq3A_309, %get3A_308, %broadcast_in_dim3A_311 : vector<16xi1>, vector<16xi32>
          %min3A_313 = arith.minsi %min3A_304, %select_n3A_312 : vector<16xi32>
          %get3A_314 = arith.constant 304 : index
          %get3A_315 = tpu.vector_load %arg9[%get3A_314] {strides = array<i32>} : memref<512xf32, #tpu.memory_space<vmem>>, vector<16xf32>,
          %get3A_316 = arith.constant 304 : index
          %get3A_317 = tpu.vector_load %arg10[%get3A_316] {strides = array<i32>} : memref<512xi32, #tpu.memory_space<vmem>>, vector<16xi32>,
          %eq3A_318 = arith.cmpf oeq, %get3A_315, %masked_cummax3A_143 : vector<16xf32>
          %jit3A_319 = arith.constant 1073741824 : i32
          %broadcast_in_dim3A_320 = vector.broadcast %jit3A_319 : i32 to vector<16xi32>
          %select_n3A_321 = arith.select %eq3A_318, %get3A_317, %broadcast_in_dim3A_320 : vector<16xi1>, vector<16xi32>
          %min3A_322 = arith.minsi %min3A_313, %select_n3A_321 : vector<16xi32>
          %get3A_323 = arith.constant 320 : index
          %get3A_324 = tpu.vector_load %arg9[%get3A_323] {strides = array<i32>} : memref<512xf32, #tpu.memory_space<vmem>>, vector<16xf32>,
          %get3A_325 = arith.constant 320 : index
          %get3A_326 = tpu.vector_load %arg10[%get3A_325] {strides = array<i32>} : memref<512xi32, #tpu.memory_space<vmem>>, vector<16xi32>,
          %eq3A_327 = arith.cmpf oeq, %get3A_324, %masked_cummax3A_143 : vector<16xf32>
          %jit3A_328 = arith.constant 1073741824 : i32
          %broadcast_in_dim3A_329 = vector.broadcast %jit3A_328 : i32 to vector<16xi32>
          %select_n3A_330 = arith.select %eq3A_327, %get3A_326, %broadcast_in_dim3A_329 : vector<16xi1>, vector<16xi32>
          %min3A_331 = arith.minsi %min3A_322, %select_n3A_330 : vector<16xi32>
          %get3A_332 = arith.constant 336 : index
          %get3A_333 = tpu.vector_load %arg9[%get3A_332] {strides = array<i32>} : memref<512xf32, #tpu.memory_space<vmem>>, vector<16xf32>,
          %get3A_334 = arith.constant 336 : index
          %get3A_335 = tpu.vector_load %arg10[%get3A_334] {strides = array<i32>} : memref<512xi32, #tpu.memory_space<vmem>>, vector<16xi32>,
          %eq3A_336 = arith.cmpf oeq, %get3A_333, %masked_cummax3A_143 : vector<16xf32>
          %jit3A_337 = arith.constant 1073741824 : i32
          %broadcast_in_dim3A_338 = vector.broadcast %jit3A_337 : i32 to vector<16xi32>
          %select_n3A_339 = arith.select %eq3A_336, %get3A_335, %broadcast_in_dim3A_338 : vector<16xi1>, vector<16xi32>
          %min3A_340 = arith.minsi %min3A_331, %select_n3A_339 : vector<16xi32>
          %get3A_341 = arith.constant 352 : index
          %get3A_342 = tpu.vector_load %arg9[%get3A_341] {strides = array<i32>} : memref<512xf32, #tpu.memory_space<vmem>>, vector<16xf32>,
          %get3A_343 = arith.constant 352 : index
          %get3A_344 = tpu.vector_load %arg10[%get3A_343] {strides = array<i32>} : memref<512xi32, #tpu.memory_space<vmem>>, vector<16xi32>,
          %eq3A_345 = arith.cmpf oeq, %get3A_342, %masked_cummax3A_143 : vector<16xf32>
          %jit3A_346 = arith.constant 1073741824 : i32
          %broadcast_in_dim3A_347 = vector.broadcast %jit3A_346 : i32 to vector<16xi32>
          %select_n3A_348 = arith.select %eq3A_345, %get3A_344, %broadcast_in_dim3A_347 : vector<16xi1>, vector<16xi32>
          %min3A_349 = arith.minsi %min3A_340, %select_n3A_348 : vector<16xi32>
          %get3A_350 = arith.constant 368 : index
          %get3A_351 = tpu.vector_load %arg9[%get3A_350] {strides = array<i32>} : memref<512xf32, #tpu.memory_space<vmem>>, vector<16xf32>,
          %get3A_352 = arith.constant 368 : index
          %get3A_353 = tpu.vector_load %arg10[%get3A_352] {strides = array<i32>} : memref<512xi32, #tpu.memory_space<vmem>>, vector<16xi32>,
          %eq3A_354 = arith.cmpf oeq, %get3A_351, %masked_cummax3A_143 : vector<16xf32>
          %jit3A_355 = arith.constant 1073741824 : i32
          %broadcast_in_dim3A_356 = vector.broadcast %jit3A_355 : i32 to vector<16xi32>
          %select_n3A_357 = arith.select %eq3A_354, %get3A_353, %broadcast_in_dim3A_356 : vector<16xi1>, vector<16xi32>
          %min3A_358 = arith.minsi %min3A_349, %select_n3A_357 : vector<16xi32>
          %get3A_359 = arith.constant 384 : index
          %get3A_360 = tpu.vector_load %arg9[%get3A_359] {strides = array<i32>} : memref<512xf32, #tpu.memory_space<vmem>>, vector<16xf32>,
          %get3A_361 = arith.constant 384 : index
          %get3A_362 = tpu.vector_load %arg10[%get3A_361] {strides = array<i32>} : memref<512xi32, #tpu.memory_space<vmem>>, vector<16xi32>,
          %eq3A_363 = arith.cmpf oeq, %get3A_360, %masked_cummax3A_143 : vector<16xf32>
          %jit3A_364 = arith.constant 1073741824 : i32
          %broadcast_in_dim3A_365 = vector.broadcast %jit3A_364 : i32 to vector<16xi32>
          %select_n3A_366 = arith.select %eq3A_363, %get3A_362, %broadcast_in_dim3A_365 : vector<16xi1>, vector<16xi32>
          %min3A_367 = arith.minsi %min3A_358, %select_n3A_366 : vector<16xi32>
          %get3A_368 = arith.constant 400 : index
          %get3A_369 = tpu.vector_load %arg9[%get3A_368] {strides = array<i32>} : memref<512xf32, #tpu.memory_space<vmem>>, vector<16xf32>,
          %get3A_370 = arith.constant 400 : index
          %get3A_371 = tpu.vector_load %arg10[%get3A_370] {strides = array<i32>} : memref<512xi32, #tpu.memory_space<vmem>>, vector<16xi32>,
          %eq3A_372 = arith.cmpf oeq, %get3A_369, %masked_cummax3A_143 : vector<16xf32>
          %jit3A_373 = arith.constant 1073741824 : i32
          %broadcast_in_dim3A_374 = vector.broadcast %jit3A_373 : i32 to vector<16xi32>
          %select_n3A_375 = arith.select %eq3A_372, %get3A_371, %broadcast_in_dim3A_374 : vector<16xi1>, vector<16xi32>
          %min3A_376 = arith.minsi %min3A_367, %select_n3A_375 : vector<16xi32>
          %get3A_377 = arith.constant 416 : index
          %get3A_378 = tpu.vector_load %arg9[%get3A_377] {strides = array<i32>} : memref<512xf32, #tpu.memory_space<vmem>>, vector<16xf32>,
          %get3A_379 = arith.constant 416 : index
          %get3A_380 = tpu.vector_load %arg10[%get3A_379] {strides = array<i32>} : memref<512xi32, #tpu.memory_space<vmem>>, vector<16xi32>,
          %eq3A_381 = arith.cmpf oeq, %get3A_378, %masked_cummax3A_143 : vector<16xf32>
          %jit3A_382 = arith.constant 1073741824 : i32
          %broadcast_in_dim3A_383 = vector.broadcast %jit3A_382 : i32 to vector<16xi32>
          %select_n3A_384 = arith.select %eq3A_381, %get3A_380, %broadcast_in_dim3A_383 : vector<16xi1>, vector<16xi32>
          %min3A_385 = arith.minsi %min3A_376, %select_n3A_384 : vector<16xi32>
          %get3A_386 = arith.constant 432 : index
          %get3A_387 = tpu.vector_load %arg9[%get3A_386] {strides = array<i32>} : memref<512xf32, #tpu.memory_space<vmem>>, vector<16xf32>,
          %get3A_388 = arith.constant 432 : index
          %get3A_389 = tpu.vector_load %arg10[%get3A_388] {strides = array<i32>} : memref<512xi32, #tpu.memory_space<vmem>>, vector<16xi32>,
          %eq3A_390 = arith.cmpf oeq, %get3A_387, %masked_cummax3A_143 : vector<16xf32>
          %jit3A_391 = arith.constant 1073741824 : i32
          %broadcast_in_dim3A_392 = vector.broadcast %jit3A_391 : i32 to vector<16xi32>
          %select_n3A_393 = arith.select %eq3A_390, %get3A_389, %broadcast_in_dim3A_392 : vector<16xi1>, vector<16xi32>
          %min3A_394 = arith.minsi %min3A_385, %select_n3A_393 : vector<16xi32>
          %get3A_395 = arith.constant 448 : index
          %get3A_396 = tpu.vector_load %arg9[%get3A_395] {strides = array<i32>} : memref<512xf32, #tpu.memory_space<vmem>>, vector<16xf32>,
          %get3A_397 = arith.constant 448 : index
          %get3A_398 = tpu.vector_load %arg10[%get3A_397] {strides = array<i32>} : memref<512xi32, #tpu.memory_space<vmem>>, vector<16xi32>,
          %eq3A_399 = arith.cmpf oeq, %get3A_396, %masked_cummax3A_143 : vector<16xf32>
          %jit3A_400 = arith.constant 1073741824 : i32
          %broadcast_in_dim3A_401 = vector.broadcast %jit3A_400 : i32 to vector<16xi32>
          %select_n3A_402 = arith.select %eq3A_399, %get3A_398, %broadcast_in_dim3A_401 : vector<16xi1>, vector<16xi32>
          %min3A_403 = arith.minsi %min3A_394, %select_n3A_402 : vector<16xi32>
          %get3A_404 = arith.constant 464 : index
          %get3A_405 = tpu.vector_load %arg9[%get3A_404] {strides = array<i32>} : memref<512xf32, #tpu.memory_space<vmem>>, vector<16xf32>,
          %get3A_406 = arith.constant 464 : index
          %get3A_407 = tpu.vector_load %arg10[%get3A_406] {strides = array<i32>} : memref<512xi32, #tpu.memory_space<vmem>>, vector<16xi32>,
          %eq3A_408 = arith.cmpf oeq, %get3A_405, %masked_cummax3A_143 : vector<16xf32>
          %jit3A_409 = arith.constant 1073741824 : i32
          %broadcast_in_dim3A_410 = vector.broadcast %jit3A_409 : i32 to vector<16xi32>
          %select_n3A_411 = arith.select %eq3A_408, %get3A_407, %broadcast_in_dim3A_410 : vector<16xi1>, vector<16xi32>
          %min3A_412 = arith.minsi %min3A_403, %select_n3A_411 : vector<16xi32>
          %get3A_413 = arith.constant 480 : index
          %get3A_414 = tpu.vector_load %arg9[%get3A_413] {strides = array<i32>} : memref<512xf32, #tpu.memory_space<vmem>>, vector<16xf32>,
          %get3A_415 = arith.constant 480 : index
          %get3A_416 = tpu.vector_load %arg10[%get3A_415] {strides = array<i32>} : memref<512xi32, #tpu.memory_space<vmem>>, vector<16xi32>,
          %eq3A_417 = arith.cmpf oeq, %get3A_414, %masked_cummax3A_143 : vector<16xf32>
          %jit3A_418 = arith.constant 1073741824 : i32
          %broadcast_in_dim3A_419 = vector.broadcast %jit3A_418 : i32 to vector<16xi32>
          %select_n3A_420 = arith.select %eq3A_417, %get3A_416, %broadcast_in_dim3A_419 : vector<16xi1>, vector<16xi32>
          %min3A_421 = arith.minsi %min3A_412, %select_n3A_420 : vector<16xi32>
          %get3A_422 = arith.constant 496 : index
          %get3A_423 = tpu.vector_load %arg9[%get3A_422] {strides = array<i32>} : memref<512xf32, #tpu.memory_space<vmem>>, vector<16xf32>,
          %get3A_424 = arith.constant 496 : index
          %get3A_425 = tpu.vector_load %arg10[%get3A_424] {strides = array<i32>} : memref<512xi32, #tpu.memory_space<vmem>>, vector<16xi32>,
          %eq3A_426 = arith.cmpf oeq, %get3A_423, %masked_cummax3A_143 : vector<16xf32>
          %jit3A_427 = arith.constant 1073741824 : i32
          %broadcast_in_dim3A_428 = vector.broadcast %jit3A_427 : i32 to vector<16xi32>
          %select_n3A_429 = arith.select %eq3A_426, %get3A_425, %broadcast_in_dim3A_428 : vector<16xi1>, vector<16xi32>
          %min3A_430 = arith.minsi %min3A_421, %select_n3A_429 : vector<16xi32>
          %neg3A = arith.constant 0 : i32
          %neg3A_431 = vector.broadcast %neg3A : i32 to vector<16xi32>
          %neg3A_432 = arith.subi %neg3A_431, %min3A_430 : vector<16xi32>
          %broadcast_in_dim3A_433 = arith.constant true
          %broadcast_in_dim3A_434 = vector.broadcast %broadcast_in_dim3A_433 : i1 to vector<16xi1>
          %masked_cummax3A_435 = arith.constant -2147483648 : i32
          %masked_cummax3A_436 = vector.broadcast %masked_cummax3A_435 : i32 to vector<16xi32>
          %masked_cummax3A_437 = arith.xori %neg3A_432, %masked_cummax3A_436 : vector<16xi32>
          %masked_cummax3A_438 = tpu.scan <max>, %masked_cummax3A_437 masked %broadcast_in_dim3A_434 : vector<16xi32>, vector<16xi1> -> vector<16xi32>
          %masked_cummax3A_439 = arith.xori %masked_cummax3A_438, %masked_cummax3A_436 : vector<16xi32>
          %rev3A_440 = arith.constant 15 : i32
          %rev3A_441 = vector.broadcast %rev3A_440 : i32 to vector<16xi32>
          %rev3A_442 = tpu.iota {dimensions = array<i32: 0>} : vector<16xi32>
          %rev3A_443 = arith.subi %rev3A_441, %rev3A_442 : vector<16xi32>
          %rev3A_444 = tpu.dynamic_gather %masked_cummax3A_439[%rev3A_443] in [0] : vector<16xi32>, vector<16xi32> -> vector<16xi32>
          %broadcast_in_dim3A_445 = arith.constant true
          %broadcast_in_dim3A_446 = vector.broadcast %broadcast_in_dim3A_445 : i1 to vector<16xi1>
          %masked_cummax3A_447 = arith.constant -2147483648 : i32
          %masked_cummax3A_448 = vector.broadcast %masked_cummax3A_447 : i32 to vector<16xi32>
          %masked_cummax3A_449 = arith.xori %rev3A_444, %masked_cummax3A_448 : vector<16xi32>
          %masked_cummax3A_450 = tpu.scan <max>, %masked_cummax3A_449 masked %broadcast_in_dim3A_446 : vector<16xi32>, vector<16xi1> -> vector<16xi32>
          %masked_cummax3A_451 = arith.xori %masked_cummax3A_450, %masked_cummax3A_448 : vector<16xi32>
          %neg3A_452 = arith.constant 0 : i32
          %neg3A_453 = vector.broadcast %neg3A_452 : i32 to vector<16xi32>
          %neg3A_454 = arith.subi %neg3A_453, %masked_cummax3A_451 : vector<16xi32>
          %get3A_455 = arith.constant 0 : index
          %get3A_456 = tpu.vector_load %arg9[%get3A_455] {strides = array<i32>} : memref<512xf32, #tpu.memory_space<vmem>>, vector<16xf32>,
          %get3A_457 = arith.constant 0 : index
          %get3A_458 = tpu.vector_load %arg10[%get3A_457] {strides = array<i32>} : memref<512xi32, #tpu.memory_space<vmem>>, vector<16xi32>,
          %eq3A_459 = arith.cmpf oeq, %get3A_456, %masked_cummax3A_143 : vector<16xf32>
          %eq3A_460 = arith.cmpi eq, %get3A_458, %neg3A_454 : vector<16xi32>
          %and3A = arith.andi %eq3A_459, %eq3A_460 : vector<16xi1>
          %jit3A_461 = arith.constant -3.000000e+38 : f32
          %broadcast_in_dim3A_462 = vector.broadcast %jit3A_461 : f32 to vector<16xf32>
          %select_n3A_463 = arith.select %and3A, %broadcast_in_dim3A_462, %get3A_456 : vector<16xi1>, vector<16xf32>
          %swap3A_464 = arith.constant 0 : index
          %swap3A_465 = tpu.vector_load %arg9[%swap3A_464] {strides = array<i32>} : memref<512xf32, #tpu.memory_space<vmem>>, vector<16xf32>,
          tpu.vector_store %arg9[%swap3A_464], %select_n3A_463 {strides = array<i32>} : memref<512xf32, #tpu.memory_space<vmem>>, vector<16xf32>,
          %get3A_466 = arith.constant 16 : index
          %get3A_467 = tpu.vector_load %arg9[%get3A_466] {strides = array<i32>} : memref<512xf32, #tpu.memory_space<vmem>>, vector<16xf32>,
          %get3A_468 = arith.constant 16 : index
          %get3A_469 = tpu.vector_load %arg10[%get3A_468] {strides = array<i32>} : memref<512xi32, #tpu.memory_space<vmem>>, vector<16xi32>,
          %eq3A_470 = arith.cmpf oeq, %get3A_467, %masked_cummax3A_143 : vector<16xf32>
          %eq3A_471 = arith.cmpi eq, %get3A_469, %neg3A_454 : vector<16xi32>
          %and3A_472 = arith.andi %eq3A_470, %eq3A_471 : vector<16xi1>
          %jit3A_473 = arith.constant -3.000000e+38 : f32
          %broadcast_in_dim3A_474 = vector.broadcast %jit3A_473 : f32 to vector<16xf32>
          %select_n3A_475 = arith.select %and3A_472, %broadcast_in_dim3A_474, %get3A_467 : vector<16xi1>, vector<16xf32>
          %swap3A_476 = arith.constant 16 : index
          %swap3A_477 = tpu.vector_load %arg9[%swap3A_476] {strides = array<i32>} : memref<512xf32, #tpu.memory_space<vmem>>, vector<16xf32>,
          tpu.vector_store %arg9[%swap3A_476], %select_n3A_475 {strides = array<i32>} : memref<512xf32, #tpu.memory_space<vmem>>, vector<16xf32>,
          %get3A_478 = arith.constant 32 : index
          %get3A_479 = tpu.vector_load %arg9[%get3A_478] {strides = array<i32>} : memref<512xf32, #tpu.memory_space<vmem>>, vector<16xf32>,
          %get3A_480 = arith.constant 32 : index
          %get3A_481 = tpu.vector_load %arg10[%get3A_480] {strides = array<i32>} : memref<512xi32, #tpu.memory_space<vmem>>, vector<16xi32>,
          %eq3A_482 = arith.cmpf oeq, %get3A_479, %masked_cummax3A_143 : vector<16xf32>
          %eq3A_483 = arith.cmpi eq, %get3A_481, %neg3A_454 : vector<16xi32>
          %and3A_484 = arith.andi %eq3A_482, %eq3A_483 : vector<16xi1>
          %jit3A_485 = arith.constant -3.000000e+38 : f32
          %broadcast_in_dim3A_486 = vector.broadcast %jit3A_485 : f32 to vector<16xf32>
          %select_n3A_487 = arith.select %and3A_484, %broadcast_in_dim3A_486, %get3A_479 : vector<16xi1>, vector<16xf32>
          %swap3A_488 = arith.constant 32 : index
          %swap3A_489 = tpu.vector_load %arg9[%swap3A_488] {strides = array<i32>} : memref<512xf32, #tpu.memory_space<vmem>>, vector<16xf32>,
          tpu.vector_store %arg9[%swap3A_488], %select_n3A_487 {strides = array<i32>} : memref<512xf32, #tpu.memory_space<vmem>>, vector<16xf32>,
          %get3A_490 = arith.constant 48 : index
          %get3A_491 = tpu.vector_load %arg9[%get3A_490] {strides = array<i32>} : memref<512xf32, #tpu.memory_space<vmem>>, vector<16xf32>,
          %get3A_492 = arith.constant 48 : index
          %get3A_493 = tpu.vector_load %arg10[%get3A_492] {strides = array<i32>} : memref<512xi32, #tpu.memory_space<vmem>>, vector<16xi32>,
          %eq3A_494 = arith.cmpf oeq, %get3A_491, %masked_cummax3A_143 : vector<16xf32>
          %eq3A_495 = arith.cmpi eq, %get3A_493, %neg3A_454 : vector<16xi32>
          %and3A_496 = arith.andi %eq3A_494, %eq3A_495 : vector<16xi1>
          %jit3A_497 = arith.constant -3.000000e+38 : f32
          %broadcast_in_dim3A_498 = vector.broadcast %jit3A_497 : f32 to vector<16xf32>
          %select_n3A_499 = arith.select %and3A_496, %broadcast_in_dim3A_498, %get3A_491 : vector<16xi1>, vector<16xf32>
          %swap3A_500 = arith.constant 48 : index
          %swap3A_501 = tpu.vector_load %arg9[%swap3A_500] {strides = array<i32>} : memref<512xf32, #tpu.memory_space<vmem>>, vector<16xf32>,
          tpu.vector_store %arg9[%swap3A_500], %select_n3A_499 {strides = array<i32>} : memref<512xf32, #tpu.memory_space<vmem>>, vector<16xf32>,
          %get3A_502 = arith.constant 64 : index
          %get3A_503 = tpu.vector_load %arg9[%get3A_502] {strides = array<i32>} : memref<512xf32, #tpu.memory_space<vmem>>, vector<16xf32>,
          %get3A_504 = arith.constant 64 : index
          %get3A_505 = tpu.vector_load %arg10[%get3A_504] {strides = array<i32>} : memref<512xi32, #tpu.memory_space<vmem>>, vector<16xi32>,
          %eq3A_506 = arith.cmpf oeq, %get3A_503, %masked_cummax3A_143 : vector<16xf32>
          %eq3A_507 = arith.cmpi eq, %get3A_505, %neg3A_454 : vector<16xi32>
          %and3A_508 = arith.andi %eq3A_506, %eq3A_507 : vector<16xi1>
          %jit3A_509 = arith.constant -3.000000e+38 : f32
          %broadcast_in_dim3A_510 = vector.broadcast %jit3A_509 : f32 to vector<16xf32>
          %select_n3A_511 = arith.select %and3A_508, %broadcast_in_dim3A_510, %get3A_503 : vector<16xi1>, vector<16xf32>
          %swap3A_512 = arith.constant 64 : index
          %swap3A_513 = tpu.vector_load %arg9[%swap3A_512] {strides = array<i32>} : memref<512xf32, #tpu.memory_space<vmem>>, vector<16xf32>,
          tpu.vector_store %arg9[%swap3A_512], %select_n3A_511 {strides = array<i32>} : memref<512xf32, #tpu.memory_space<vmem>>, vector<16xf32>,
          %get3A_514 = arith.constant 80 : index
          %get3A_515 = tpu.vector_load %arg9[%get3A_514] {strides = array<i32>} : memref<512xf32, #tpu.memory_space<vmem>>, vector<16xf32>,
          %get3A_516 = arith.constant 80 : index
          %get3A_517 = tpu.vector_load %arg10[%get3A_516] {strides = array<i32>} : memref<512xi32, #tpu.memory_space<vmem>>, vector<16xi32>,
          %eq3A_518 = arith.cmpf oeq, %get3A_515, %masked_cummax3A_143 : vector<16xf32>
          %eq3A_519 = arith.cmpi eq, %get3A_517, %neg3A_454 : vector<16xi32>
          %and3A_520 = arith.andi %eq3A_518, %eq3A_519 : vector<16xi1>
          %jit3A_521 = arith.constant -3.000000e+38 : f32
          %broadcast_in_dim3A_522 = vector.broadcast %jit3A_521 : f32 to vector<16xf32>
          %select_n3A_523 = arith.select %and3A_520, %broadcast_in_dim3A_522, %get3A_515 : vector<16xi1>, vector<16xf32>
          %swap3A_524 = arith.constant 80 : index
          %swap3A_525 = tpu.vector_load %arg9[%swap3A_524] {strides = array<i32>} : memref<512xf32, #tpu.memory_space<vmem>>, vector<16xf32>,
          tpu.vector_store %arg9[%swap3A_524], %select_n3A_523 {strides = array<i32>} : memref<512xf32, #tpu.memory_space<vmem>>, vector<16xf32>,
          %get3A_526 = arith.constant 96 : index
          %get3A_527 = tpu.vector_load %arg9[%get3A_526] {strides = array<i32>} : memref<512xf32, #tpu.memory_space<vmem>>, vector<16xf32>,
          %get3A_528 = arith.constant 96 : index
          %get3A_529 = tpu.vector_load %arg10[%get3A_528] {strides = array<i32>} : memref<512xi32, #tpu.memory_space<vmem>>, vector<16xi32>,
          %eq3A_530 = arith.cmpf oeq, %get3A_527, %masked_cummax3A_143 : vector<16xf32>
          %eq3A_531 = arith.cmpi eq, %get3A_529, %neg3A_454 : vector<16xi32>
          %and3A_532 = arith.andi %eq3A_530, %eq3A_531 : vector<16xi1>
          %jit3A_533 = arith.constant -3.000000e+38 : f32
          %broadcast_in_dim3A_534 = vector.broadcast %jit3A_533 : f32 to vector<16xf32>
          %select_n3A_535 = arith.select %and3A_532, %broadcast_in_dim3A_534, %get3A_527 : vector<16xi1>, vector<16xf32>
          %swap3A_536 = arith.constant 96 : index
          %swap3A_537 = tpu.vector_load %arg9[%swap3A_536] {strides = array<i32>} : memref<512xf32, #tpu.memory_space<vmem>>, vector<16xf32>,
          tpu.vector_store %arg9[%swap3A_536], %select_n3A_535 {strides = array<i32>} : memref<512xf32, #tpu.memory_space<vmem>>, vector<16xf32>,
          %get3A_538 = arith.constant 112 : index
          %get3A_539 = tpu.vector_load %arg9[%get3A_538] {strides = array<i32>} : memref<512xf32, #tpu.memory_space<vmem>>, vector<16xf32>,
          %get3A_540 = arith.constant 112 : index
          %get3A_541 = tpu.vector_load %arg10[%get3A_540] {strides = array<i32>} : memref<512xi32, #tpu.memory_space<vmem>>, vector<16xi32>,
          %eq3A_542 = arith.cmpf oeq, %get3A_539, %masked_cummax3A_143 : vector<16xf32>
          %eq3A_543 = arith.cmpi eq, %get3A_541, %neg3A_454 : vector<16xi32>
          %and3A_544 = arith.andi %eq3A_542, %eq3A_543 : vector<16xi1>
          %jit3A_545 = arith.constant -3.000000e+38 : f32
          %broadcast_in_dim3A_546 = vector.broadcast %jit3A_545 : f32 to vector<16xf32>
          %select_n3A_547 = arith.select %and3A_544, %broadcast_in_dim3A_546, %get3A_539 : vector<16xi1>, vector<16xf32>
          %swap3A_548 = arith.constant 112 : index
          %swap3A_549 = tpu.vector_load %arg9[%swap3A_548] {strides = array<i32>} : memref<512xf32, #tpu.memory_space<vmem>>, vector<16xf32>,
          tpu.vector_store %arg9[%swap3A_548], %select_n3A_547 {strides = array<i32>} : memref<512xf32, #tpu.memory_space<vmem>>, vector<16xf32>,
          %get3A_550 = arith.constant 128 : index
          %get3A_551 = tpu.vector_load %arg9[%get3A_550] {strides = array<i32>} : memref<512xf32, #tpu.memory_space<vmem>>, vector<16xf32>,
          %get3A_552 = arith.constant 128 : index
          %get3A_553 = tpu.vector_load %arg10[%get3A_552] {strides = array<i32>} : memref<512xi32, #tpu.memory_space<vmem>>, vector<16xi32>,
          %eq3A_554 = arith.cmpf oeq, %get3A_551, %masked_cummax3A_143 : vector<16xf32>
          %eq3A_555 = arith.cmpi eq, %get3A_553, %neg3A_454 : vector<16xi32>
          %and3A_556 = arith.andi %eq3A_554, %eq3A_555 : vector<16xi1>
          %jit3A_557 = arith.constant -3.000000e+38 : f32
          %broadcast_in_dim3A_558 = vector.broadcast %jit3A_557 : f32 to vector<16xf32>
          %select_n3A_559 = arith.select %and3A_556, %broadcast_in_dim3A_558, %get3A_551 : vector<16xi1>, vector<16xf32>
          %swap3A_560 = arith.constant 128 : index
          %swap3A_561 = tpu.vector_load %arg9[%swap3A_560] {strides = array<i32>} : memref<512xf32, #tpu.memory_space<vmem>>, vector<16xf32>,
          tpu.vector_store %arg9[%swap3A_560], %select_n3A_559 {strides = array<i32>} : memref<512xf32, #tpu.memory_space<vmem>>, vector<16xf32>,
          %get3A_562 = arith.constant 144 : index
          %get3A_563 = tpu.vector_load %arg9[%get3A_562] {strides = array<i32>} : memref<512xf32, #tpu.memory_space<vmem>>, vector<16xf32>,
          %get3A_564 = arith.constant 144 : index
          %get3A_565 = tpu.vector_load %arg10[%get3A_564] {strides = array<i32>} : memref<512xi32, #tpu.memory_space<vmem>>, vector<16xi32>,
          %eq3A_566 = arith.cmpf oeq, %get3A_563, %masked_cummax3A_143 : vector<16xf32>
          %eq3A_567 = arith.cmpi eq, %get3A_565, %neg3A_454 : vector<16xi32>
          %and3A_568 = arith.andi %eq3A_566, %eq3A_567 : vector<16xi1>
          %jit3A_569 = arith.constant -3.000000e+38 : f32
          %broadcast_in_dim3A_570 = vector.broadcast %jit3A_569 : f32 to vector<16xf32>
          %select_n3A_571 = arith.select %and3A_568, %broadcast_in_dim3A_570, %get3A_563 : vector<16xi1>, vector<16xf32>
          %swap3A_572 = arith.constant 144 : index
          %swap3A_573 = tpu.vector_load %arg9[%swap3A_572] {strides = array<i32>} : memref<512xf32, #tpu.memory_space<vmem>>, vector<16xf32>,
          tpu.vector_store %arg9[%swap3A_572], %select_n3A_571 {strides = array<i32>} : memref<512xf32, #tpu.memory_space<vmem>>, vector<16xf32>,
          %get3A_574 = arith.constant 160 : index
          %get3A_575 = tpu.vector_load %arg9[%get3A_574] {strides = array<i32>} : memref<512xf32, #tpu.memory_space<vmem>>, vector<16xf32>,
          %get3A_576 = arith.constant 160 : index
          %get3A_577 = tpu.vector_load %arg10[%get3A_576] {strides = array<i32>} : memref<512xi32, #tpu.memory_space<vmem>>, vector<16xi32>,
          %eq3A_578 = arith.cmpf oeq, %get3A_575, %masked_cummax3A_143 : vector<16xf32>
          %eq3A_579 = arith.cmpi eq, %get3A_577, %neg3A_454 : vector<16xi32>
          %and3A_580 = arith.andi %eq3A_578, %eq3A_579 : vector<16xi1>
          %jit3A_581 = arith.constant -3.000000e+38 : f32
          %broadcast_in_dim3A_582 = vector.broadcast %jit3A_581 : f32 to vector<16xf32>
          %select_n3A_583 = arith.select %and3A_580, %broadcast_in_dim3A_582, %get3A_575 : vector<16xi1>, vector<16xf32>
          %swap3A_584 = arith.constant 160 : index
          %swap3A_585 = tpu.vector_load %arg9[%swap3A_584] {strides = array<i32>} : memref<512xf32, #tpu.memory_space<vmem>>, vector<16xf32>,
          tpu.vector_store %arg9[%swap3A_584], %select_n3A_583 {strides = array<i32>} : memref<512xf32, #tpu.memory_space<vmem>>, vector<16xf32>,
          %get3A_586 = arith.constant 176 : index
          %get3A_587 = tpu.vector_load %arg9[%get3A_586] {strides = array<i32>} : memref<512xf32, #tpu.memory_space<vmem>>, vector<16xf32>,
          %get3A_588 = arith.constant 176 : index
          %get3A_589 = tpu.vector_load %arg10[%get3A_588] {strides = array<i32>} : memref<512xi32, #tpu.memory_space<vmem>>, vector<16xi32>,
          %eq3A_590 = arith.cmpf oeq, %get3A_587, %masked_cummax3A_143 : vector<16xf32>
          %eq3A_591 = arith.cmpi eq, %get3A_589, %neg3A_454 : vector<16xi32>
          %and3A_592 = arith.andi %eq3A_590, %eq3A_591 : vector<16xi1>
          %jit3A_593 = arith.constant -3.000000e+38 : f32
          %broadcast_in_dim3A_594 = vector.broadcast %jit3A_593 : f32 to vector<16xf32>
          %select_n3A_595 = arith.select %and3A_592, %broadcast_in_dim3A_594, %get3A_587 : vector<16xi1>, vector<16xf32>
          %swap3A_596 = arith.constant 176 : index
          %swap3A_597 = tpu.vector_load %arg9[%swap3A_596] {strides = array<i32>} : memref<512xf32, #tpu.memory_space<vmem>>, vector<16xf32>,
          tpu.vector_store %arg9[%swap3A_596], %select_n3A_595 {strides = array<i32>} : memref<512xf32, #tpu.memory_space<vmem>>, vector<16xf32>,
          %get3A_598 = arith.constant 192 : index
          %get3A_599 = tpu.vector_load %arg9[%get3A_598] {strides = array<i32>} : memref<512xf32, #tpu.memory_space<vmem>>, vector<16xf32>,
          %get3A_600 = arith.constant 192 : index
          %get3A_601 = tpu.vector_load %arg10[%get3A_600] {strides = array<i32>} : memref<512xi32, #tpu.memory_space<vmem>>, vector<16xi32>,
          %eq3A_602 = arith.cmpf oeq, %get3A_599, %masked_cummax3A_143 : vector<16xf32>
          %eq3A_603 = arith.cmpi eq, %get3A_601, %neg3A_454 : vector<16xi32>
          %and3A_604 = arith.andi %eq3A_602, %eq3A_603 : vector<16xi1>
          %jit3A_605 = arith.constant -3.000000e+38 : f32
          %broadcast_in_dim3A_606 = vector.broadcast %jit3A_605 : f32 to vector<16xf32>
          %select_n3A_607 = arith.select %and3A_604, %broadcast_in_dim3A_606, %get3A_599 : vector<16xi1>, vector<16xf32>
          %swap3A_608 = arith.constant 192 : index
          %swap3A_609 = tpu.vector_load %arg9[%swap3A_608] {strides = array<i32>} : memref<512xf32, #tpu.memory_space<vmem>>, vector<16xf32>,
          tpu.vector_store %arg9[%swap3A_608], %select_n3A_607 {strides = array<i32>} : memref<512xf32, #tpu.memory_space<vmem>>, vector<16xf32>,
          %get3A_610 = arith.constant 208 : index
          %get3A_611 = tpu.vector_load %arg9[%get3A_610] {strides = array<i32>} : memref<512xf32, #tpu.memory_space<vmem>>, vector<16xf32>,
          %get3A_612 = arith.constant 208 : index
          %get3A_613 = tpu.vector_load %arg10[%get3A_612] {strides = array<i32>} : memref<512xi32, #tpu.memory_space<vmem>>, vector<16xi32>,
          %eq3A_614 = arith.cmpf oeq, %get3A_611, %masked_cummax3A_143 : vector<16xf32>
          %eq3A_615 = arith.cmpi eq, %get3A_613, %neg3A_454 : vector<16xi32>
          %and3A_616 = arith.andi %eq3A_614, %eq3A_615 : vector<16xi1>
          %jit3A_617 = arith.constant -3.000000e+38 : f32
          %broadcast_in_dim3A_618 = vector.broadcast %jit3A_617 : f32 to vector<16xf32>
          %select_n3A_619 = arith.select %and3A_616, %broadcast_in_dim3A_618, %get3A_611 : vector<16xi1>, vector<16xf32>
          %swap3A_620 = arith.constant 208 : index
          %swap3A_621 = tpu.vector_load %arg9[%swap3A_620] {strides = array<i32>} : memref<512xf32, #tpu.memory_space<vmem>>, vector<16xf32>,
          tpu.vector_store %arg9[%swap3A_620], %select_n3A_619 {strides = array<i32>} : memref<512xf32, #tpu.memory_space<vmem>>, vector<16xf32>,
          %get3A_622 = arith.constant 224 : index
          %get3A_623 = tpu.vector_load %arg9[%get3A_622] {strides = array<i32>} : memref<512xf32, #tpu.memory_space<vmem>>, vector<16xf32>,
          %get3A_624 = arith.constant 224 : index
          %get3A_625 = tpu.vector_load %arg10[%get3A_624] {strides = array<i32>} : memref<512xi32, #tpu.memory_space<vmem>>, vector<16xi32>,
          %eq3A_626 = arith.cmpf oeq, %get3A_623, %masked_cummax3A_143 : vector<16xf32>
          %eq3A_627 = arith.cmpi eq, %get3A_625, %neg3A_454 : vector<16xi32>
          %and3A_628 = arith.andi %eq3A_626, %eq3A_627 : vector<16xi1>
          %jit3A_629 = arith.constant -3.000000e+38 : f32
          %broadcast_in_dim3A_630 = vector.broadcast %jit3A_629 : f32 to vector<16xf32>
          %select_n3A_631 = arith.select %and3A_628, %broadcast_in_dim3A_630, %get3A_623 : vector<16xi1>, vector<16xf32>
          %swap3A_632 = arith.constant 224 : index
          %swap3A_633 = tpu.vector_load %arg9[%swap3A_632] {strides = array<i32>} : memref<512xf32, #tpu.memory_space<vmem>>, vector<16xf32>,
          tpu.vector_store %arg9[%swap3A_632], %select_n3A_631 {strides = array<i32>} : memref<512xf32, #tpu.memory_space<vmem>>, vector<16xf32>,
          %get3A_634 = arith.constant 240 : index
          %get3A_635 = tpu.vector_load %arg9[%get3A_634] {strides = array<i32>} : memref<512xf32, #tpu.memory_space<vmem>>, vector<16xf32>,
          %get3A_636 = arith.constant 240 : index
          %get3A_637 = tpu.vector_load %arg10[%get3A_636] {strides = array<i32>} : memref<512xi32, #tpu.memory_space<vmem>>, vector<16xi32>,
          %eq3A_638 = arith.cmpf oeq, %get3A_635, %masked_cummax3A_143 : vector<16xf32>
          %eq3A_639 = arith.cmpi eq, %get3A_637, %neg3A_454 : vector<16xi32>
          %and3A_640 = arith.andi %eq3A_638, %eq3A_639 : vector<16xi1>
          %jit3A_641 = arith.constant -3.000000e+38 : f32
          %broadcast_in_dim3A_642 = vector.broadcast %jit3A_641 : f32 to vector<16xf32>
          %select_n3A_643 = arith.select %and3A_640, %broadcast_in_dim3A_642, %get3A_635 : vector<16xi1>, vector<16xf32>
          %swap3A_644 = arith.constant 240 : index
          %swap3A_645 = tpu.vector_load %arg9[%swap3A_644] {strides = array<i32>} : memref<512xf32, #tpu.memory_space<vmem>>, vector<16xf32>,
          tpu.vector_store %arg9[%swap3A_644], %select_n3A_643 {strides = array<i32>} : memref<512xf32, #tpu.memory_space<vmem>>, vector<16xf32>,
          %get3A_646 = arith.constant 256 : index
          %get3A_647 = tpu.vector_load %arg9[%get3A_646] {strides = array<i32>} : memref<512xf32, #tpu.memory_space<vmem>>, vector<16xf32>,
          %get3A_648 = arith.constant 256 : index
          %get3A_649 = tpu.vector_load %arg10[%get3A_648] {strides = array<i32>} : memref<512xi32, #tpu.memory_space<vmem>>, vector<16xi32>,
          %eq3A_650 = arith.cmpf oeq, %get3A_647, %masked_cummax3A_143 : vector<16xf32>
          %eq3A_651 = arith.cmpi eq, %get3A_649, %neg3A_454 : vector<16xi32>
          %and3A_652 = arith.andi %eq3A_650, %eq3A_651 : vector<16xi1>
          %jit3A_653 = arith.constant -3.000000e+38 : f32
          %broadcast_in_dim3A_654 = vector.broadcast %jit3A_653 : f32 to vector<16xf32>
          %select_n3A_655 = arith.select %and3A_652, %broadcast_in_dim3A_654, %get3A_647 : vector<16xi1>, vector<16xf32>
          %swap3A_656 = arith.constant 256 : index
          %swap3A_657 = tpu.vector_load %arg9[%swap3A_656] {strides = array<i32>} : memref<512xf32, #tpu.memory_space<vmem>>, vector<16xf32>,
          tpu.vector_store %arg9[%swap3A_656], %select_n3A_655 {strides = array<i32>} : memref<512xf32, #tpu.memory_space<vmem>>, vector<16xf32>,
          %get3A_658 = arith.constant 272 : index
          %get3A_659 = tpu.vector_load %arg9[%get3A_658] {strides = array<i32>} : memref<512xf32, #tpu.memory_space<vmem>>, vector<16xf32>,
          %get3A_660 = arith.constant 272 : index
          %get3A_661 = tpu.vector_load %arg10[%get3A_660] {strides = array<i32>} : memref<512xi32, #tpu.memory_space<vmem>>, vector<16xi32>,
          %eq3A_662 = arith.cmpf oeq, %get3A_659, %masked_cummax3A_143 : vector<16xf32>
          %eq3A_663 = arith.cmpi eq, %get3A_661, %neg3A_454 : vector<16xi32>
          %and3A_664 = arith.andi %eq3A_662, %eq3A_663 : vector<16xi1>
          %jit3A_665 = arith.constant -3.000000e+38 : f32
          %broadcast_in_dim3A_666 = vector.broadcast %jit3A_665 : f32 to vector<16xf32>
          %select_n3A_667 = arith.select %and3A_664, %broadcast_in_dim3A_666, %get3A_659 : vector<16xi1>, vector<16xf32>
          %swap3A_668 = arith.constant 272 : index
          %swap3A_669 = tpu.vector_load %arg9[%swap3A_668] {strides = array<i32>} : memref<512xf32, #tpu.memory_space<vmem>>, vector<16xf32>,
          tpu.vector_store %arg9[%swap3A_668], %select_n3A_667 {strides = array<i32>} : memref<512xf32, #tpu.memory_space<vmem>>, vector<16xf32>,
          %get3A_670 = arith.constant 288 : index
          %get3A_671 = tpu.vector_load %arg9[%get3A_670] {strides = array<i32>} : memref<512xf32, #tpu.memory_space<vmem>>, vector<16xf32>,
          %get3A_672 = arith.constant 288 : index
          %get3A_673 = tpu.vector_load %arg10[%get3A_672] {strides = array<i32>} : memref<512xi32, #tpu.memory_space<vmem>>, vector<16xi32>,
          %eq3A_674 = arith.cmpf oeq, %get3A_671, %masked_cummax3A_143 : vector<16xf32>
          %eq3A_675 = arith.cmpi eq, %get3A_673, %neg3A_454 : vector<16xi32>
          %and3A_676 = arith.andi %eq3A_674, %eq3A_675 : vector<16xi1>
          %jit3A_677 = arith.constant -3.000000e+38 : f32
          %broadcast_in_dim3A_678 = vector.broadcast %jit3A_677 : f32 to vector<16xf32>
          %select_n3A_679 = arith.select %and3A_676, %broadcast_in_dim3A_678, %get3A_671 : vector<16xi1>, vector<16xf32>
          %swap3A_680 = arith.constant 288 : index
          %swap3A_681 = tpu.vector_load %arg9[%swap3A_680] {strides = array<i32>} : memref<512xf32, #tpu.memory_space<vmem>>, vector<16xf32>,
          tpu.vector_store %arg9[%swap3A_680], %select_n3A_679 {strides = array<i32>} : memref<512xf32, #tpu.memory_space<vmem>>, vector<16xf32>,
          %get3A_682 = arith.constant 304 : index
          %get3A_683 = tpu.vector_load %arg9[%get3A_682] {strides = array<i32>} : memref<512xf32, #tpu.memory_space<vmem>>, vector<16xf32>,
          %get3A_684 = arith.constant 304 : index
          %get3A_685 = tpu.vector_load %arg10[%get3A_684] {strides = array<i32>} : memref<512xi32, #tpu.memory_space<vmem>>, vector<16xi32>,
          %eq3A_686 = arith.cmpf oeq, %get3A_683, %masked_cummax3A_143 : vector<16xf32>
          %eq3A_687 = arith.cmpi eq, %get3A_685, %neg3A_454 : vector<16xi32>
          %and3A_688 = arith.andi %eq3A_686, %eq3A_687 : vector<16xi1>
          %jit3A_689 = arith.constant -3.000000e+38 : f32
          %broadcast_in_dim3A_690 = vector.broadcast %jit3A_689 : f32 to vector<16xf32>
          %select_n3A_691 = arith.select %and3A_688, %broadcast_in_dim3A_690, %get3A_683 : vector<16xi1>, vector<16xf32>
          %swap3A_692 = arith.constant 304 : index
          %swap3A_693 = tpu.vector_load %arg9[%swap3A_692] {strides = array<i32>} : memref<512xf32, #tpu.memory_space<vmem>>, vector<16xf32>,
          tpu.vector_store %arg9[%swap3A_692], %select_n3A_691 {strides = array<i32>} : memref<512xf32, #tpu.memory_space<vmem>>, vector<16xf32>,
          %get3A_694 = arith.constant 320 : index
          %get3A_695 = tpu.vector_load %arg9[%get3A_694] {strides = array<i32>} : memref<512xf32, #tpu.memory_space<vmem>>, vector<16xf32>,
          %get3A_696 = arith.constant 320 : index
          %get3A_697 = tpu.vector_load %arg10[%get3A_696] {strides = array<i32>} : memref<512xi32, #tpu.memory_space<vmem>>, vector<16xi32>,
          %eq3A_698 = arith.cmpf oeq, %get3A_695, %masked_cummax3A_143 : vector<16xf32>
          %eq3A_699 = arith.cmpi eq, %get3A_697, %neg3A_454 : vector<16xi32>
          %and3A_700 = arith.andi %eq3A_698, %eq3A_699 : vector<16xi1>
          %jit3A_701 = arith.constant -3.000000e+38 : f32
          %broadcast_in_dim3A_702 = vector.broadcast %jit3A_701 : f32 to vector<16xf32>
          %select_n3A_703 = arith.select %and3A_700, %broadcast_in_dim3A_702, %get3A_695 : vector<16xi1>, vector<16xf32>
          %swap3A_704 = arith.constant 320 : index
          %swap3A_705 = tpu.vector_load %arg9[%swap3A_704] {strides = array<i32>} : memref<512xf32, #tpu.memory_space<vmem>>, vector<16xf32>,
          tpu.vector_store %arg9[%swap3A_704], %select_n3A_703 {strides = array<i32>} : memref<512xf32, #tpu.memory_space<vmem>>, vector<16xf32>,
          %get3A_706 = arith.constant 336 : index
          %get3A_707 = tpu.vector_load %arg9[%get3A_706] {strides = array<i32>} : memref<512xf32, #tpu.memory_space<vmem>>, vector<16xf32>,
          %get3A_708 = arith.constant 336 : index
          %get3A_709 = tpu.vector_load %arg10[%get3A_708] {strides = array<i32>} : memref<512xi32, #tpu.memory_space<vmem>>, vector<16xi32>,
          %eq3A_710 = arith.cmpf oeq, %get3A_707, %masked_cummax3A_143 : vector<16xf32>
          %eq3A_711 = arith.cmpi eq, %get3A_709, %neg3A_454 : vector<16xi32>
          %and3A_712 = arith.andi %eq3A_710, %eq3A_711 : vector<16xi1>
          %jit3A_713 = arith.constant -3.000000e+38 : f32
          %broadcast_in_dim3A_714 = vector.broadcast %jit3A_713 : f32 to vector<16xf32>
          %select_n3A_715 = arith.select %and3A_712, %broadcast_in_dim3A_714, %get3A_707 : vector<16xi1>, vector<16xf32>
          %swap3A_716 = arith.constant 336 : index
          %swap3A_717 = tpu.vector_load %arg9[%swap3A_716] {strides = array<i32>} : memref<512xf32, #tpu.memory_space<vmem>>, vector<16xf32>,
          tpu.vector_store %arg9[%swap3A_716], %select_n3A_715 {strides = array<i32>} : memref<512xf32, #tpu.memory_space<vmem>>, vector<16xf32>,
          %get3A_718 = arith.constant 352 : index
          %get3A_719 = tpu.vector_load %arg9[%get3A_718] {strides = array<i32>} : memref<512xf32, #tpu.memory_space<vmem>>, vector<16xf32>,
          %get3A_720 = arith.constant 352 : index
          %get3A_721 = tpu.vector_load %arg10[%get3A_720] {strides = array<i32>} : memref<512xi32, #tpu.memory_space<vmem>>, vector<16xi32>,
          %eq3A_722 = arith.cmpf oeq, %get3A_719, %masked_cummax3A_143 : vector<16xf32>
          %eq3A_723 = arith.cmpi eq, %get3A_721, %neg3A_454 : vector<16xi32>
          %and3A_724 = arith.andi %eq3A_722, %eq3A_723 : vector<16xi1>
          %jit3A_725 = arith.constant -3.000000e+38 : f32
          %broadcast_in_dim3A_726 = vector.broadcast %jit3A_725 : f32 to vector<16xf32>
          %select_n3A_727 = arith.select %and3A_724, %broadcast_in_dim3A_726, %get3A_719 : vector<16xi1>, vector<16xf32>
          %swap3A_728 = arith.constant 352 : index
          %swap3A_729 = tpu.vector_load %arg9[%swap3A_728] {strides = array<i32>} : memref<512xf32, #tpu.memory_space<vmem>>, vector<16xf32>,
          tpu.vector_store %arg9[%swap3A_728], %select_n3A_727 {strides = array<i32>} : memref<512xf32, #tpu.memory_space<vmem>>, vector<16xf32>,
          %get3A_730 = arith.constant 368 : index
          %get3A_731 = tpu.vector_load %arg9[%get3A_730] {strides = array<i32>} : memref<512xf32, #tpu.memory_space<vmem>>, vector<16xf32>,
          %get3A_732 = arith.constant 368 : index
          %get3A_733 = tpu.vector_load %arg10[%get3A_732] {strides = array<i32>} : memref<512xi32, #tpu.memory_space<vmem>>, vector<16xi32>,
          %eq3A_734 = arith.cmpf oeq, %get3A_731, %masked_cummax3A_143 : vector<16xf32>
          %eq3A_735 = arith.cmpi eq, %get3A_733, %neg3A_454 : vector<16xi32>
          %and3A_736 = arith.andi %eq3A_734, %eq3A_735 : vector<16xi1>
          %jit3A_737 = arith.constant -3.000000e+38 : f32
          %broadcast_in_dim3A_738 = vector.broadcast %jit3A_737 : f32 to vector<16xf32>
          %select_n3A_739 = arith.select %and3A_736, %broadcast_in_dim3A_738, %get3A_731 : vector<16xi1>, vector<16xf32>
          %swap3A_740 = arith.constant 368 : index
          %swap3A_741 = tpu.vector_load %arg9[%swap3A_740] {strides = array<i32>} : memref<512xf32, #tpu.memory_space<vmem>>, vector<16xf32>,
          tpu.vector_store %arg9[%swap3A_740], %select_n3A_739 {strides = array<i32>} : memref<512xf32, #tpu.memory_space<vmem>>, vector<16xf32>,
          %get3A_742 = arith.constant 384 : index
          %get3A_743 = tpu.vector_load %arg9[%get3A_742] {strides = array<i32>} : memref<512xf32, #tpu.memory_space<vmem>>, vector<16xf32>,
          %get3A_744 = arith.constant 384 : index
          %get3A_745 = tpu.vector_load %arg10[%get3A_744] {strides = array<i32>} : memref<512xi32, #tpu.memory_space<vmem>>, vector<16xi32>,
          %eq3A_746 = arith.cmpf oeq, %get3A_743, %masked_cummax3A_143 : vector<16xf32>
          %eq3A_747 = arith.cmpi eq, %get3A_745, %neg3A_454 : vector<16xi32>
          %and3A_748 = arith.andi %eq3A_746, %eq3A_747 : vector<16xi1>
          %jit3A_749 = arith.constant -3.000000e+38 : f32
          %broadcast_in_dim3A_750 = vector.broadcast %jit3A_749 : f32 to vector<16xf32>
          %select_n3A_751 = arith.select %and3A_748, %broadcast_in_dim3A_750, %get3A_743 : vector<16xi1>, vector<16xf32>
          %swap3A_752 = arith.constant 384 : index
          %swap3A_753 = tpu.vector_load %arg9[%swap3A_752] {strides = array<i32>} : memref<512xf32, #tpu.memory_space<vmem>>, vector<16xf32>,
          tpu.vector_store %arg9[%swap3A_752], %select_n3A_751 {strides = array<i32>} : memref<512xf32, #tpu.memory_space<vmem>>, vector<16xf32>,
          %get3A_754 = arith.constant 400 : index
          %get3A_755 = tpu.vector_load %arg9[%get3A_754] {strides = array<i32>} : memref<512xf32, #tpu.memory_space<vmem>>, vector<16xf32>,
          %get3A_756 = arith.constant 400 : index
          %get3A_757 = tpu.vector_load %arg10[%get3A_756] {strides = array<i32>} : memref<512xi32, #tpu.memory_space<vmem>>, vector<16xi32>,
          %eq3A_758 = arith.cmpf oeq, %get3A_755, %masked_cummax3A_143 : vector<16xf32>
          %eq3A_759 = arith.cmpi eq, %get3A_757, %neg3A_454 : vector<16xi32>
          %and3A_760 = arith.andi %eq3A_758, %eq3A_759 : vector<16xi1>
          %jit3A_761 = arith.constant -3.000000e+38 : f32
          %broadcast_in_dim3A_762 = vector.broadcast %jit3A_761 : f32 to vector<16xf32>
          %select_n3A_763 = arith.select %and3A_760, %broadcast_in_dim3A_762, %get3A_755 : vector<16xi1>, vector<16xf32>
          %swap3A_764 = arith.constant 400 : index
          %swap3A_765 = tpu.vector_load %arg9[%swap3A_764] {strides = array<i32>} : memref<512xf32, #tpu.memory_space<vmem>>, vector<16xf32>,
          tpu.vector_store %arg9[%swap3A_764], %select_n3A_763 {strides = array<i32>} : memref<512xf32, #tpu.memory_space<vmem>>, vector<16xf32>,
          %get3A_766 = arith.constant 416 : index
          %get3A_767 = tpu.vector_load %arg9[%get3A_766] {strides = array<i32>} : memref<512xf32, #tpu.memory_space<vmem>>, vector<16xf32>,
          %get3A_768 = arith.constant 416 : index
          %get3A_769 = tpu.vector_load %arg10[%get3A_768] {strides = array<i32>} : memref<512xi32, #tpu.memory_space<vmem>>, vector<16xi32>,
          %eq3A_770 = arith.cmpf oeq, %get3A_767, %masked_cummax3A_143 : vector<16xf32>
          %eq3A_771 = arith.cmpi eq, %get3A_769, %neg3A_454 : vector<16xi32>
          %and3A_772 = arith.andi %eq3A_770, %eq3A_771 : vector<16xi1>
          %jit3A_773 = arith.constant -3.000000e+38 : f32
          %broadcast_in_dim3A_774 = vector.broadcast %jit3A_773 : f32 to vector<16xf32>
          %select_n3A_775 = arith.select %and3A_772, %broadcast_in_dim3A_774, %get3A_767 : vector<16xi1>, vector<16xf32>
          %swap3A_776 = arith.constant 416 : index
          %swap3A_777 = tpu.vector_load %arg9[%swap3A_776] {strides = array<i32>} : memref<512xf32, #tpu.memory_space<vmem>>, vector<16xf32>,
          tpu.vector_store %arg9[%swap3A_776], %select_n3A_775 {strides = array<i32>} : memref<512xf32, #tpu.memory_space<vmem>>, vector<16xf32>,
          %get3A_778 = arith.constant 432 : index
          %get3A_779 = tpu.vector_load %arg9[%get3A_778] {strides = array<i32>} : memref<512xf32, #tpu.memory_space<vmem>>, vector<16xf32>,
          %get3A_780 = arith.constant 432 : index
          %get3A_781 = tpu.vector_load %arg10[%get3A_780] {strides = array<i32>} : memref<512xi32, #tpu.memory_space<vmem>>, vector<16xi32>,
          %eq3A_782 = arith.cmpf oeq, %get3A_779, %masked_cummax3A_143 : vector<16xf32>
          %eq3A_783 = arith.cmpi eq, %get3A_781, %neg3A_454 : vector<16xi32>
          %and3A_784 = arith.andi %eq3A_782, %eq3A_783 : vector<16xi1>
          %jit3A_785 = arith.constant -3.000000e+38 : f32
          %broadcast_in_dim3A_786 = vector.broadcast %jit3A_785 : f32 to vector<16xf32>
          %select_n3A_787 = arith.select %and3A_784, %broadcast_in_dim3A_786, %get3A_779 : vector<16xi1>, vector<16xf32>
          %swap3A_788 = arith.constant 432 : index
          %swap3A_789 = tpu.vector_load %arg9[%swap3A_788] {strides = array<i32>} : memref<512xf32, #tpu.memory_space<vmem>>, vector<16xf32>,
          tpu.vector_store %arg9[%swap3A_788], %select_n3A_787 {strides = array<i32>} : memref<512xf32, #tpu.memory_space<vmem>>, vector<16xf32>,
          %get3A_790 = arith.constant 448 : index
          %get3A_791 = tpu.vector_load %arg9[%get3A_790] {strides = array<i32>} : memref<512xf32, #tpu.memory_space<vmem>>, vector<16xf32>,
          %get3A_792 = arith.constant 448 : index
          %get3A_793 = tpu.vector_load %arg10[%get3A_792] {strides = array<i32>} : memref<512xi32, #tpu.memory_space<vmem>>, vector<16xi32>,
          %eq3A_794 = arith.cmpf oeq, %get3A_791, %masked_cummax3A_143 : vector<16xf32>
          %eq3A_795 = arith.cmpi eq, %get3A_793, %neg3A_454 : vector<16xi32>
          %and3A_796 = arith.andi %eq3A_794, %eq3A_795 : vector<16xi1>
          %jit3A_797 = arith.constant -3.000000e+38 : f32
          %broadcast_in_dim3A_798 = vector.broadcast %jit3A_797 : f32 to vector<16xf32>
          %select_n3A_799 = arith.select %and3A_796, %broadcast_in_dim3A_798, %get3A_791 : vector<16xi1>, vector<16xf32>
          %swap3A_800 = arith.constant 448 : index
          %swap3A_801 = tpu.vector_load %arg9[%swap3A_800] {strides = array<i32>} : memref<512xf32, #tpu.memory_space<vmem>>, vector<16xf32>,
          tpu.vector_store %arg9[%swap3A_800], %select_n3A_799 {strides = array<i32>} : memref<512xf32, #tpu.memory_space<vmem>>, vector<16xf32>,
          %get3A_802 = arith.constant 464 : index
          %get3A_803 = tpu.vector_load %arg9[%get3A_802] {strides = array<i32>} : memref<512xf32, #tpu.memory_space<vmem>>, vector<16xf32>,
          %get3A_804 = arith.constant 464 : index
          %get3A_805 = tpu.vector_load %arg10[%get3A_804] {strides = array<i32>} : memref<512xi32, #tpu.memory_space<vmem>>, vector<16xi32>,
          %eq3A_806 = arith.cmpf oeq, %get3A_803, %masked_cummax3A_143 : vector<16xf32>
          %eq3A_807 = arith.cmpi eq, %get3A_805, %neg3A_454 : vector<16xi32>
          %and3A_808 = arith.andi %eq3A_806, %eq3A_807 : vector<16xi1>
          %jit3A_809 = arith.constant -3.000000e+38 : f32
          %broadcast_in_dim3A_810 = vector.broadcast %jit3A_809 : f32 to vector<16xf32>
          %select_n3A_811 = arith.select %and3A_808, %broadcast_in_dim3A_810, %get3A_803 : vector<16xi1>, vector<16xf32>
          %swap3A_812 = arith.constant 464 : index
          %swap3A_813 = tpu.vector_load %arg9[%swap3A_812] {strides = array<i32>} : memref<512xf32, #tpu.memory_space<vmem>>, vector<16xf32>,
          tpu.vector_store %arg9[%swap3A_812], %select_n3A_811 {strides = array<i32>} : memref<512xf32, #tpu.memory_space<vmem>>, vector<16xf32>,
          %get3A_814 = arith.constant 480 : index
          %get3A_815 = tpu.vector_load %arg9[%get3A_814] {strides = array<i32>} : memref<512xf32, #tpu.memory_space<vmem>>, vector<16xf32>,
          %get3A_816 = arith.constant 480 : index
          %get3A_817 = tpu.vector_load %arg10[%get3A_816] {strides = array<i32>} : memref<512xi32, #tpu.memory_space<vmem>>, vector<16xi32>,
          %eq3A_818 = arith.cmpf oeq, %get3A_815, %masked_cummax3A_143 : vector<16xf32>
          %eq3A_819 = arith.cmpi eq, %get3A_817, %neg3A_454 : vector<16xi32>
          %and3A_820 = arith.andi %eq3A_818, %eq3A_819 : vector<16xi1>
          %jit3A_821 = arith.constant -3.000000e+38 : f32
          %broadcast_in_dim3A_822 = vector.broadcast %jit3A_821 : f32 to vector<16xf32>
          %select_n3A_823 = arith.select %and3A_820, %broadcast_in_dim3A_822, %get3A_815 : vector<16xi1>, vector<16xf32>
          %swap3A_824 = arith.constant 480 : index
          %swap3A_825 = tpu.vector_load %arg9[%swap3A_824] {strides = array<i32>} : memref<512xf32, #tpu.memory_space<vmem>>, vector<16xf32>,
          tpu.vector_store %arg9[%swap3A_824], %select_n3A_823 {strides = array<i32>} : memref<512xf32, #tpu.memory_space<vmem>>, vector<16xf32>,
          %get3A_826 = arith.constant 496 : index
          %get3A_827 = tpu.vector_load %arg9[%get3A_826] {strides = array<i32>} : memref<512xf32, #tpu.memory_space<vmem>>, vector<16xf32>,
          %get3A_828 = arith.constant 496 : index
          %get3A_829 = tpu.vector_load %arg10[%get3A_828] {strides = array<i32>} : memref<512xi32, #tpu.memory_space<vmem>>, vector<16xi32>,
          %eq3A_830 = arith.cmpf oeq, %get3A_827, %masked_cummax3A_143 : vector<16xf32>
          %eq3A_831 = arith.cmpi eq, %get3A_829, %neg3A_454 : vector<16xi32>
          %and3A_832 = arith.andi %eq3A_830, %eq3A_831 : vector<16xi1>
          %jit3A_833 = arith.constant -3.000000e+38 : f32
          %broadcast_in_dim3A_834 = vector.broadcast %jit3A_833 : f32 to vector<16xf32>
          %select_n3A_835 = arith.select %and3A_832, %broadcast_in_dim3A_834, %get3A_827 : vector<16xi1>, vector<16xf32>
          %swap3A_836 = arith.constant 496 : index
          %swap3A_837 = tpu.vector_load %arg9[%swap3A_836] {strides = array<i32>} : memref<512xf32, #tpu.memory_space<vmem>>, vector<16xf32>,
          tpu.vector_store %arg9[%swap3A_836], %select_n3A_835 {strides = array<i32>} : memref<512xf32, #tpu.memory_space<vmem>>, vector<16xf32>,
          %jit3A_838 = arith.constant 16 : i32
          %eq3A_839 = arith.constant 0 : i32
          %eq3A_840 = arith.cmpi eq, %jit3A_838, %eq3A_839 : i32
          %jit3A_841 = arith.constant 1 : i32
          %select_n3A_842 = arith.select %eq3A_840, %jit3A_841, %jit3A_838 : i32
          %rem3A = arith.remsi %scan3A_37, %select_n3A_842 : i32
          %ne3A = arith.constant 0 : i32
          %ne3A_843 = arith.cmpi ne, %rem3A, %ne3A : i32
          %lt3A = arith.constant 0 : i32
          %lt3A_844 = arith.cmpi slt, %rem3A, %lt3A : i32
          %lt3A_845 = arith.constant 0 : i32
          %lt3A_846 = arith.cmpi slt, %select_n3A_842, %lt3A_845 : i32
          %ne3A_847 = arith.xori %lt3A_844, %lt3A_846 : i1
          %and3A_848 = arith.andi %ne3A_847, %ne3A_843 : i1
          %add3A = arith.addi %rem3A, %select_n3A_842 : i32
          %select_n3A_849 = arith.select %and3A_848, %add3A, %rem3A : i32
          %eq3A_850 = vector.broadcast %select_n3A_849 : i32 to vector<16xi32>
          %eq3A_851 = arith.cmpi eq, %iota3A, %eq3A_850 : vector<16xi32>
          %lt3A_852 = arith.constant 16 : i32
          %lt3A_853 = arith.cmpi slt, %scan3A_37, %lt3A_852 : i32
          %and3A_854 = vector.broadcast %lt3A_853 : i1 to vector<16xi1>
          %and3A_855 = arith.andi %eq3A_851, %and3A_854 : vector<16xi1>
          %jit3A_856 = arith.constant 16 : i32
          %eq3A_857 = arith.constant 0 : i32
          %eq3A_858 = arith.cmpi eq, %jit3A_856, %eq3A_857 : i32
          %jit3A_859 = arith.constant 1 : i32
          %select_n3A_860 = arith.select %eq3A_858, %jit3A_859, %jit3A_856 : i32
          %rem3A_861 = arith.remsi %scan3A_37, %select_n3A_860 : i32
          %ne3A_862 = arith.constant 0 : i32
          %ne3A_863 = arith.cmpi ne, %rem3A_861, %ne3A_862 : i32
          %lt3A_864 = arith.constant 0 : i32
          %lt3A_865 = arith.cmpi slt, %rem3A_861, %lt3A_864 : i32
          %lt3A_866 = arith.constant 0 : i32
          %lt3A_867 = arith.cmpi slt, %select_n3A_860, %lt3A_866 : i32
          %ne3A_868 = arith.xori %lt3A_865, %lt3A_867 : i1
          %and3A_869 = arith.andi %ne3A_868, %ne3A_863 : i1
          %add3A_870 = arith.addi %rem3A_861, %select_n3A_860 : i32
          %select_n3A_871 = arith.select %and3A_869, %add3A_870, %rem3A_861 : i32
          %eq3A_872 = vector.broadcast %select_n3A_871 : i32 to vector<16xi32>
          %eq3A_873 = arith.cmpi eq, %iota3A, %eq3A_872 : vector<16xi32>
          %ge3A = arith.constant 16 : i32
          %ge3A_874 = arith.cmpi sge, %scan3A_37, %ge3A : i32
          %and3A_875 = vector.broadcast %ge3A_874 : i1 to vector<16xi1>
          %and3A_876 = arith.andi %eq3A_873, %and3A_875 : vector<16xi1>
          %select_n3A_877 = arith.select %and3A_855, %masked_cummax3A_143, %scan3A_38 : vector<16xi1>, vector<16xf32>
          %select_n3A_878 = arith.select %and3A_876, %masked_cummax3A_143, %scan3A_39 : vector<16xi1>, vector<16xf32>
          %select_n3A_879 = arith.select %and3A_855, %neg3A_454, %scan3A_40 : vector<16xi1>, vector<16xi32>
          %select_n3A_880 = arith.select %and3A_876, %neg3A_454, %scan3A_41 : vector<16xi1>, vector<16xi32>
          scf.yield %select_n3A_877, %select_n3A_878, %select_n3A_879, %select_n3A_880 : vector<16xf32>, vector<16xf32>, vector<16xi32>, vector<16xi32>
        }
        %scan3A_32 = arith.constant 32 : i32
        %swap3A_33 = arith.constant 0 : index
        %swap3A_34 = tpu.vector_load %arg11[%swap3A_33] {strides = array<i32>} : memref<32xi32, #tpu.memory_space<vmem>>, vector<16xi32>,
        tpu.vector_store %arg11[%swap3A_33], %scan3A_31#2 {strides = array<i32>} : memref<32xi32, #tpu.memory_space<vmem>>, vector<16xi32>,
        %swap3A_35 = arith.constant 16 : index
        %swap3A_36 = tpu.vector_load %arg11[%swap3A_35] {strides = array<i32>} : memref<32xi32, #tpu.memory_space<vmem>>, vector<16xi32>,
        tpu.vector_store %arg11[%swap3A_35], %scan3A_31#3 {strides = array<i32>} : memref<32xi32, #tpu.memory_space<vmem>>, vector<16xi32>,
        "tpu.region"() ({
          %run_scoped3A = tpu.sem_alloc : memref<!tpu.dma_semaphore, #tpu.memory_space<semaphore_mem>>
          tpu.enqueue_dma source(%arg11 : memref<32xi32, #tpu.memory_space<vmem>>) target(%arg3 : memref<32xi32, #tpu.memory_space<hbm>>) target_semaphore(%run_scoped3A : memref<!tpu.dma_semaphore, #tpu.memory_space<semaphore_mem>>)
          tpu.wait_dma2 semaphore(%run_scoped3A : memref<!tpu.dma_semaphore, #tpu.memory_space<semaphore_mem>>) src(%arg11 : memref<32xi32, #tpu.memory_space<vmem>>) dst(%arg3 : memref<32xi32, #tpu.memory_space<hbm>>)
          tpu.yield
        }) : () -> ()
      } else {
      }
    } else {
    }
    return
  }
}

module attributes {stable_mosaic.version = 14 : i64} {
  func.func @_prep_body(%arg0: memref<1024x1024xf32, #tpu.memory_space<vmem>>, %arg1: memref<1024x1024xf32, #tpu.memory_space<vmem>>, %arg2: memref<1024x1024xf32, #tpu.memory_space<vmem>>, %arg3: memref<1024x256xf32, #tpu.memory_space<vmem>>, %arg4: memref<1024x256xf32, #tpu.memory_space<vmem>>, %arg5: memref<1024x1xf32, #tpu.memory_space<vmem>>, %arg6: memref<1024x1xf32, #tpu.memory_space<vmem>>, %arg7: memref<4096x256xf32, #tpu.memory_space<vmem>>, %arg8: memref<16x256xf32, #tpu.memory_space<vmem>>, %arg9: memref<1x16xf32, #tpu.memory_space<vmem>>, %arg10: memref<1x1xf32, #tpu.memory_space<vmem>>, %arg11: memref<1024x3586xbf16, #tpu.memory_space<vmem>>, %arg12: memref<4096x256xbf16, #tpu.memory_space<vmem>>, %arg13: memref<256x4096xbf16, #tpu.memory_space<vmem>>, %arg14: memref<1x4096xf32, #tpu.memory_space<vmem>>) attributes {dimension_semantics = [], scalar_prefetch = 0 : i64, scratch_operands = 0 : i64, tpu.core_type = #tpu.core_type<tc>} {
    %get3A = arith.constant 0 : index
    %get3A_0 = arith.constant 0 : index
    %get3A_1 = vector.load %arg0[%get3A, %get3A_0] : memref<1024x1024xf32, #tpu.memory_space<vmem>>, vector<1024x1024xf32>
    %convert_element_type3A = arith.truncf %get3A_1 : vector<1024x1024xf32> to vector<1024x1024xbf16>
    %swap3A = arith.constant 0 : index
    %swap3A_2 = arith.constant 0 : index
    %swap3A_3 = vector.load %arg11[%swap3A, %swap3A_2] : memref<1024x3586xbf16, #tpu.memory_space<vmem>>, vector<1024x1024xbf16>
    tpu.vector_store %arg11[%swap3A, %swap3A_2], %convert_element_type3A {strides = array<i32>} : memref<1024x3586xbf16, #tpu.memory_space<vmem>>, vector<1024x1024xbf16>,
    %get3A_4 = arith.constant 0 : index
    %get3A_5 = arith.constant 0 : index
    %get3A_6 = vector.load %arg1[%get3A_4, %get3A_5] : memref<1024x1024xf32, #tpu.memory_space<vmem>>, vector<1024x1024xf32>
    %convert_element_type3A_7 = arith.truncf %get3A_6 : vector<1024x1024xf32> to vector<1024x1024xbf16>
    %swap3A_8 = arith.constant 0 : index
    %swap3A_9 = arith.constant 1024 : index
    %swap3A_10 = vector.load %arg11[%swap3A_8, %swap3A_9] : memref<1024x3586xbf16, #tpu.memory_space<vmem>>, vector<1024x1024xbf16>
    tpu.vector_store %arg11[%swap3A_8, %swap3A_9], %convert_element_type3A_7 {strides = array<i32>} : memref<1024x3586xbf16, #tpu.memory_space<vmem>>, vector<1024x1024xbf16>,
    %get3A_11 = arith.constant 0 : index
    %get3A_12 = arith.constant 0 : index
    %get3A_13 = vector.load %arg2[%get3A_11, %get3A_12] : memref<1024x1024xf32, #tpu.memory_space<vmem>>, vector<1024x1024xf32>
    %convert_element_type3A_14 = arith.truncf %get3A_13 : vector<1024x1024xf32> to vector<1024x1024xbf16>
    %swap3A_15 = arith.constant 0 : index
    %swap3A_16 = arith.constant 2048 : index
    %swap3A_17 = vector.load %arg11[%swap3A_15, %swap3A_16] : memref<1024x3586xbf16, #tpu.memory_space<vmem>>, vector<1024x1024xbf16>
    tpu.vector_store %arg11[%swap3A_15, %swap3A_16], %convert_element_type3A_14 {strides = array<i32>} : memref<1024x3586xbf16, #tpu.memory_space<vmem>>, vector<1024x1024xbf16>,
    %get3A_18 = arith.constant 0 : index
    %get3A_19 = arith.constant 0 : index
    %get3A_20 = vector.load %arg3[%get3A_18, %get3A_19] : memref<1024x256xf32, #tpu.memory_space<vmem>>, vector<1024x256xf32>
    %convert_element_type3A_21 = arith.truncf %get3A_20 : vector<1024x256xf32> to vector<1024x256xbf16>
    %swap3A_22 = arith.constant 0 : index
    %swap3A_23 = arith.constant 3072 : index
    %swap3A_24 = vector.load %arg11[%swap3A_22, %swap3A_23] : memref<1024x3586xbf16, #tpu.memory_space<vmem>>, vector<1024x256xbf16>
    tpu.vector_store %arg11[%swap3A_22, %swap3A_23], %convert_element_type3A_21 {strides = array<i32>} : memref<1024x3586xbf16, #tpu.memory_space<vmem>>, vector<1024x256xbf16>,
    %get3A_25 = arith.constant 0 : index
    %get3A_26 = arith.constant 0 : index
    %get3A_27 = vector.load %arg4[%get3A_25, %get3A_26] : memref<1024x256xf32, #tpu.memory_space<vmem>>, vector<1024x256xf32>
    %convert_element_type3A_28 = arith.truncf %get3A_27 : vector<1024x256xf32> to vector<1024x256xbf16>
    %swap3A_29 = arith.constant 0 : index
    %swap3A_30 = arith.constant 3328 : index
    %swap3A_31 = vector.load %arg11[%swap3A_29, %swap3A_30] : memref<1024x3586xbf16, #tpu.memory_space<vmem>>, vector<1024x256xbf16>
    tpu.vector_store %arg11[%swap3A_29, %swap3A_30], %convert_element_type3A_28 {strides = array<i32>} : memref<1024x3586xbf16, #tpu.memory_space<vmem>>, vector<1024x256xbf16>,
    %get3A_32 = arith.constant 0 : index
    %get3A_33 = arith.constant 0 : index
    %get3A_34 = vector.load %arg5[%get3A_32, %get3A_33] : memref<1024x1xf32, #tpu.memory_space<vmem>>, vector<1024x1xf32>
    %convert_element_type3A_35 = arith.truncf %get3A_34 : vector<1024x1xf32> to vector<1024x1xbf16>
    %swap3A_36 = arith.constant 0 : index
    %swap3A_37 = arith.constant 3584 : index
    %swap3A_38 = vector.load %arg11[%swap3A_36, %swap3A_37] : memref<1024x3586xbf16, #tpu.memory_space<vmem>>, vector<1024x1xbf16>
    tpu.vector_store %arg11[%swap3A_36, %swap3A_37], %convert_element_type3A_35 {strides = array<i32>} : memref<1024x3586xbf16, #tpu.memory_space<vmem>>, vector<1024x1xbf16>,
    %get3A_39 = arith.constant 0 : index
    %get3A_40 = arith.constant 0 : index
    %get3A_41 = vector.load %arg6[%get3A_39, %get3A_40] : memref<1024x1xf32, #tpu.memory_space<vmem>>, vector<1024x1xf32>
    %convert_element_type3A_42 = arith.truncf %get3A_41 : vector<1024x1xf32> to vector<1024x1xbf16>
    %swap3A_43 = arith.constant 0 : index
    %swap3A_44 = arith.constant 3585 : index
    %swap3A_45 = vector.load %arg11[%swap3A_43, %swap3A_44] : memref<1024x3586xbf16, #tpu.memory_space<vmem>>, vector<1024x1xbf16>
    tpu.vector_store %arg11[%swap3A_43, %swap3A_44], %convert_element_type3A_42 {strides = array<i32>} : memref<1024x3586xbf16, #tpu.memory_space<vmem>>, vector<1024x1xbf16>,
    %get3A_46 = arith.constant 0 : index
    %get3A_47 = arith.constant 0 : index
    %get3A_48 = vector.load %arg7[%get3A_46, %get3A_47] : memref<4096x256xf32, #tpu.memory_space<vmem>>, vector<4096x256xf32>
    %convert_element_type3A_49 = arith.truncf %get3A_48 : vector<4096x256xf32> to vector<4096x256xbf16>
    %swap3A_50 = arith.constant 0 : index
    %swap3A_51 = arith.constant 0 : index
    %swap3A_52 = vector.load %arg12[%swap3A_50, %swap3A_51] : memref<4096x256xbf16, #tpu.memory_space<vmem>>, vector<4096x256xbf16>
    tpu.vector_store %arg12[%swap3A_50, %swap3A_51], %convert_element_type3A_49 {strides = array<i32>} : memref<4096x256xbf16, #tpu.memory_space<vmem>>, vector<4096x256xbf16>,
    %transpose3A = tpu.transpose %convert_element_type3A_49, [1, 0] : vector<4096x256xbf16> -> vector<256x4096xbf16>
    %swap3A_53 = arith.constant 0 : index
    %swap3A_54 = arith.constant 0 : index
    %swap3A_55 = vector.load %arg13[%swap3A_53, %swap3A_54] : memref<256x4096xbf16, #tpu.memory_space<vmem>>, vector<256x4096xbf16>
    tpu.vector_store %arg13[%swap3A_53, %swap3A_54], %transpose3A {strides = array<i32>} : memref<256x4096xbf16, #tpu.memory_space<vmem>>, vector<256x4096xbf16>,
    %get3A_56 = arith.constant 0 : index
    %get3A_57 = arith.constant 0 : index
    %get3A_58 = vector.load %arg8[%get3A_56, %get3A_57] : memref<16x256xf32, #tpu.memory_space<vmem>>, vector<16x256xf32>
    %convert_element_type3A_59 = arith.truncf %get3A_58 : vector<16x256xf32> to vector<16x256xbf16>
    %dot_general3A = arith.constant dense<0.000000e+00> : vector<4096x16xf32>
    %dot_general3A_60 = tpu.matmul %convert_element_type3A_49, %convert_element_type3A_59, %dot_general3A {dimension_numbers = #tpu.dot_dimension_numbers<[1], [1], [0], [0], [0, 0, 1, 0], [], []>, transpose_lhs_hint = false} : vector<4096x256xbf16>, vector<16x256xbf16>, vector<4096x16xf32> -> vector<4096x16xf32>
    %get3A_61 = arith.constant 0 : index
    %get3A_62 = arith.constant 0 : index
    %get3A_63 = vector.load %arg9[%get3A_61, %get3A_62] : memref<1x16xf32, #tpu.memory_space<vmem>>, vector<1x16xf32>
    %convert_element_type3A_64 = arith.truncf %get3A_63 : vector<1x16xf32> to vector<1x16xbf16>
    %convert_element_type3A_65 = arith.truncf %dot_general3A_60 : vector<4096x16xf32> to vector<4096x16xbf16>
    %dot_general3A_66 = arith.constant dense<0.000000e+00> : vector<1x4096xf32>
    %dot_general3A_67 = tpu.matmul %convert_element_type3A_64, %convert_element_type3A_65, %dot_general3A_66 {dimension_numbers = #tpu.dot_dimension_numbers<[1], [1], [0], [0], [0, 0, 1, 0], [], []>, transpose_lhs_hint = false} : vector<1x16xbf16>, vector<4096x16xbf16>, vector<1x4096xf32> -> vector<1x4096xf32>
    %mul3A = arith.constant 6.250000e-02 : f32
    %mul3A_68 = vector.broadcast %mul3A : f32 to vector<1x4096xf32>
    %mul3A_69 = arith.mulf %dot_general3A_67, %mul3A_68 : vector<1x4096xf32>
    %get3A_70 = arith.constant 0 : index
    %get3A_71 = arith.constant 0 : index
    %get3A_72 = vector.load %arg10[%get3A_70, %get3A_71] : memref<1x1xf32, #tpu.memory_space<vmem>>, vector<1x1xf32>
    %get3A_73 = vector.extract %get3A_72[0, 0] : f32 from vector<1x1xf32>
    %add3A = vector.broadcast %get3A_73 : f32 to vector<1x4096xf32>
    %add3A_74 = arith.addf %mul3A_69, %add3A : vector<1x4096xf32>
    %swap3A_75 = arith.constant 0 : index
    %swap3A_76 = arith.constant 0 : index
    %swap3A_77 = vector.load %arg14[%swap3A_75, %swap3A_76] : memref<1x4096xf32, #tpu.memory_space<vmem>>, vector<1x4096xf32>
    tpu.vector_store %arg14[%swap3A_75, %swap3A_76], %add3A_74 {strides = array<i32>} : memref<1x4096xf32, #tpu.memory_space<vmem>>, vector<1x4096xf32>,
    return
  }
}

module attributes {stable_mosaic.version = 14 : i64} {
  func.func @_main_body(%arg0: i32, %arg1: memref<1x128x1024xf32, #tpu.memory_space<vmem>>, %arg2: memref<256x4096xbf16, #tpu.memory_space<vmem>>, %arg3: memref<4096x256xbf16, #tpu.memory_space<vmem>>, %arg4: memref<1x4096xf32, #tpu.memory_space<vmem>>, %arg5: memref<1x1024xf32, #tpu.memory_space<vmem>>, %arg6: memref<1024x3586xbf16, #tpu.memory_space<vmem>>, %arg7: memref<1x1xf32, #tpu.memory_space<vmem>>, %arg8: memref<1x128x1024xf32, #tpu.memory_space<vmem>>, %arg9: memref<1x128x256xf32, #tpu.memory_space<vmem>>, %arg10: memref<1x128x1xf32, #tpu.memory_space<vmem>>, %arg11: memref<1x128x1024xf32, #tpu.memory_space<vmem>>, %arg12: memref<1x128x4x4096xf32, #tpu.memory_space<vmem>>, %arg13: memref<1x128x4x256xf32, #tpu.memory_space<vmem>>, %arg14: memref<1x128x256xf32, #tpu.memory_space<vmem>>, %arg15: memref<1x4096xf32, #tpu.memory_space<vmem>>, %arg16: memref<512x4096xf32, #tpu.memory_space<vmem>>) attributes {dimension_semantics = [#tpu.dimension_semantics<arbitrary>], iteration_bounds = array<i64: 16>, scalar_prefetch = 0 : i64, scratch_operands = 1 : i64, tpu.core_type = #tpu.core_type<tc>, window_params = [{transform_indices = @transform_0, window_bounds = array<i64: 1, 128, 1024>}, {pipeline_mode = #tpu.pipeline_mode<synchronous>, transform_indices = @transform_1, window_bounds = array<i64: 256, 4096>}, {pipeline_mode = #tpu.pipeline_mode<synchronous>, transform_indices = @transform_2, window_bounds = array<i64: 4096, 256>}, {pipeline_mode = #tpu.pipeline_mode<synchronous>, transform_indices = @transform_3, window_bounds = array<i64: 1, 4096>}, {pipeline_mode = #tpu.pipeline_mode<synchronous>, transform_indices = @transform_4, window_bounds = array<i64: 1, 1024>}, {pipeline_mode = #tpu.pipeline_mode<synchronous>, transform_indices = @transform_5, window_bounds = array<i64: 1024, 3586>}, {pipeline_mode = #tpu.pipeline_mode<synchronous>, transform_indices = @transform_6, window_bounds = array<i64: 1, 1>}, {transform_indices = @transform_7, window_bounds = array<i64: 1, 128, 1024>}, {transform_indices = @transform_8, window_bounds = array<i64: 1, 128, 256>}, {transform_indices = @transform_9, window_bounds = array<i64: 1, 128, 1>}, {transform_indices = @transform_10, window_bounds = array<i64: 1, 128, 1024>}, {transform_indices = @transform_11, window_bounds = array<i64: 1, 128, 4, 4096>}, {transform_indices = @transform_12, window_bounds = array<i64: 1, 128, 4, 256>}, {transform_indices = @transform_13, window_bounds = array<i64: 1, 128, 256>}, {pipeline_mode = #tpu.pipeline_mode<synchronous>, transform_indices = @transform_14, window_bounds = array<i64: 1, 4096>}]} {
    %eq3A = arith.constant 0 : i32
    %eq3A_0 = arith.cmpi eq, %arg0, %eq3A : i32
    %convert_element_type3A = arith.extui %eq3A_0 : i1 to i32
    %cond3A = arith.constant 0 : i32
    %cond3A_1 = arith.cmpi ne, %convert_element_type3A, %cond3A : i32
    scf.if %cond3A_1 {
      %broadcast_in_dim3A_347 = arith.constant 0.000000e+00 : f32
      %broadcast_in_dim3A_348 = vector.broadcast %broadcast_in_dim3A_347 : f32 to vector<1x4096xf32>
      %swap3A_349 = arith.constant 0 : index
      %swap3A_350 = arith.constant 0 : index
      %swap3A_351 = vector.load %arg15[%swap3A_349, %swap3A_350] : memref<1x4096xf32, #tpu.memory_space<vmem>>, vector<1x4096xf32>
      tpu.vector_store %arg15[%swap3A_349, %swap3A_350], %broadcast_in_dim3A_348 {strides = array<i32>} : memref<1x4096xf32, #tpu.memory_space<vmem>>, vector<1x4096xf32>,
    } else {
    }
    %get3A = arith.constant 0 : index
    %get3A_2 = arith.constant 0 : index
    %get3A_3 = arith.constant 0 : index
    %get3A_4 = vector.load %arg1[%get3A, %get3A_2, %get3A_3] : memref<1x128x1024xf32, #tpu.memory_space<vmem>>, vector<1x128x1024xf32>
    %get3A_5 = vector.shape_cast %get3A_4 : vector<1x128x1024xf32> to vector<128x1024xf32>
    %mul3A = arith.mulf %get3A_5, %get3A_5 : vector<128x1024xf32>
    %reduce_sum3A = arith.constant dense<0.000000e+00> : vector<128xf32>
    %reduce_sum3A_6 = vector.multi_reduction <add>, %mul3A, %reduce_sum3A [1] : vector<128x1024xf32> to vector<128xf32>
    %broadcast_in_dim3A = vector.shape_cast %reduce_sum3A_6 : vector<128xf32> to vector<128x1xf32>
    %div3A = arith.constant 1.024000e+03 : f32
    %div3A_7 = vector.broadcast %div3A : f32 to vector<128x1xf32>
    %div3A_8 = arith.divf %broadcast_in_dim3A, %div3A_7 : vector<128x1xf32>
    %add3A = arith.constant 9.99999997E-7 : f32
    %add3A_9 = vector.broadcast %add3A : f32 to vector<128x1xf32>
    %add3A_10 = arith.addf %div3A_8, %add3A_9 : vector<128x1xf32>
    %rsqrt3A = math.rsqrt %add3A_10 : vector<128x1xf32>
    %mul3A_11 = vector.broadcast %rsqrt3A : vector<128x1xf32> to vector<128x1024xf32>
    %mul3A_12 = arith.mulf %get3A_5, %mul3A_11 : vector<128x1024xf32>
    %get3A_13 = arith.constant 0 : index
    %get3A_14 = arith.constant 0 : index
    %get3A_15 = vector.load %arg5[%get3A_13, %get3A_14] : memref<1x1024xf32, #tpu.memory_space<vmem>>, vector<1x1024xf32>
    %mul3A_16 = vector.broadcast %get3A_15 : vector<1x1024xf32> to vector<128x1024xf32>
    %mul3A_17 = arith.mulf %mul3A_12, %mul3A_16 : vector<128x1024xf32>
    %get3A_18 = arith.constant 0 : index
    %get3A_19 = arith.constant 0 : index
    %get3A_20 = vector.load %arg6[%get3A_18, %get3A_19] : memref<1024x3586xbf16, #tpu.memory_space<vmem>>, vector<1024x1024xbf16>
    %convert_element_type3A_21 = arith.truncf %mul3A_17 : vector<128x1024xf32> to vector<128x1024xbf16>
    %dot_general3A = arith.constant dense<0.000000e+00> : vector<128x1024xf32>
    %dot_general3A_22 = tpu.matmul %convert_element_type3A_21, %get3A_20, %dot_general3A {dimension_numbers = #tpu.dot_dimension_numbers<[1], [0], [0], [1], [0, 0, 1, 1], [], []>, transpose_lhs_hint = false} : vector<128x1024xbf16>, vector<1024x1024xbf16>, vector<128x1024xf32> -> vector<128x1024xf32>
    %mul3A_23 = arith.constant 6.250000e-02 : f32
    %mul3A_24 = vector.broadcast %mul3A_23 : f32 to vector<128x1024xf32>
    %mul3A_25 = arith.mulf %dot_general3A_22, %mul3A_24 : vector<128x1024xf32>
    %reshape3A = vector.shape_cast %mul3A_25 : vector<128x1024xf32> to vector<512x256xf32>
    %convert_element_type3A_26 = arith.truncf %reshape3A : vector<512x256xf32> to vector<512x256xbf16>
    %get3A_27 = arith.constant 0 : index
    %get3A_28 = arith.constant 0 : index
    %get3A_29 = vector.load %arg2[%get3A_27, %get3A_28] : memref<256x4096xbf16, #tpu.memory_space<vmem>>, vector<256x1024xbf16>
    %dot_general3A_30 = arith.constant dense<0.000000e+00> : vector<512x1024xf32>
    %dot_general3A_31 = tpu.matmul %convert_element_type3A_26, %get3A_29, %dot_general3A_30 {dimension_numbers = #tpu.dot_dimension_numbers<[1], [0], [0], [1], [0, 0, 1, 1], [], []>, transpose_lhs_hint = false} : vector<512x256xbf16>, vector<256x1024xbf16>, vector<512x1024xf32> -> vector<512x1024xf32>
    %get3A_32 = arith.constant 0 : index
    %get3A_33 = arith.constant 0 : index
    %get3A_34 = vector.load %arg4[%get3A_32, %get3A_33] : memref<1x4096xf32, #tpu.memory_space<vmem>>, vector<1x1024xf32>
    %add3A_35 = vector.broadcast %get3A_34 : vector<1x1024xf32> to vector<512x1024xf32>
    %add3A_36 = arith.addf %dot_general3A_31, %add3A_35 : vector<512x1024xf32>
    %reduce_max3A = arith.constant dense<0xFF800000> : vector<512xf32>
    %reduce_max3A_37 = vector.multi_reduction <maximumf>, %add3A_36, %reduce_max3A [1] : vector<512x1024xf32> to vector<512xf32>
    %broadcast_in_dim3A_38 = vector.shape_cast %reduce_max3A_37 : vector<512xf32> to vector<512x1xf32>
    %sub3A = vector.broadcast %broadcast_in_dim3A_38 : vector<512x1xf32> to vector<512x1024xf32>
    %sub3A_39 = arith.subf %add3A_36, %sub3A : vector<512x1024xf32>
    %exp3A = math.exp %sub3A_39 : vector<512x1024xf32>
    %reduce_sum3A_40 = arith.constant dense<0.000000e+00> : vector<512xf32>
    %reduce_sum3A_41 = vector.multi_reduction <add>, %exp3A, %reduce_sum3A_40 [1] : vector<512x1024xf32> to vector<512xf32>
    %broadcast_in_dim3A_42 = vector.shape_cast %reduce_sum3A_41 : vector<512xf32> to vector<512x1xf32>
    %swap3A = arith.constant 0 : index
    %swap3A_43 = arith.constant 0 : index
    %swap3A_44 = vector.load %arg16[%swap3A, %swap3A_43] : memref<512x4096xf32, #tpu.memory_space<vmem>>, vector<512x1024xf32>
    tpu.vector_store %arg16[%swap3A, %swap3A_43], %exp3A {strides = array<i32>} : memref<512x4096xf32, #tpu.memory_space<vmem>>, vector<512x1024xf32>,
    %get3A_45 = arith.constant 0 : index
    %get3A_46 = arith.constant 1024 : index
    %get3A_47 = vector.load %arg2[%get3A_45, %get3A_46] : memref<256x4096xbf16, #tpu.memory_space<vmem>>, vector<256x1024xbf16>
    %dot_general3A_48 = arith.constant dense<0.000000e+00> : vector<512x1024xf32>
    %dot_general3A_49 = tpu.matmul %convert_element_type3A_26, %get3A_47, %dot_general3A_48 {dimension_numbers = #tpu.dot_dimension_numbers<[1], [0], [0], [1], [0, 0, 1, 1], [], []>, transpose_lhs_hint = false} : vector<512x256xbf16>, vector<256x1024xbf16>, vector<512x1024xf32> -> vector<512x1024xf32>
    %get3A_50 = arith.constant 0 : index
    %get3A_51 = arith.constant 1024 : index
    %get3A_52 = vector.load %arg4[%get3A_50, %get3A_51] : memref<1x4096xf32, #tpu.memory_space<vmem>>, vector<1x1024xf32>
    %add3A_53 = vector.broadcast %get3A_52 : vector<1x1024xf32> to vector<512x1024xf32>
    %add3A_54 = arith.addf %dot_general3A_49, %add3A_53 : vector<512x1024xf32>
    %reduce_max3A_55 = arith.constant dense<0xFF800000> : vector<512xf32>
    %reduce_max3A_56 = vector.multi_reduction <maximumf>, %add3A_54, %reduce_max3A_55 [1] : vector<512x1024xf32> to vector<512xf32>
    %broadcast_in_dim3A_57 = vector.shape_cast %reduce_max3A_56 : vector<512xf32> to vector<512x1xf32>
    %sub3A_58 = vector.broadcast %broadcast_in_dim3A_57 : vector<512x1xf32> to vector<512x1024xf32>
    %sub3A_59 = arith.subf %add3A_54, %sub3A_58 : vector<512x1024xf32>
    %exp3A_60 = math.exp %sub3A_59 : vector<512x1024xf32>
    %reduce_sum3A_61 = arith.constant dense<0.000000e+00> : vector<512xf32>
    %reduce_sum3A_62 = vector.multi_reduction <add>, %exp3A_60, %reduce_sum3A_61 [1] : vector<512x1024xf32> to vector<512xf32>
    %broadcast_in_dim3A_63 = vector.shape_cast %reduce_sum3A_62 : vector<512xf32> to vector<512x1xf32>
    %swap3A_64 = arith.constant 0 : index
    %swap3A_65 = arith.constant 1024 : index
    %swap3A_66 = vector.load %arg16[%swap3A_64, %swap3A_65] : memref<512x4096xf32, #tpu.memory_space<vmem>>, vector<512x1024xf32>
    tpu.vector_store %arg16[%swap3A_64, %swap3A_65], %exp3A_60 {strides = array<i32>} : memref<512x4096xf32, #tpu.memory_space<vmem>>, vector<512x1024xf32>,
    %get3A_67 = arith.constant 0 : index
    %get3A_68 = arith.constant 2048 : index
    %get3A_69 = vector.load %arg2[%get3A_67, %get3A_68] : memref<256x4096xbf16, #tpu.memory_space<vmem>>, vector<256x1024xbf16>
    %dot_general3A_70 = arith.constant dense<0.000000e+00> : vector<512x1024xf32>
    %dot_general3A_71 = tpu.matmul %convert_element_type3A_26, %get3A_69, %dot_general3A_70 {dimension_numbers = #tpu.dot_dimension_numbers<[1], [0], [0], [1], [0, 0, 1, 1], [], []>, transpose_lhs_hint = false} : vector<512x256xbf16>, vector<256x1024xbf16>, vector<512x1024xf32> -> vector<512x1024xf32>
    %get3A_72 = arith.constant 0 : index
    %get3A_73 = arith.constant 2048 : index
    %get3A_74 = vector.load %arg4[%get3A_72, %get3A_73] : memref<1x4096xf32, #tpu.memory_space<vmem>>, vector<1x1024xf32>
    %add3A_75 = vector.broadcast %get3A_74 : vector<1x1024xf32> to vector<512x1024xf32>
    %add3A_76 = arith.addf %dot_general3A_71, %add3A_75 : vector<512x1024xf32>
    %reduce_max3A_77 = arith.constant dense<0xFF800000> : vector<512xf32>
    %reduce_max3A_78 = vector.multi_reduction <maximumf>, %add3A_76, %reduce_max3A_77 [1] : vector<512x1024xf32> to vector<512xf32>
    %broadcast_in_dim3A_79 = vector.shape_cast %reduce_max3A_78 : vector<512xf32> to vector<512x1xf32>
    %sub3A_80 = vector.broadcast %broadcast_in_dim3A_79 : vector<512x1xf32> to vector<512x1024xf32>
    %sub3A_81 = arith.subf %add3A_76, %sub3A_80 : vector<512x1024xf32>
    %exp3A_82 = math.exp %sub3A_81 : vector<512x1024xf32>
    %reduce_sum3A_83 = arith.constant dense<0.000000e+00> : vector<512xf32>
    %reduce_sum3A_84 = vector.multi_reduction <add>, %exp3A_82, %reduce_sum3A_83 [1] : vector<512x1024xf32> to vector<512xf32>
    %broadcast_in_dim3A_85 = vector.shape_cast %reduce_sum3A_84 : vector<512xf32> to vector<512x1xf32>
    %swap3A_86 = arith.constant 0 : index
    %swap3A_87 = arith.constant 2048 : index
    %swap3A_88 = vector.load %arg16[%swap3A_86, %swap3A_87] : memref<512x4096xf32, #tpu.memory_space<vmem>>, vector<512x1024xf32>
    tpu.vector_store %arg16[%swap3A_86, %swap3A_87], %exp3A_82 {strides = array<i32>} : memref<512x4096xf32, #tpu.memory_space<vmem>>, vector<512x1024xf32>,
    %get3A_89 = arith.constant 0 : index
    %get3A_90 = arith.constant 3072 : index
    %get3A_91 = vector.load %arg2[%get3A_89, %get3A_90] : memref<256x4096xbf16, #tpu.memory_space<vmem>>, vector<256x1024xbf16>
    %dot_general3A_92 = arith.constant dense<0.000000e+00> : vector<512x1024xf32>
    %dot_general3A_93 = tpu.matmul %convert_element_type3A_26, %get3A_91, %dot_general3A_92 {dimension_numbers = #tpu.dot_dimension_numbers<[1], [0], [0], [1], [0, 0, 1, 1], [], []>, transpose_lhs_hint = false} : vector<512x256xbf16>, vector<256x1024xbf16>, vector<512x1024xf32> -> vector<512x1024xf32>
    %get3A_94 = arith.constant 0 : index
    %get3A_95 = arith.constant 3072 : index
    %get3A_96 = vector.load %arg4[%get3A_94, %get3A_95] : memref<1x4096xf32, #tpu.memory_space<vmem>>, vector<1x1024xf32>
    %add3A_97 = vector.broadcast %get3A_96 : vector<1x1024xf32> to vector<512x1024xf32>
    %add3A_98 = arith.addf %dot_general3A_93, %add3A_97 : vector<512x1024xf32>
    %reduce_max3A_99 = arith.constant dense<0xFF800000> : vector<512xf32>
    %reduce_max3A_100 = vector.multi_reduction <maximumf>, %add3A_98, %reduce_max3A_99 [1] : vector<512x1024xf32> to vector<512xf32>
    %broadcast_in_dim3A_101 = vector.shape_cast %reduce_max3A_100 : vector<512xf32> to vector<512x1xf32>
    %sub3A_102 = vector.broadcast %broadcast_in_dim3A_101 : vector<512x1xf32> to vector<512x1024xf32>
    %sub3A_103 = arith.subf %add3A_98, %sub3A_102 : vector<512x1024xf32>
    %exp3A_104 = math.exp %sub3A_103 : vector<512x1024xf32>
    %reduce_sum3A_105 = arith.constant dense<0.000000e+00> : vector<512xf32>
    %reduce_sum3A_106 = vector.multi_reduction <add>, %exp3A_104, %reduce_sum3A_105 [1] : vector<512x1024xf32> to vector<512xf32>
    %broadcast_in_dim3A_107 = vector.shape_cast %reduce_sum3A_106 : vector<512xf32> to vector<512x1xf32>
    %swap3A_108 = arith.constant 0 : index
    %swap3A_109 = arith.constant 3072 : index
    %swap3A_110 = vector.load %arg16[%swap3A_108, %swap3A_109] : memref<512x4096xf32, #tpu.memory_space<vmem>>, vector<512x1024xf32>
    tpu.vector_store %arg16[%swap3A_108, %swap3A_109], %exp3A_104 {strides = array<i32>} : memref<512x4096xf32, #tpu.memory_space<vmem>>, vector<512x1024xf32>,
    %max3A = arith.maximumf %broadcast_in_dim3A_38, %broadcast_in_dim3A_57 : vector<512x1xf32>
    %max3A_111 = arith.maximumf %max3A, %broadcast_in_dim3A_79 : vector<512x1xf32>
    %max3A_112 = arith.maximumf %max3A_111, %broadcast_in_dim3A_101 : vector<512x1xf32>
    %sub3A_113 = arith.subf %broadcast_in_dim3A_38, %max3A_112 : vector<512x1xf32>
    %exp3A_114 = math.exp %sub3A_113 : vector<512x1xf32>
    %sub3A_115 = arith.subf %broadcast_in_dim3A_57, %max3A_112 : vector<512x1xf32>
    %exp3A_116 = math.exp %sub3A_115 : vector<512x1xf32>
    %sub3A_117 = arith.subf %broadcast_in_dim3A_79, %max3A_112 : vector<512x1xf32>
    %exp3A_118 = math.exp %sub3A_117 : vector<512x1xf32>
    %sub3A_119 = arith.subf %broadcast_in_dim3A_101, %max3A_112 : vector<512x1xf32>
    %exp3A_120 = math.exp %sub3A_119 : vector<512x1xf32>
    %mul3A_121 = arith.mulf %exp3A_114, %broadcast_in_dim3A_42 : vector<512x1xf32>
    %mul3A_122 = arith.mulf %exp3A_116, %broadcast_in_dim3A_63 : vector<512x1xf32>
    %add3A_123 = arith.addf %mul3A_121, %mul3A_122 : vector<512x1xf32>
    %mul3A_124 = arith.mulf %exp3A_118, %broadcast_in_dim3A_85 : vector<512x1xf32>
    %add3A_125 = arith.addf %add3A_123, %mul3A_124 : vector<512x1xf32>
    %mul3A_126 = arith.mulf %exp3A_120, %broadcast_in_dim3A_107 : vector<512x1xf32>
    %add3A_127 = arith.addf %add3A_125, %mul3A_126 : vector<512x1xf32>
    %div3A_128 = arith.constant 1.000000e+00 : f32
    %div3A_129 = vector.broadcast %div3A_128 : f32 to vector<512x1xf32>
    %div3A_130 = arith.divf %div3A_129, %add3A_127 : vector<512x1xf32>
    %broadcast_in_dim3A_131 = arith.constant 0.000000e+00 : f32
    %broadcast_in_dim3A_132 = vector.broadcast %broadcast_in_dim3A_131 : f32 to vector<512x256xf32>
    %get3A_133 = arith.constant 0 : index
    %get3A_134 = arith.constant 0 : index
    %get3A_135 = vector.load %arg16[%get3A_133, %get3A_134] : memref<512x4096xf32, #tpu.memory_space<vmem>>, vector<512x1024xf32>
    %mul3A_136 = arith.mulf %exp3A_114, %div3A_130 : vector<512x1xf32>
    %mul3A_137 = vector.broadcast %mul3A_136 : vector<512x1xf32> to vector<512x1024xf32>
    %mul3A_138 = arith.mulf %get3A_135, %mul3A_137 : vector<512x1024xf32>
    %reshape3A_139 = vector.shape_cast %mul3A_138 : vector<512x1024xf32> to vector<128x4x1024xf32>
    %swap3A_140 = arith.constant 0 : index
    %swap3A_141 = arith.constant 0 : index
    %swap3A_142 = arith.constant 0 : index
    %swap3A_143 = arith.constant 0 : index
    %swap3A_144 = vector.load %arg12[%swap3A_140, %swap3A_141, %swap3A_142, %swap3A_143] : memref<1x128x4x4096xf32, #tpu.memory_space<vmem>>, vector<1x128x4x1024xf32>
    %swap3A_145 = vector.shape_cast %swap3A_144 : vector<1x128x4x1024xf32> to vector<128x4x1024xf32>
    %swap3A_146 = vector.shape_cast %reshape3A_139 : vector<128x4x1024xf32> to vector<1x128x4x1024xf32>
    tpu.vector_store %arg12[%swap3A_140, %swap3A_141, %swap3A_142, %swap3A_143], %swap3A_146 {strides = array<i32>} : memref<1x128x4x4096xf32, #tpu.memory_space<vmem>>, vector<1x128x4x1024xf32>,
    %get3A_147 = arith.constant 0 : index
    %get3A_148 = arith.constant 0 : index
    %get3A_149 = vector.load %arg15[%get3A_147, %get3A_148] : memref<1x4096xf32, #tpu.memory_space<vmem>>, vector<1x1024xf32>
    %reduce_sum3A_150 = arith.constant dense<0.000000e+00> : vector<1024xf32>
    %reduce_sum3A_151 = vector.multi_reduction <add>, %mul3A_138, %reduce_sum3A_150 [0] : vector<512x1024xf32> to vector<1024xf32>
    %broadcast_in_dim3A_152 = vector.shape_cast %reduce_sum3A_151 : vector<1024xf32> to vector<1x1024xf32>
    %add3A_153 = arith.addf %get3A_149, %broadcast_in_dim3A_152 : vector<1x1024xf32>
    %swap3A_154 = arith.constant 0 : index
    %swap3A_155 = arith.constant 0 : index
    %swap3A_156 = vector.load %arg15[%swap3A_154, %swap3A_155] : memref<1x4096xf32, #tpu.memory_space<vmem>>, vector<1x1024xf32>
    tpu.vector_store %arg15[%swap3A_154, %swap3A_155], %add3A_153 {strides = array<i32>} : memref<1x4096xf32, #tpu.memory_space<vmem>>, vector<1x1024xf32>,
    %get3A_157 = arith.constant 0 : index
    %get3A_158 = arith.constant 0 : index
    %get3A_159 = vector.load %arg3[%get3A_157, %get3A_158] : memref<4096x256xbf16, #tpu.memory_space<vmem>>, vector<1024x256xbf16>
    %convert_element_type3A_160 = arith.truncf %mul3A_138 : vector<512x1024xf32> to vector<512x1024xbf16>
    %dot_general3A_161 = arith.constant dense<0.000000e+00> : vector<512x256xf32>
    %dot_general3A_162 = tpu.matmul %convert_element_type3A_160, %get3A_159, %dot_general3A_161 {dimension_numbers = #tpu.dot_dimension_numbers<[1], [0], [0], [1], [0, 0, 1, 1], [], []>, transpose_lhs_hint = false} : vector<512x1024xbf16>, vector<1024x256xbf16>, vector<512x256xf32> -> vector<512x256xf32>
    %add3A_163 = arith.addf %broadcast_in_dim3A_132, %dot_general3A_162 : vector<512x256xf32>
    %get3A_164 = arith.constant 0 : index
    %get3A_165 = arith.constant 1024 : index
    %get3A_166 = vector.load %arg16[%get3A_164, %get3A_165] : memref<512x4096xf32, #tpu.memory_space<vmem>>, vector<512x1024xf32>
    %mul3A_167 = arith.mulf %exp3A_116, %div3A_130 : vector<512x1xf32>
    %mul3A_168 = vector.broadcast %mul3A_167 : vector<512x1xf32> to vector<512x1024xf32>
    %mul3A_169 = arith.mulf %get3A_166, %mul3A_168 : vector<512x1024xf32>
    %reshape3A_170 = vector.shape_cast %mul3A_169 : vector<512x1024xf32> to vector<128x4x1024xf32>
    %swap3A_171 = arith.constant 0 : index
    %swap3A_172 = arith.constant 0 : index
    %swap3A_173 = arith.constant 0 : index
    %swap3A_174 = arith.constant 1024 : index
    %swap3A_175 = vector.load %arg12[%swap3A_171, %swap3A_172, %swap3A_173, %swap3A_174] : memref<1x128x4x4096xf32, #tpu.memory_space<vmem>>, vector<1x128x4x1024xf32>
    %swap3A_176 = vector.shape_cast %swap3A_175 : vector<1x128x4x1024xf32> to vector<128x4x1024xf32>
    %swap3A_177 = vector.shape_cast %reshape3A_170 : vector<128x4x1024xf32> to vector<1x128x4x1024xf32>
    tpu.vector_store %arg12[%swap3A_171, %swap3A_172, %swap3A_173, %swap3A_174], %swap3A_177 {strides = array<i32>} : memref<1x128x4x4096xf32, #tpu.memory_space<vmem>>, vector<1x128x4x1024xf32>,
    %get3A_178 = arith.constant 0 : index
    %get3A_179 = arith.constant 1024 : index
    %get3A_180 = vector.load %arg15[%get3A_178, %get3A_179] : memref<1x4096xf32, #tpu.memory_space<vmem>>, vector<1x1024xf32>
    %reduce_sum3A_181 = arith.constant dense<0.000000e+00> : vector<1024xf32>
    %reduce_sum3A_182 = vector.multi_reduction <add>, %mul3A_169, %reduce_sum3A_181 [0] : vector<512x1024xf32> to vector<1024xf32>
    %broadcast_in_dim3A_183 = vector.shape_cast %reduce_sum3A_182 : vector<1024xf32> to vector<1x1024xf32>
    %add3A_184 = arith.addf %get3A_180, %broadcast_in_dim3A_183 : vector<1x1024xf32>
    %swap3A_185 = arith.constant 0 : index
    %swap3A_186 = arith.constant 1024 : index
    %swap3A_187 = vector.load %arg15[%swap3A_185, %swap3A_186] : memref<1x4096xf32, #tpu.memory_space<vmem>>, vector<1x1024xf32>
    tpu.vector_store %arg15[%swap3A_185, %swap3A_186], %add3A_184 {strides = array<i32>} : memref<1x4096xf32, #tpu.memory_space<vmem>>, vector<1x1024xf32>,
    %get3A_188 = arith.constant 1024 : index
    %get3A_189 = arith.constant 0 : index
    %get3A_190 = vector.load %arg3[%get3A_188, %get3A_189] : memref<4096x256xbf16, #tpu.memory_space<vmem>>, vector<1024x256xbf16>
    %convert_element_type3A_191 = arith.truncf %mul3A_169 : vector<512x1024xf32> to vector<512x1024xbf16>
    %dot_general3A_192 = arith.constant dense<0.000000e+00> : vector<512x256xf32>
    %dot_general3A_193 = tpu.matmul %convert_element_type3A_191, %get3A_190, %dot_general3A_192 {dimension_numbers = #tpu.dot_dimension_numbers<[1], [0], [0], [1], [0, 0, 1, 1], [], []>, transpose_lhs_hint = false} : vector<512x1024xbf16>, vector<1024x256xbf16>, vector<512x256xf32> -> vector<512x256xf32>
    %add3A_194 = arith.addf %add3A_163, %dot_general3A_193 : vector<512x256xf32>
    %get3A_195 = arith.constant 0 : index
    %get3A_196 = arith.constant 2048 : index
    %get3A_197 = vector.load %arg16[%get3A_195, %get3A_196] : memref<512x4096xf32, #tpu.memory_space<vmem>>, vector<512x1024xf32>
    %mul3A_198 = arith.mulf %exp3A_118, %div3A_130 : vector<512x1xf32>
    %mul3A_199 = vector.broadcast %mul3A_198 : vector<512x1xf32> to vector<512x1024xf32>
    %mul3A_200 = arith.mulf %get3A_197, %mul3A_199 : vector<512x1024xf32>
    %reshape3A_201 = vector.shape_cast %mul3A_200 : vector<512x1024xf32> to vector<128x4x1024xf32>
    %swap3A_202 = arith.constant 0 : index
    %swap3A_203 = arith.constant 0 : index
    %swap3A_204 = arith.constant 0 : index
    %swap3A_205 = arith.constant 2048 : index
    %swap3A_206 = vector.load %arg12[%swap3A_202, %swap3A_203, %swap3A_204, %swap3A_205] : memref<1x128x4x4096xf32, #tpu.memory_space<vmem>>, vector<1x128x4x1024xf32>
    %swap3A_207 = vector.shape_cast %swap3A_206 : vector<1x128x4x1024xf32> to vector<128x4x1024xf32>
    %swap3A_208 = vector.shape_cast %reshape3A_201 : vector<128x4x1024xf32> to vector<1x128x4x1024xf32>
    tpu.vector_store %arg12[%swap3A_202, %swap3A_203, %swap3A_204, %swap3A_205], %swap3A_208 {strides = array<i32>} : memref<1x128x4x4096xf32, #tpu.memory_space<vmem>>, vector<1x128x4x1024xf32>,
    %get3A_209 = arith.constant 0 : index
    %get3A_210 = arith.constant 2048 : index
    %get3A_211 = vector.load %arg15[%get3A_209, %get3A_210] : memref<1x4096xf32, #tpu.memory_space<vmem>>, vector<1x1024xf32>
    %reduce_sum3A_212 = arith.constant dense<0.000000e+00> : vector<1024xf32>
    %reduce_sum3A_213 = vector.multi_reduction <add>, %mul3A_200, %reduce_sum3A_212 [0] : vector<512x1024xf32> to vector<1024xf32>
    %broadcast_in_dim3A_214 = vector.shape_cast %reduce_sum3A_213 : vector<1024xf32> to vector<1x1024xf32>
    %add3A_215 = arith.addf %get3A_211, %broadcast_in_dim3A_214 : vector<1x1024xf32>
    %swap3A_216 = arith.constant 0 : index
    %swap3A_217 = arith.constant 2048 : index
    %swap3A_218 = vector.load %arg15[%swap3A_216, %swap3A_217] : memref<1x4096xf32, #tpu.memory_space<vmem>>, vector<1x1024xf32>
    tpu.vector_store %arg15[%swap3A_216, %swap3A_217], %add3A_215 {strides = array<i32>} : memref<1x4096xf32, #tpu.memory_space<vmem>>, vector<1x1024xf32>,
    %get3A_219 = arith.constant 2048 : index
    %get3A_220 = arith.constant 0 : index
    %get3A_221 = vector.load %arg3[%get3A_219, %get3A_220] : memref<4096x256xbf16, #tpu.memory_space<vmem>>, vector<1024x256xbf16>
    %convert_element_type3A_222 = arith.truncf %mul3A_200 : vector<512x1024xf32> to vector<512x1024xbf16>
    %dot_general3A_223 = arith.constant dense<0.000000e+00> : vector<512x256xf32>
    %dot_general3A_224 = tpu.matmul %convert_element_type3A_222, %get3A_221, %dot_general3A_223 {dimension_numbers = #tpu.dot_dimension_numbers<[1], [0], [0], [1], [0, 0, 1, 1], [], []>, transpose_lhs_hint = false} : vector<512x1024xbf16>, vector<1024x256xbf16>, vector<512x256xf32> -> vector<512x256xf32>
    %add3A_225 = arith.addf %add3A_194, %dot_general3A_224 : vector<512x256xf32>
    %get3A_226 = arith.constant 0 : index
    %get3A_227 = arith.constant 3072 : index
    %get3A_228 = vector.load %arg16[%get3A_226, %get3A_227] : memref<512x4096xf32, #tpu.memory_space<vmem>>, vector<512x1024xf32>
    %mul3A_229 = arith.mulf %exp3A_120, %div3A_130 : vector<512x1xf32>
    %mul3A_230 = vector.broadcast %mul3A_229 : vector<512x1xf32> to vector<512x1024xf32>
    %mul3A_231 = arith.mulf %get3A_228, %mul3A_230 : vector<512x1024xf32>
    %reshape3A_232 = vector.shape_cast %mul3A_231 : vector<512x1024xf32> to vector<128x4x1024xf32>
    %swap3A_233 = arith.constant 0 : index
    %swap3A_234 = arith.constant 0 : index
    %swap3A_235 = arith.constant 0 : index
    %swap3A_236 = arith.constant 3072 : index
    %swap3A_237 = vector.load %arg12[%swap3A_233, %swap3A_234, %swap3A_235, %swap3A_236] : memref<1x128x4x4096xf32, #tpu.memory_space<vmem>>, vector<1x128x4x1024xf32>
    %swap3A_238 = vector.shape_cast %swap3A_237 : vector<1x128x4x1024xf32> to vector<128x4x1024xf32>
    %swap3A_239 = vector.shape_cast %reshape3A_232 : vector<128x4x1024xf32> to vector<1x128x4x1024xf32>
    tpu.vector_store %arg12[%swap3A_233, %swap3A_234, %swap3A_235, %swap3A_236], %swap3A_239 {strides = array<i32>} : memref<1x128x4x4096xf32, #tpu.memory_space<vmem>>, vector<1x128x4x1024xf32>,
    %get3A_240 = arith.constant 0 : index
    %get3A_241 = arith.constant 3072 : index
    %get3A_242 = vector.load %arg15[%get3A_240, %get3A_241] : memref<1x4096xf32, #tpu.memory_space<vmem>>, vector<1x1024xf32>
    %reduce_sum3A_243 = arith.constant dense<0.000000e+00> : vector<1024xf32>
    %reduce_sum3A_244 = vector.multi_reduction <add>, %mul3A_231, %reduce_sum3A_243 [0] : vector<512x1024xf32> to vector<1024xf32>
    %broadcast_in_dim3A_245 = vector.shape_cast %reduce_sum3A_244 : vector<1024xf32> to vector<1x1024xf32>
    %add3A_246 = arith.addf %get3A_242, %broadcast_in_dim3A_245 : vector<1x1024xf32>
    %swap3A_247 = arith.constant 0 : index
    %swap3A_248 = arith.constant 3072 : index
    %swap3A_249 = vector.load %arg15[%swap3A_247, %swap3A_248] : memref<1x4096xf32, #tpu.memory_space<vmem>>, vector<1x1024xf32>
    tpu.vector_store %arg15[%swap3A_247, %swap3A_248], %add3A_246 {strides = array<i32>} : memref<1x4096xf32, #tpu.memory_space<vmem>>, vector<1x1024xf32>,
    %get3A_250 = arith.constant 3072 : index
    %get3A_251 = arith.constant 0 : index
    %get3A_252 = vector.load %arg3[%get3A_250, %get3A_251] : memref<4096x256xbf16, #tpu.memory_space<vmem>>, vector<1024x256xbf16>
    %convert_element_type3A_253 = arith.truncf %mul3A_231 : vector<512x1024xf32> to vector<512x1024xbf16>
    %dot_general3A_254 = arith.constant dense<0.000000e+00> : vector<512x256xf32>
    %dot_general3A_255 = tpu.matmul %convert_element_type3A_253, %get3A_252, %dot_general3A_254 {dimension_numbers = #tpu.dot_dimension_numbers<[1], [0], [0], [1], [0, 0, 1, 1], [], []>, transpose_lhs_hint = false} : vector<512x1024xbf16>, vector<1024x256xbf16>, vector<512x256xf32> -> vector<512x256xf32>
    %add3A_256 = arith.addf %add3A_225, %dot_general3A_255 : vector<512x256xf32>
    %reshape3A_257 = vector.shape_cast %add3A_256 : vector<512x256xf32> to vector<128x4x256xf32>
    %swap3A_258 = arith.constant 0 : index
    %swap3A_259 = arith.constant 0 : index
    %swap3A_260 = arith.constant 0 : index
    %swap3A_261 = arith.constant 0 : index
    %swap3A_262 = vector.load %arg13[%swap3A_258, %swap3A_259, %swap3A_260, %swap3A_261] : memref<1x128x4x256xf32, #tpu.memory_space<vmem>>, vector<1x128x4x256xf32>
    %swap3A_263 = vector.shape_cast %swap3A_262 : vector<1x128x4x256xf32> to vector<128x4x256xf32>
    %swap3A_264 = vector.shape_cast %reshape3A_257 : vector<128x4x256xf32> to vector<1x128x4x256xf32>
    tpu.vector_store %arg13[%swap3A_258, %swap3A_259, %swap3A_260, %swap3A_261], %swap3A_264 {strides = array<i32>} : memref<1x128x4x256xf32, #tpu.memory_space<vmem>>, vector<1x128x4x256xf32>,
    %reshape3A_265 = vector.shape_cast %add3A_256 : vector<512x256xf32> to vector<128x1024xf32>
    %get3A_266 = arith.constant 0 : index
    %get3A_267 = arith.constant 1024 : index
    %get3A_268 = vector.load %arg6[%get3A_266, %get3A_267] : memref<1024x3586xbf16, #tpu.memory_space<vmem>>, vector<1024x1024xbf16>
    %convert_element_type3A_269 = arith.truncf %reshape3A_265 : vector<128x1024xf32> to vector<128x1024xbf16>
    %dot_general3A_270 = arith.constant dense<0.000000e+00> : vector<128x1024xf32>
    %dot_general3A_271 = tpu.matmul %convert_element_type3A_269, %get3A_268, %dot_general3A_270 {dimension_numbers = #tpu.dot_dimension_numbers<[1], [0], [0], [1], [0, 0, 1, 1], [], []>, transpose_lhs_hint = false} : vector<128x1024xbf16>, vector<1024x1024xbf16>, vector<128x1024xf32> -> vector<128x1024xf32>
    %get3A_272 = arith.constant 0 : index
    %get3A_273 = arith.constant 3584 : index
    %get3A_274 = vector.load %arg6[%get3A_272, %get3A_273] : memref<1024x3586xbf16, #tpu.memory_space<vmem>>, vector<1024x2xbf16>
    %convert_element_type3A_275 = arith.truncf %mul3A_17 : vector<128x1024xf32> to vector<128x1024xbf16>
    %dot_general3A_276 = arith.constant dense<0.000000e+00> : vector<128x2xf32>
    %dot_general3A_277 = tpu.matmul %convert_element_type3A_275, %get3A_274, %dot_general3A_276 {dimension_numbers = #tpu.dot_dimension_numbers<[1], [0], [0], [1], [0, 0, 1, 1], [], []>, transpose_lhs_hint = false} : vector<128x1024xbf16>, vector<1024x2xbf16>, vector<128x2xf32> -> vector<128x2xf32>
    %slice3A = vector.extract_strided_slice %dot_general3A_277 {offsets = [0, 0], sizes = [128, 1], strides = [1, 1]} : vector<128x2xf32> to vector<128x1xf32>
    %get3A_278 = arith.constant 0 : index
    %get3A_279 = arith.constant 0 : index
    %get3A_280 = vector.load %arg7[%get3A_278, %get3A_279] : memref<1x1xf32, #tpu.memory_space<vmem>>, vector<1x1xf32>
    %get3A_281 = vector.extract %get3A_280[0, 0] : f32 from vector<1x1xf32>
    %add3A_282 = vector.broadcast %get3A_281 : f32 to vector<128x1xf32>
    %add3A_283 = arith.addf %slice3A, %add3A_282 : vector<128x1xf32>
    %logistic3A = arith.negf %add3A_283 : vector<128x1xf32>
    %logistic3A_284 = math.exp %logistic3A : vector<128x1xf32>
    %logistic3A_285 = arith.constant 1.000000e+00 : f32
    %logistic3A_286 = vector.broadcast %logistic3A_285 : f32 to vector<128x1xf32>
    %logistic3A_287 = arith.addf %logistic3A_286, %logistic3A_284 : vector<128x1xf32>
    %logistic3A_288 = arith.divf %logistic3A_286, %logistic3A_287 : vector<128x1xf32>
    %slice3A_289 = vector.extract_strided_slice %dot_general3A_277 {offsets = [0, 1], sizes = [128, 1], strides = [1, 1]} : vector<128x2xf32> to vector<128x1xf32>
    %logistic3A_290 = arith.negf %slice3A_289 : vector<128x1xf32>
    %logistic3A_291 = math.exp %logistic3A_290 : vector<128x1xf32>
    %logistic3A_292 = arith.constant 1.000000e+00 : f32
    %logistic3A_293 = vector.broadcast %logistic3A_292 : f32 to vector<128x1xf32>
    %logistic3A_294 = arith.addf %logistic3A_293, %logistic3A_291 : vector<128x1xf32>
    %logistic3A_295 = arith.divf %logistic3A_293, %logistic3A_294 : vector<128x1xf32>
    %swap3A_296 = arith.constant 0 : index
    %swap3A_297 = arith.constant 0 : index
    %swap3A_298 = arith.constant 0 : index
    %swap3A_299 = vector.load %arg10[%swap3A_296, %swap3A_297, %swap3A_298] : memref<1x128x1xf32, #tpu.memory_space<vmem>>, vector<1x128x1xf32>
    %swap3A_300 = vector.shape_cast %swap3A_299 : vector<1x128x1xf32> to vector<128x1xf32>
    %swap3A_301 = vector.shape_cast %logistic3A_295 : vector<128x1xf32> to vector<1x128x1xf32>
    tpu.vector_store %arg10[%swap3A_296, %swap3A_297, %swap3A_298], %swap3A_301 {strides = array<i32>} : memref<1x128x1xf32, #tpu.memory_space<vmem>>, vector<1x128x1xf32>,
    %mul3A_302 = vector.broadcast %logistic3A_288 : vector<128x1xf32> to vector<128x1024xf32>
    %mul3A_303 = arith.mulf %dot_general3A_271, %mul3A_302 : vector<128x1024xf32>
    %add3A_304 = arith.addf %get3A_5, %mul3A_303 : vector<128x1024xf32>
    %swap3A_305 = arith.constant 0 : index
    %swap3A_306 = arith.constant 0 : index
    %swap3A_307 = arith.constant 0 : index
    %swap3A_308 = vector.load %arg8[%swap3A_305, %swap3A_306, %swap3A_307] : memref<1x128x1024xf32, #tpu.memory_space<vmem>>, vector<1x128x1024xf32>
    %swap3A_309 = vector.shape_cast %swap3A_308 : vector<1x128x1024xf32> to vector<128x1024xf32>
    %swap3A_310 = vector.shape_cast %add3A_304 : vector<128x1024xf32> to vector<1x128x1024xf32>
    tpu.vector_store %arg8[%swap3A_305, %swap3A_306, %swap3A_307], %swap3A_310 {strides = array<i32>} : memref<1x128x1024xf32, #tpu.memory_space<vmem>>, vector<1x128x1024xf32>,
    %get3A_311 = arith.constant 0 : index
    %get3A_312 = arith.constant 2048 : index
    %get3A_313 = vector.load %arg6[%get3A_311, %get3A_312] : memref<1024x3586xbf16, #tpu.memory_space<vmem>>, vector<1024x1024xbf16>
    %convert_element_type3A_314 = arith.truncf %mul3A_17 : vector<128x1024xf32> to vector<128x1024xbf16>
    %dot_general3A_315 = arith.constant dense<0.000000e+00> : vector<128x1024xf32>
    %dot_general3A_316 = tpu.matmul %convert_element_type3A_314, %get3A_313, %dot_general3A_315 {dimension_numbers = #tpu.dot_dimension_numbers<[1], [0], [0], [1], [0, 0, 1, 1], [], []>, transpose_lhs_hint = false} : vector<128x1024xbf16>, vector<1024x1024xbf16>, vector<128x1024xf32> -> vector<128x1024xf32>
    %swap3A_317 = arith.constant 0 : index
    %swap3A_318 = arith.constant 0 : index
    %swap3A_319 = arith.constant 0 : index
    %swap3A_320 = vector.load %arg11[%swap3A_317, %swap3A_318, %swap3A_319] : memref<1x128x1024xf32, #tpu.memory_space<vmem>>, vector<1x128x1024xf32>
    %swap3A_321 = vector.shape_cast %swap3A_320 : vector<1x128x1024xf32> to vector<128x1024xf32>
    %swap3A_322 = vector.shape_cast %dot_general3A_316 : vector<128x1024xf32> to vector<1x128x1024xf32>
    tpu.vector_store %arg11[%swap3A_317, %swap3A_318, %swap3A_319], %swap3A_322 {strides = array<i32>} : memref<1x128x1024xf32, #tpu.memory_space<vmem>>, vector<1x128x1024xf32>,
    %get3A_323 = arith.constant 0 : index
    %get3A_324 = arith.constant 3072 : index
    %get3A_325 = vector.load %arg6[%get3A_323, %get3A_324] : memref<1024x3586xbf16, #tpu.memory_space<vmem>>, vector<1024x256xbf16>
    %convert_element_type3A_326 = arith.truncf %mul3A_17 : vector<128x1024xf32> to vector<128x1024xbf16>
    %dot_general3A_327 = arith.constant dense<0.000000e+00> : vector<128x256xf32>
    %dot_general3A_328 = tpu.matmul %convert_element_type3A_326, %get3A_325, %dot_general3A_327 {dimension_numbers = #tpu.dot_dimension_numbers<[1], [0], [0], [1], [0, 0, 1, 1], [], []>, transpose_lhs_hint = false} : vector<128x1024xbf16>, vector<1024x256xbf16>, vector<128x256xf32> -> vector<128x256xf32>
    %swap3A_329 = arith.constant 0 : index
    %swap3A_330 = arith.constant 0 : index
    %swap3A_331 = arith.constant 0 : index
    %swap3A_332 = vector.load %arg14[%swap3A_329, %swap3A_330, %swap3A_331] : memref<1x128x256xf32, #tpu.memory_space<vmem>>, vector<1x128x256xf32>
    %swap3A_333 = vector.shape_cast %swap3A_332 : vector<1x128x256xf32> to vector<128x256xf32>
    %swap3A_334 = vector.shape_cast %dot_general3A_328 : vector<128x256xf32> to vector<1x128x256xf32>
    tpu.vector_store %arg14[%swap3A_329, %swap3A_330, %swap3A_331], %swap3A_334 {strides = array<i32>} : memref<1x128x256xf32, #tpu.memory_space<vmem>>, vector<1x128x256xf32>,
    %get3A_335 = arith.constant 0 : index
    %get3A_336 = arith.constant 3328 : index
    %get3A_337 = vector.load %arg6[%get3A_335, %get3A_336] : memref<1024x3586xbf16, #tpu.memory_space<vmem>>, vector<1024x256xbf16>
    %convert_element_type3A_338 = arith.truncf %mul3A_17 : vector<128x1024xf32> to vector<128x1024xbf16>
    %dot_general3A_339 = arith.constant dense<0.000000e+00> : vector<128x256xf32>
    %dot_general3A_340 = tpu.matmul %convert_element_type3A_338, %get3A_337, %dot_general3A_339 {dimension_numbers = #tpu.dot_dimension_numbers<[1], [0], [0], [1], [0, 0, 1, 1], [], []>, transpose_lhs_hint = false} : vector<128x1024xbf16>, vector<1024x256xbf16>, vector<128x256xf32> -> vector<128x256xf32>
    %swap3A_341 = arith.constant 0 : index
    %swap3A_342 = arith.constant 0 : index
    %swap3A_343 = arith.constant 0 : index
    %swap3A_344 = vector.load %arg9[%swap3A_341, %swap3A_342, %swap3A_343] : memref<1x128x256xf32, #tpu.memory_space<vmem>>, vector<1x128x256xf32>
    %swap3A_345 = vector.shape_cast %swap3A_344 : vector<1x128x256xf32> to vector<128x256xf32>
    %swap3A_346 = vector.shape_cast %dot_general3A_340 : vector<128x256xf32> to vector<1x128x256xf32>
    tpu.vector_store %arg9[%swap3A_341, %swap3A_342, %swap3A_343], %swap3A_346 {strides = array<i32>} : memref<1x128x256xf32, #tpu.memory_space<vmem>>, vector<1x128x256xf32>,
    return
  }
  func.func @transform_0(%arg0: i32) -> (i32, i32, i32) {
    %c0_i32 = arith.constant 0 : i32
    %c0_i32_0 = arith.constant 0 : i32
    %c0_i32_1 = arith.constant 0 : i32
    return %c0_i32, %arg0, %c0_i32_0 : i32, i32, i32
  }
  func.func @transform_1(%arg0: i32) -> (i32, i32) {
    %c0_i32 = arith.constant 0 : i32
    %c0_i32_0 = arith.constant 0 : i32
    %c0_i32_1 = arith.constant 0 : i32
    return %c0_i32, %c0_i32_0 : i32, i32
  }
  func.func @transform_2(%arg0: i32) -> (i32, i32) {
    %c0_i32 = arith.constant 0 : i32
    %c0_i32_0 = arith.constant 0 : i32
    %c0_i32_1 = arith.constant 0 : i32
    return %c0_i32, %c0_i32_0 : i32, i32
  }
  func.func @transform_3(%arg0: i32) -> (i32, i32) {
    %c0_i32 = arith.constant 0 : i32
    %c0_i32_0 = arith.constant 0 : i32
    %c0_i32_1 = arith.constant 0 : i32
    return %c0_i32, %c0_i32_0 : i32, i32
  }
  func.func @transform_4(%arg0: i32) -> (i32, i32) {
    %c0_i32 = arith.constant 0 : i32
    %c0_i32_0 = arith.constant 0 : i32
    %c0_i32_1 = arith.constant 0 : i32
    return %c0_i32, %c0_i32_0 : i32, i32
  }
  func.func @transform_5(%arg0: i32) -> (i32, i32) {
    %c0_i32 = arith.constant 0 : i32
    %c0_i32_0 = arith.constant 0 : i32
    %c0_i32_1 = arith.constant 0 : i32
    return %c0_i32, %c0_i32_0 : i32, i32
  }
  func.func @transform_6(%arg0: i32) -> (i32, i32) {
    %c0_i32 = arith.constant 0 : i32
    %c0_i32_0 = arith.constant 0 : i32
    %c0_i32_1 = arith.constant 0 : i32
    return %c0_i32, %c0_i32_0 : i32, i32
  }
  func.func @transform_7(%arg0: i32) -> (i32, i32, i32) {
    %c0_i32 = arith.constant 0 : i32
    %c0_i32_0 = arith.constant 0 : i32
    %c0_i32_1 = arith.constant 0 : i32
    return %c0_i32, %arg0, %c0_i32_0 : i32, i32, i32
  }
  func.func @transform_8(%arg0: i32) -> (i32, i32, i32) {
    %c0_i32 = arith.constant 0 : i32
    %c0_i32_0 = arith.constant 0 : i32
    %c0_i32_1 = arith.constant 0 : i32
    return %c0_i32, %arg0, %c0_i32_0 : i32, i32, i32
  }
  func.func @transform_9(%arg0: i32) -> (i32, i32, i32) {
    %c0_i32 = arith.constant 0 : i32
    %c0_i32_0 = arith.constant 0 : i32
    %c0_i32_1 = arith.constant 0 : i32
    return %c0_i32, %arg0, %c0_i32_0 : i32, i32, i32
  }
  func.func @transform_10(%arg0: i32) -> (i32, i32, i32) {
    %c0_i32 = arith.constant 0 : i32
    %c0_i32_0 = arith.constant 0 : i32
    %c0_i32_1 = arith.constant 0 : i32
    return %c0_i32, %arg0, %c0_i32_0 : i32, i32, i32
  }
  func.func @transform_11(%arg0: i32) -> (i32, i32, i32, i32) {
    %c0_i32 = arith.constant 0 : i32
    %c0_i32_0 = arith.constant 0 : i32
    %c0_i32_1 = arith.constant 0 : i32
    %c0_i32_2 = arith.constant 0 : i32
    return %c0_i32, %arg0, %c0_i32_0, %c0_i32_1 : i32, i32, i32, i32
  }
  func.func @transform_12(%arg0: i32) -> (i32, i32, i32, i32) {
    %c0_i32 = arith.constant 0 : i32
    %c0_i32_0 = arith.constant 0 : i32
    %c0_i32_1 = arith.constant 0 : i32
    %c0_i32_2 = arith.constant 0 : i32
    return %c0_i32, %arg0, %c0_i32_0, %c0_i32_1 : i32, i32, i32, i32
  }
  func.func @transform_13(%arg0: i32) -> (i32, i32, i32) {
    %c0_i32 = arith.constant 0 : i32
    %c0_i32_0 = arith.constant 0 : i32
    %c0_i32_1 = arith.constant 0 : i32
    return %c0_i32, %arg0, %c0_i32_0 : i32, i32, i32
  }
  func.func @transform_14(%arg0: i32) -> (i32, i32) {
    %c0_i32 = arith.constant 0 : i32
    %c0_i32_0 = arith.constant 0 : i32
    %c0_i32_1 = arith.constant 0 : i32
    return %c0_i32, %c0_i32_0 : i32, i32
  }
}

</mosaic_0001>

<sc_bundles>
// kernel: kernel.5.cloned.1.call-start
scs
__scs_entry_jumppad:
0x0: {  	(pc) =	sbr.rel $0x88, $3  }
0x1: {  	(tag) =	ssettag $0x0;
	lr =	simm.s32 $0x1  }
0x2: {  	[smem:$0x3F93] =	sst lr;
	_ =	strace $0xD0000000  }
0x3: {  	_ = 	snop  }
0x4: {  	_ = 	snop  }
0x5: {  	_ = 	snop  }
0x6: {  	_ = 	snop  }
0x7: {  	_ = 	snop  }
__scs_overlays_trampoline_lowered:
0x8: {  	[smem:$0x3FA2] =	sst s0  }
0x9: {  	[smem:$0x3FA3] =	sst s1  }
0xa: {  	[smem:$0x3FA4] =	sst s2  }
0xb: {  	[smem:$0x3FA5] =	sst s3  }
0xc: {  	[smem:$0x3FA6] =	sst s4  }
0xd: {  	[smem:$0x3FA7] =	sst s5  }
0xe: {  	[smem:$0x3FA8] =	sst s6  }
0xf: {  	[smem:$0x3FA9] =	sst s7  }
0x10: {  	[smem:$0x3FAA] =	sst s8  }
0x11: {  	[smem:$0x3FAB] =	sst s9;
	s0 =	simm.s32 @!p0 $0x0  }
0x12: {  	s1 =	sld [smem:$0x3F91];
	s0 =	simm.s32 @p0 $0x1  }
0x13: {  	[smem:$0x3FAC] =	sst s0;
	s0 =	simm.s32 @!p1 $0x0  }
0x14: {  	s2 =	sld [smem:$0x3F90];
	s0 =	simm.s32 @p1 $0x1  }
0x15: {  	[smem:$0x3FAD] =	sst s0;
	s0 =	simm.s32 @!p2 $0x0  }
0x16: {  	s3 =	sld [smem:$0x3FDB];
	s0 =	simm.s32 @p2 $0x1  }
0x17: {  	s4 =	simm.s32 $0x1BF5;
	[smem:$0x3FAF] =	sst s0  }
0x18: {  	s0 =	sld [smem:$0x3F92];
	_ =	swait.ge [sflag:s4], $0x0  }
0x19: {  	s7 =	sld [smem:$0x3F93]  }
0x1a: {  	s8 =	sadd.s32 $0xFFFFE003, lr  }
0x1b: {  	s9 =	sadd.s32 $0xFFFFFEF7, lr;
	s5 =	simm.s32 $0xFFFFFFFF;
	p2 =	slt.u32 s8, $0xFFFFF086  }
0x1c: {  	p1 =	slt.u32 s9, $0xF7A;
	s5 =	simm.s32 @!p2 $0x0  }
0x1d: {  	s5 =	simm.s32 @p1 $0x1;
	p0 =	seq.s32 s7, s2  }
0x1e: {  	s7 =	smul.u32 @!p0 $0xF7A, s2;
	p2 =	seq.s32 @!p0 s5, $0x0  }
0x1f: {  	s9 =	smul.u32 $0xF7A, s1;
	s8 =	simm.s32 @!p0 $0x1BF5;
	p2 =	por !p2, p0  }
0x20: {  	[sflag:s8] =	ssyncset.s32 @!p0 $0xFFFFF086;
	s6 =	sadd.s32 @!p0 s3, s7;
	s7 =	simm.s32 @!p0 $0x108  }
0x21: {  	s3 =	sadd.s32 s3, s9;
	s6 =	sadd.s32 @!p0 $0x88, s6;
	s7 =	simm.s32 @p2 $0x1082  }
0x22: {  	[simem:s7], [sflag:s8] =	dma.local @!p0 [hbm:s6], $0xF7A  }
0x23: {  	s9 =	sor.u32 $0xD0000000, s2;
	s6 =	simm.s32 $0x108;
	_ =	swait.ge @!p0 [sflag:s8], $0x0  }
0x24: {  	s3 =	sadd.s32 $0x88, s3;
	s6 =	simm.s32 @!p1 $0x1082;
	[sflag:s4] =	ssyncset.s32 $0xFFFFF086  }
0x25: {  	[simem:s6], [sflag:s4] =	dma.local [hbm:s3], $0xF7A  }
0x26: {  	[smem:$0x3F93] =	sst s1;
	(tag) =	ssettag s2;
	_ =	strace s9  }
0x27: {  	s1 =	sld [smem:$0x3FA3]  }
0x28: {  	s2 =	sld [smem:$0x3FA4]  }
0x29: {  	s4 =	sld [smem:$0x3FA6]  }
0x2a: {  	p0 =	seq.s32 s5, $0x0;
	s5 =	sld [smem:$0x3FA7]  }
0x2b: {  	s6 =	sld [smem:$0x3FA8]  }
0x2c: {  	s7 =	sld [smem:$0x3FA9]  }
0x2d: {  	s3 =	simm.s32 $0x108;
	s8 =	sld [smem:$0x3FAA]  }
0x2e: {  	s3 =	simm.s32 @!p0 $0x1082;
	s9 =	sld [smem:$0x3FAB]  }
0x2f: {  	lr =	sadd.s32 s0, s3;
	s0 =	sld [smem:$0x3FA2]  }
0x30: {  	s3 =	sld [smem:$0x3FA5]  }
0x31: {  	[smem:$0x3FAE] =	sst s10  }
0x32: {  	s10 =	sld [smem:$0x3FAC];
	_ =	sdelay $0x3  }
0x33: {  	p0 =	seq.s32 s10, $0x1;
	s10 =	sld [smem:$0x3FAE];
	_ =	sdelay $0x3  }
0x34: {  	[smem:$0x3FAE] =	sst s10  }
0x35: {  	s10 =	sld [smem:$0x3FAD];
	_ =	sdelay $0x3  }
0x36: {  	p1 =	seq.s32 s10, $0x1;
	s10 =	sld [smem:$0x3FAE];
	_ =	sdelay $0x3  }
0x37: {  	[smem:$0x3FAE] =	sst s10  }
0x38: {  	s10 =	sld [smem:$0x3FAF]  }
0x39: {  	_ = 	snop;
	(pc) =	sbr.ind lr, $3  }
0x3a: {  	_ = 	snop  }
0x3b: {  	_ = 	snop  }
0x3c: {  	p2 =	seq.s32 s10, $0x1;
	s10 =	sld [smem:$0x3FAE]  }
0x3d: {  	_ =	shalt  }
0x3e: {  	_ =	shalt  }
0x3f: {  	_ =	shalt  }
0x40: {  	_ =	shalt  }
0x41: {  	_ =	shalt  }
0x42: {  	_ =	shalt  }
0x43: {  	_ =	shalt  }
0x44: {  	_ =	shalt  }
0x45: {  	_ =	shalt  }
0x46: {  	_ =	shalt  }
0x47: {  	_ =	shalt  }
0x48: {  	_ =	shalt  }
0x49: {  	_ =	shalt  }
0x4a: {  	_ =	shalt  }
0x4b: {  	_ =	shalt  }
0x4c: {  	_ =	shalt  }
0x4d: {  	_ =	shalt  }
0x4e: {  	_ =	shalt  }
0x4f: {  	_ =	shalt  }
0x50: {  	_ =	shalt  }
0x51: {  	_ =	shalt  }
0x52: {  	_ =	shalt  }
0x53: {  	_ =	shalt  }
0x54: {  	_ =	shalt  }
0x55: {  	_ =	shalt  }
0x56: {  	_ =	shalt  }
0x57: {  	_ =	shalt  }
0x58: {  	_ =	shalt  }
0x59: {  	_ =	shalt  }
0x5a: {  	_ =	shalt  }
0x5b: {  	_ =	shalt  }
0x5c: {  	_ =	shalt  }
0x5d: {  	_ =	shalt  }
0x5e: {  	_ =	shalt  }
0x5f: {  	_ =	shalt  }
0x60: {  	_ =	shalt  }
0x61: {  	_ =	shalt  }
0x62: {  	_ =	shalt  }
0x63: {  	_ =	shalt  }
0x64: {  	_ =	shalt  }
0x65: {  	_ =	shalt  }
0x66: {  	_ =	shalt  }
0x67: {  	_ =	shalt  }
0x68: {  	_ =	shalt  }
0x69: {  	_ =	shalt  }
0x6a: {  	_ =	shalt  }
0x6b: {  	_ =	shalt  }
0x6c: {  	_ =	shalt  }
0x6d: {  	_ =	shalt  }
0x6e: {  	_ =	shalt  }
0x6f: {  	_ =	shalt  }
0x70: {  	_ =	shalt  }
0x71: {  	_ =	shalt  }
0x72: {  	_ =	shalt  }
0x73: {  	_ =	shalt  }
0x74: {  	_ =	shalt  }
0x75: {  	_ =	shalt  }
0x76: {  	_ =	shalt  }
0x77: {  	_ =	shalt  }
0x78: {  	_ =	shalt  }
0x79: {  	_ =	shalt  }
0x7a: {  	_ =	shalt  }
0x7b: {  	_ =	shalt  }
0x7c: {  	_ =	shalt  }
0x7d: {  	_ =	shalt  }
0x7e: {  	_ =	shalt  }
0x7f: {  	_ =	shalt  }
0x80: {  	_ =	shalt  }
0x81: {  	_ =	shalt  }
0x82: {  	_ =	shalt  }
0x83: {  	_ =	shalt  }
0x84: {  	_ =	shalt  }
0x85: {  	_ =	shalt  }
0x86: {  	_ =	shalt  }
0x87: {  	_ =	shalt  }
.Lfunc_end0:
.L_simem_size_0:
called_computation_lowered:
.L_overlay_start_0:
0x88: {  	s2 =	sld [smem:$0x3FD9]  }
0x89: {  	s3 =	sld [smem:$0x3FFE];
	_ =	sdelay $0x1  }
0x8a: {  	s1 =	srdreg.scid  }
0x8b: {  	s0 =	sand.u32 $0x1, s1  }
0x8c: {  	s14 =	sshll.u32 s0, $0xA;
	s2 =	sadd.s32 s3, s2  }
0x8d: {  	s2 =	sadd.s32 s2, s14  }
0x8e: {  	[smem:$0x3FBA] =	sst s2  }
0x8f: {  	_ = 	snop  }
0x90: {  	s2 =	sld [smem:$0x3FD0];
	_ =	sdelay $0x2  }
0x91: {  	s15 =	simm.s32 $0xA;
	s4 =	simm.s32 $0x10  }
0x92: {  	[smem:s4], [sflag:s15] =	dma.local [hbm:s2], $0x1  }
0x93: {  	_ =	swait.eq [sflag:s15], $0x1  }
0x94: {  	[sflag:s15] =	ssyncset.done $0x0  }
0x95: {  	[sflag:s15] =	ssyncadd.s32 $0xFFFFFFFF  }
0x96: {  	s16 =	sld [smem:$0x14];
	(tm) =	ssettm $0x1  }
0x97: {  	s17 =	sld [smem:$0x3FFB];
	_ =	sdelay $0x3  }
0x98: {  	_ =	strace s17  }
0x99: {  	s3 =	sld [smem:$0x3FFC];
	_ =	sdelay $0x3  }
0x9a: {  	_ =	strace s3  }
0x9b: {  	s3 =	sld [smem:$0x3FFD];
	_ =	sdelay $0x3  }
0x9c: {  	_ =	strace s3  }
0x9d: {  	_ =	strace $0x8FFFFFFF  }
0x9e: {  	s18 =	sld [smem:$0x3FDB];
	_ =	sdelay $0x1  }
0x9f: {  	s19 =	simm.s32 $_scs_section_size  }
0xa0: {  	s5 =	simm.s32 $_size__tile_overlayer_lowered;
	s6 =	simm.s32 $_tile_overlayer_lowered  }
0xa1: {  	s22 =	simm.s32 $0x1BFF;
	s21 =	sshll.u32 s6, $0x1;
	s3 =	sadd.s32 s19, s18  }
0xa2: {  	s7 =	simm.s32 $0x0;
	s20 =	sshll.u32 s5, $0x1;
	s5 =	sadd.s32 s21, s3  }
0xa3: {  	[timem:s7], [sflag:s22] =	dma.local [hbm:s5], s20  }
0xa4: {  	_ =	swait.ge [sflag:s22], s20  }
0xa5: {  	s4 =	ssub.s32 $0x0, s20;
	[sflag:s22] =	ssyncset.done $0x0  }
0xa6: {  	[sflag:s22] =	ssyncadd.s32 s4;
	_ =	sdelay $0x1  }
0xa7: {  	s23 =	simm.s32 $0x1B8B  }
0xa8: {  	_ =	swait.ge [sflag:s23], $0x1  }
0xa9: {  	[sflag:s23] =	ssyncset.done $0x0  }
0xaa: {  	s25 =	simm.s32 $0x1B8E;
	s24 =	sld [smem:$0x3FFE];
	[sflag:s23] =	ssyncadd.s32 $0xFFFFFFFF  }
0xab: {  	s26 =	simm.s32 $execute0_lowered;
	[smem:$0x3FD2] =	sst s25  }
0xac: {  	s5 =	sshll.u32 s26, $0x1;
	_ =	strace $0x80000046;
	[dreg:$0x1] =	wrdreg $0xFFFFFFFF  }
0xad: {  	s28 =	simm.s32 $_size_execute0_lowered;
	s3 =	sadd.s32 s3, s5;
	[dreg:$0x0] =	wrdreg $0x0  }
0xae: {  	s5 =	sshll.u32 s28, $0x1;
	[dreg:$0x2] =	wrdreg s3  }
0xaf: {  	[dreg:$0x3] =	wrdreg s5  }
0xb0: {  	[dreg:$0x4] =	wrdreg $0xC0  }
0xb1: {  	_ =	task [dreg:s7], $0x5FFFF  }
0xb2: {  	[dreg:$0x1] =	wrdreg $0xFFFFFFFF  }
0xb3: {  	[dreg:$0x0] =	wrdreg $0x60  }
0xb4: {  	[dreg:$0x2] =	wrdreg s24  }
0xb5: {  	[dreg:$0x3] =	wrdreg s16  }
0xb6: {  	[dreg:$0x4] =	wrdreg $0x9  }
0xb7: {  	_ =	task.clear_ibuf [dreg:s7], $0x5FFFF;
	_ =	strace $0x90000046  }
0xb8: {  	s29 =	simm.s32 $0x9;
	_ =	strace $0x80000048  }
0xb9: {  	_ =	swait.ge [sflag:s29], $0x1  }
0xba: {  	[sflag:s29] =	ssyncadd.s32 $0xFFFFFFFF  }
0xbb: {  	_ =	strace $0x90000048  }
0xbc: {  	_ =	sfence  }
0xbd: {  	s30 =	sld [smem:$0x0];
	_ =	sdelay $0x2  }
0xbe: {  	s31 =	sshll.u32 s1, $0xD;
	s1 =	sshrl.u32 s1, $0x2  }
0xbf: {  	s3 =	sand.u32 $0x4000, s31;
	s1 =	sadd.s32 s1, s30  }
0xc0: {  	s0 =	sor.u32 s3, s0;
	s1 =	sshll.u32 s1, $0x11  }
0xc1: {  	s0 =	sor.u32 s1, s0  }
0xc2: {  	s0 =	sadd.s32 $0x8F2B, s0  }
0xc3: {  	[sflag:s0] =	ssyncadd.remote.s32 $0x1  }
0xc4: {  	_ =	sfence.sel $0xFFFF  }
0xc5: {  	[dreg:$0x0] =	wrdreg $0xFFFFFFFF;
	(pc) =	sbr.abs _section_cstart, $3  }
0xc6: {  	[dreg:$0x1] =	wrdreg $0xFFFFFFFF  }
0xc7: {  	_ =	task.clear_ibuf [dreg:s7], $0x2FFFF;
	_ =	strace $0x9FFFFFFF  }
0xc8: {  	(tm) =	ssettm $0x7FFFFFFF  }
0xc9: {  	_ =	shalt  }
tec
execute0_lowered:
.L_overlay_start_1:
0x0: {  	(tag) =	ssettag $0x1  }
0x1: {  	s2 =	srdreg.scid  }
0x2: {  	s2 =	sand.u32 $0x1, s2  }
0x3: {  	p0 =	seq.s32 s2, $0x1  }
.Ltmp0:
0x4: {  	_ = 	snop;
	(pc) =	sbr.rel @p0 .LBB2_7-.Ltmp0, $4  }
0x5: {  	s3 =	rddreg [dreg:$0x0]  }
0x6: {  	s1 =	rddreg [dreg:$0x1];
	s4 =	simm.s32 $0x0  }
0x7: {  	[smem:$0x7FF] =	sst s4  }
0x8: {  	s0 =	rddreg [dreg:$0x2];
	_ =	strace $0x80000047;
	s2 =	stileid.u32  }
0x9: {  	s5 =	sadd.s32 $0x2800, s3;
	s6 =	sshll.u32 s2, $0x5  }
0xa: {  	s15 =	simm.s32 $0x1;
	s5 =	sadd.s32 s5, s6  }
0xb: {  	[tilespmem:s4], [sflag:$0x1] =	stream.linear.gather [hbm4b:s5+s4], $0x100, $0x38;
	[tilespmem:$0x680] =	vst v63  }
0xc: {  	_ =	swait.ge [sflag:s15], $0x100  }
0xd: {  	[sflag:s15] =	ssyncset.done $0x0  }
0xe: {  	[sflag:s15] =	ssyncadd.s32 $0xFFFFFF00  }
0xf: {  	v36 =	vld [tilespmem:$0x0]  }
0x10: {  	v34 =	vld [tilespmem:$0x10]  }
0x11: {  	v35 =	vld [tilespmem:$0x20]  }
0x12: {  	v12 =	vld [tilespmem:$0x30]  }
0x13: {  	v11 =	vld [tilespmem:$0x40]  }
0x14: {  	v10 =	vld [tilespmem:$0x50]  }
0x15: {  	v9 =	vld [tilespmem:$0x60];
	v0 =	vmax.f32 v36, v34  }
0x16: {  	v7 =	vld [tilespmem:$0x70];
	v0 =	vmax.f32 v0, v35  }
0x17: {  	v8 =	vld [tilespmem:$0x80];
	v0 =	vmax.f32 v0, v12  }
0x18: {  	v5 =	vld [tilespmem:$0x90];
	v0 =	vmax.f32 v0, v11  }
0x19: {  	v6 =	vld [tilespmem:$0xA0];
	v0 =	vmax.f32 v0, v10  }
0x1a: {  	v3 =	vld [tilespmem:$0xB0];
	v0 =	vmax.f32 v0, v9  }
0x1b: {  	v4 =	vld [tilespmem:$0xC0];
	v0 =	vmax.f32 v0, v7  }
0x1c: {  	v1 =	vld [tilespmem:$0xD0];
	v0 =	vmax.f32 v0, v8  }
0x1d: {  	v2 =	vld [tilespmem:$0xE0];
	v13 =	vmax.f32 v0, v5  }
0x1e: {  	v0 =	vld [tilespmem:$0xF0];
	v13 =	vmax.f32 v13, v6  }
0x1f: {  	v13 =	vmax.f32 v13, v3  }
0x20: {  	v13 =	vmax.f32 v13, v4  }
0x21: {  	v13 =	vmax.f32 v13, v1  }
0x22: {  	v13 =	vmax.f32 v13, v2  }
0x23: {  	v13 =	vmax.f32 v13, v0  }
0x24: {  	(xrf0) =	vmax.scan.msk.f32 $0xffff, v13  }
0x25: {  	v13 =	vlaneseq.u32  }
0x26: {  	v14 =	vmul.u32 $0xFFFFFFFF, v13;
	_ =	sdelay $0x3  }
0x27: {  	v16 =	vadd.s32 $0xF, v14;
	v14, _, _ =	vpop (xrf0)  }
0x28: {  	v14 =	vperm.xlane v14, v16;
	_ =	sdelay $0x1  }
0x29: {  	(xrf0) =	vmax.scan.msk.f32 $0xffff, v14  }
0x2a: {  	s16 =	sshll.u32 s2, $0x8  }
0x2b: {  	s17 =	sor.u32 $0x10, s16;
	s7 =	sor.u32 $0x20, s16  }
0x2c: {  	s18 =	sor.u32 $0x30, s16;
	s19 =	sor.u32 $0x40, s16;
	s8 =	sor.u32 $0x50, s16;
	v25 =	vor.u32 s16, v13;
	v26 =	vor.u32 s17, v13;
	v28 =	vor.u32 s7, v13  }
0x2d: {  	s20 =	sor.u32 $0x60, s16;
	s21 =	sor.u32 $0x70, s16;
	s22 =	sor.u32 $0x80, s16;
	v30 =	vor.u32 s18, v13;
	v29 =	vor.u32 s19, v13;
	v24 =	vor.u32 s8, v13  }
0x2e: {  	s23 =	sor.u32 $0x90, s16;
	s24 =	sor.u32 $0xA0, s16;
	s25 =	sor.u32 $0xB0, s16;
	v27 =	vor.u32 s20, v13;
	v23 =	vor.u32 s21, v13;
	v21 =	vor.u32 s22, v13  }
0x2f: {  	s26 =	sor.u32 $0xC0, s16;
	s28 =	sor.u32 $0xD0, s16;
	v22 =	vor.u32 s23, v13;
	v20 =	vor.u32 s24, v13;
	v17 =	vor.u32 s25, v13;
	v32, _, _ =	vpop (xrf0)  }
0x30: {  	s29 =	sor.u32 $0xE0, s16;
	s5 =	sor.u32 $0xF0, s16;
	v19 =	vor.u32 s26, v13;
	v15 =	vor.u32 s28, v13;
	vm0 =	veq.f32 v36, v32  }
0x31: {  	v18 =	vor.u32 s29, v13;
	v14 =	vor.u32 s5, v13;
	v31 =	vnsel vm0, $0x40000000, v25  }
0x32: {  	vm1 =	veq.f32 v35, v32;
	vm0 =	veq.f32 v34, v32;
	v33 =	vmin.u32 v31, v26  }
0x33: {  	v48 =	vnsel vm1, $0x40000000, v28;
	v31 =	vsel vm0, v33, v31;
	vm0 =	veq.f32 v12, v32  }
0x34: {  	v31 =	vmin.u32 v31, v48;
	v49 =	vnsel vm0, $0x40000000, v30;
	vm0 =	veq.f32 v11, v32  }
0x35: {  	v31 =	vmin.u32 v31, v49;
	v50 =	vnsel vm0, $0x40000000, v29;
	vm0 =	veq.f32 v10, v32  }
0x36: {  	v31 =	vmin.u32 v31, v50;
	v51 =	vnsel vm0, $0x40000000, v24;
	vm0 =	veq.f32 v9, v32  }
0x37: {  	v31 =	vmin.u32 v31, v51;
	v52 =	vnsel vm0, $0x40000000, v27;
	vm0 =	veq.f32 v7, v32  }
0x38: {  	v31 =	vmin.u32 v31, v52;
	v53 =	vnsel vm0, $0x40000000, v23;
	vm0 =	veq.f32 v8, v32  }
0x39: {  	v31 =	vmin.u32 v31, v53;
	v54 =	vnsel vm0, $0x40000000, v21;
	vm0 =	veq.f32 v5, v32  }
0x3a: {  	v31 =	vmin.u32 v31, v54;
	v55 =	vnsel vm0, $0x40000000, v22;
	vm0 =	veq.f32 v6, v32  }
0x3b: {  	v31 =	vmin.u32 v31, v55;
	v56 =	vnsel vm0, $0x40000000, v20;
	vm0 =	veq.f32 v3, v32  }
0x3c: {  	v31 =	vmin.u32 v31, v56;
	v57 =	vnsel vm0, $0x40000000, v17;
	vm0 =	veq.f32 v4, v32  }
0x3d: {  	v31 =	vmin.u32 v31, v57;
	v58 =	vnsel vm0, $0x40000000, v19;
	vm0 =	veq.f32 v1, v32  }
0x3e: {  	v31 =	vmin.u32 v31, v58;
	v59 =	vnsel vm0, $0x40000000, v15;
	vm0 =	veq.f32 v2, v32  }
0x3f: {  	v31 =	vmin.u32 v31, v59;
	v60 =	vnsel vm0, $0x40000000, v18;
	vm0 =	veq.f32 v0, v32  }
0x40: {  	v31 =	vmin.u32 v31, v60;
	v61 =	vnsel vm0, $0x40000000, v14  }
0x41: {  	v31 =	vmin.u32 v31, v61  }
0x42: {  	v31 =	vsub.s32 $0x80000000, v31  }
0x43: {  	(xrf0) =	vmax.scan.msk.u32 $0xffff, v31;
	_ =	sdelay $0x5  }
0x44: {  	v31, _, _ =	vpop (xrf0)  }
0x45: {  	v31 =	vxor.u32 $0x80000000, v31  }
0x46: {  	v31 =	vperm.xlane v31, v16;
	_ =	sdelay $0x1  }
0x47: {  	v31 =	vxor.u32 $0x80000000, v31  }
0x48: {  	(xrf0) =	vmax.scan.msk.u32 $0xffff, v31;
	_ =	sdelay $0x3  }
0x49: {  	s30 =	sand.u32 $0xF, s4;
	vm5 =	vmxor vm5, vm5  }
0x4a: {  	v37 =	vimm.f32 $-3.000000010e+38;
	p0 =	por $0x1, $0x1;
	v62 =	vmov s30;
	vm1 =	vmmov vm5  }
0x4b: {  	p1 =	por $0x0, $0x0;
	vm2 =	vmmov vm5;
	vm1 =	vmneg @p0 vm1;
	vm0 =	veq.s32 v62, v13;
	v63, _, _ =	vpop (xrf0)  }
0x4c: {  	vm2 =	vmneg @p1 vm2;
	vm1 =	vmand vm1, vm0;
	v33 =	vxor.u32 $0x7FFFFFFF, v63  }
0x4d: {  	vm0 =	vmand vm2, vm0;
	v31 =	vimm.s32 $0x0;
	v38 =	vadd.s32 $0x1, v33  }
0x4e: {  	v33 =	vsel vm1, v32, v37;
	v32 =	vsel vm0, v32, v37;
	vm2 =	veq.s32 v25, v38  }
0x4f: {  	s31 =	sshll.u32 s2, $0x2;
	s4 =	sadd.s32 $0x2A00, s3;
	s3 =	sadd.s32 $0x2C00, s3;
	vm3 =	veq.s32 v26, v38;
	vm4 =	veq.s32 v28, v38;
	v36 =	vsel vm2, $0xFF61B1E6, v36  }
0x50: {  	s6 =	sadd.s32 s3, s31;
	s7 =	sadd.s32 s4, s31;
	s5 =	simm.s32 $0x1;
	v37 =	vsel vm3, $0xFF61B1E6, v34;
	v35 =	vsel vm4, $0xFF61B1E6, v35;
	v34 =	vimm.s32 $0x0  }
.LBB2_2:
0x51: {  	v39 =	vmax.f32 v36, v37;
	p0 =	sne.s32 s5, $0x1F;
	[tilespmem:$0x0] =	vst v36;
	vm2 =	veq.s32 v30, v38;
	vm3 =	veq.s32 v29, v38  }
0x52: {  	v39 =	vmax.f32 v39, v35;
	[tilespmem:$0x10] =	vst v37;
	v12 =	vsel vm2, $0xFF61B1E6, v12;
	v11 =	vsel vm3, $0xFF61B1E6, v11  }
0x53: {  	vm2 =	veq.s32 v24, v38;
	vm3 =	veq.s32 v27, v38;
	v39 =	vmax.f32 v39, v12;
	[tilespmem:$0x20] =	vst v35  }
0x54: {  	v10 =	vsel vm2, $0xFF61B1E6, v10;
	v9 =	vsel vm3, $0xFF61B1E6, v9;
	v39 =	vmax.f32 v39, v11;
	[tilespmem:$0x30] =	vst v12  }
0x55: {  	vm2 =	veq.s32 v23, v38;
	vm3 =	veq.s32 v21, v38;
	v39 =	vmax.f32 v39, v10;
	[tilespmem:$0x40] =	vst v11  }
0x56: {  	v7 =	vsel vm2, $0xFF61B1E6, v7;
	v8 =	vsel vm3, $0xFF61B1E6, v8;
	v39 =	vmax.f32 v39, v9;
	[tilespmem:$0x50] =	vst v10  }
0x57: {  	vm2 =	veq.s32 v22, v38;
	vm3 =	veq.s32 v20, v38;
	v39 =	vmax.f32 v39, v7;
	[tilespmem:$0x60] =	vst v9  }
0x58: {  	v5 =	vsel vm2, $0xFF61B1E6, v5;
	v6 =	vsel vm3, $0xFF61B1E6, v6;
	v39 =	vmax.f32 v39, v8;
	[tilespmem:$0x70] =	vst v7  }
0x59: {  	vm2 =	veq.s32 v17, v38;
	vm3 =	veq.s32 v19, v38;
	v39 =	vmax.f32 v39, v5;
	[tilespmem:$0x80] =	vst v8  }
0x5a: {  	v3 =	vsel vm2, $0xFF61B1E6, v3;
	v4 =	vsel vm3, $0xFF61B1E6, v4;
	v39 =	vmax.f32 v39, v6;
	[tilespmem:$0x90] =	vst v5  }
0x5b: {  	vm2 =	veq.s32 v15, v38;
	vm3 =	veq.s32 v18, v38;
	v39 =	vmax.f32 v39, v3;
	[tilespmem:$0xA0] =	vst v6  }
0x5c: {  	v1 =	vsel vm2, $0xFF61B1E6, v1;
	v2 =	vsel vm3, $0xFF61B1E6, v2;
	v39 =	vmax.f32 v39, v4;
	[tilespmem:$0xB0] =	vst v3  }
0x5d: {  	v31 =	vsel vm1, v38, v31;
	vm2 =	veq.s32 v14, v38;
	v39 =	vmax.f32 v39, v1;
	[tilespmem:$0xC0] =	vst v4  }
0x5e: {  	v34 =	vsel vm0, v38, v34;
	v0 =	vsel vm2, $0xFF61B1E6, v0;
	v39 =	vmax.f32 v39, v2;
	[tilespmem:$0xD0] =	vst v1  }
0x5f: {  	v38 =	vmax.f32 v39, v0;
	[tilespmem:$0xE0] =	vst v2  }
0x60: {  	(xrf0) =	vmax.scan.msk.f32 $0xffff, v38;
	[tilespmem:$0xF0] =	vst v0;
	_ =	sdelay $0x5  }
0x61: {  	v38, _, _ =	vpop (xrf0)  }
0x62: {  	v38 =	vperm.xlane v38, v16;
	_ =	sdelay $0x1  }
0x63: {  	(xrf0) =	vmax.scan.msk.f32 $0xffff, v38;
	_ =	sdelay $0x2  }
0x64: {  	s8 =	sand.u32 $0xF, s5  }
0x65: {  	p1 =	slt.u32 s5, $0x10;
	p2 =	sgt.u32 s5, $0xF;
	vm1 =	vmmov vm5;
	vm2 =	vmmov vm5;
	v39 =	vmov s8  }
0x66: {  	vm1 =	vmneg @p1 vm1;
	vm2 =	vmneg @p2 vm2;
	vm0 =	veq.s32 v39, v13  }
0x67: {  	vm1 =	vmand vm1, vm0;
	vm0 =	vmand vm2, vm0;
	v38, _, _ =	vpop (xrf0)  }
0x68: {  	vm2 =	veq.f32 v36, v38;
	v33 =	vsel vm1, v38, v33;
	v32 =	vsel vm0, v38, v32  }
0x69: {  	v39 =	vnsel vm2, $0x40000000, v25  }
0x6a: {  	vm3 =	veq.f32 v35, v38;
	vm2 =	veq.f32 v37, v38;
	v40 =	vmin.u32 v39, v26  }
0x6b: {  	v39 =	vsel vm2, v40, v39;
	v40 =	vnsel vm3, $0x40000000, v28;
	vm2 =	veq.f32 v12, v38  }
0x6c: {  	v39 =	vmin.u32 v39, v40;
	v40 =	vnsel vm2, $0x40000000, v30;
	vm2 =	veq.f32 v11, v38  }
0x6d: {  	v39 =	vmin.u32 v39, v40;
	v40 =	vnsel vm2, $0x40000000, v29;
	vm2 =	veq.f32 v10, v38  }
0x6e: {  	v39 =	vmin.u32 v39, v40;
	v40 =	vnsel vm2, $0x40000000, v24;
	vm2 =	veq.f32 v9, v38  }
0x6f: {  	v39 =	vmin.u32 v39, v40;
	v40 =	vnsel vm2, $0x40000000, v27;
	vm2 =	veq.f32 v7, v38  }
0x70: {  	v39 =	vmin.u32 v39, v40;
	v40 =	vnsel vm2, $0x40000000, v23;
	vm2 =	veq.f32 v8, v38  }
0x71: {  	v39 =	vmin.u32 v39, v40;
	v40 =	vnsel vm2, $0x40000000, v21;
	vm2 =	veq.f32 v5, v38  }
0x72: {  	v39 =	vmin.u32 v39, v40;
	v40 =	vnsel vm2, $0x40000000, v22;
	vm2 =	veq.f32 v6, v38  }
0x73: {  	v39 =	vmin.u32 v39, v40;
	v40 =	vnsel vm2, $0x40000000, v20;
	vm2 =	veq.f32 v3, v38  }
0x74: {  	v39 =	vmin.u32 v39, v40;
	v40 =	vnsel vm2, $0x40000000, v17;
	vm2 =	veq.f32 v4, v38  }
0x75: {  	v39 =	vmin.u32 v39, v40;
	v40 =	vnsel vm2, $0x40000000, v19;
	vm2 =	veq.f32 v1, v38  }
0x76: {  	v39 =	vmin.u32 v39, v40;
	v40 =	vnsel vm2, $0x40000000, v15;
	vm2 =	veq.f32 v2, v38  }
0x77: {  	v39 =	vmin.u32 v39, v40;
	v40 =	vnsel vm2, $0x40000000, v18;
	vm2 =	veq.f32 v0, v38  }
0x78: {  	v38 =	vmin.u32 v39, v40;
	v39 =	vnsel vm2, $0x40000000, v14  }
0x79: {  	v38 =	vmin.u32 v38, v39  }
0x7a: {  	v38 =	vsub.s32 $0x80000000, v38  }
0x7b: {  	(xrf0) =	vmax.scan.msk.u32 $0xffff, v38;
	_ =	sdelay $0x5  }
0x7c: {  	v38, _, _ =	vpop (xrf0)  }
0x7d: {  	v38 =	vxor.u32 $0x80000000, v38  }
0x7e: {  	v38 =	vperm.xlane v38, v16;
	_ =	sdelay $0x1  }
0x7f: {  	v38 =	vxor.u32 $0x80000000, v38  }
0x80: {  	(xrf0) =	vmax.scan.msk.u32 $0xffff, v38;
	_ =	sdelay $0x5  }
.Ltmp1:
0x81: {  	v38, _, _ =	vpop (xrf0);
	(pc) =	sbr.rel @p0 .LBB2_2-.Ltmp1, $4  }
0x82: {  	v38 =	vxor.u32 $0x7FFFFFFF, v38  }
0x83: {  	v38 =	vadd.s32 $0x1, v38  }
0x84: {  	vm2 =	veq.s32 v25, v38;
	vm3 =	veq.s32 v26, v38;
	vm4 =	veq.s32 v28, v38  }
0x85: {  	s5 =	sadd.s32 $0x1, s5;
	v36 =	vsel vm2, $0xFF61B1E6, v36;
	v37 =	vsel vm3, $0xFF61B1E6, v37;
	v35 =	vsel vm4, $0xFF61B1E6, v35  }
0x86: {  	[tilespmem:$0x0] =	vst v36  }
0x87: {  	[tilespmem:$0x10] =	vst v37  }
0x88: {  	[tilespmem:$0x20] =	vst v35  }
0x89: {  	[tilespmem:$0x100] =	vst v33  }
0x8a: {  	v62 =	vsel vm1, v38, v31;
	[tilespmem:$0x110] =	vst v32  }
0x8b: {  	vm2 =	veq.s32 v30, v38;
	v63 =	vsel vm0, v38, v34;
	[tilespmem:$0x180] =	vst v62  }
0x8c: {  	vm3 =	veq.s32 v29, v38;
	v12 =	vsel vm2, $0xFF61B1E6, v12;
	[tilespmem:$0x190] =	vst v63  }
0x8d: {  	vm10 =	veq.s32 v24, v38;
	v11 =	vsel vm3, $0xFF61B1E6, v11;
	[tilespmem:$0x30] =	vst v12  }
0x8e: {  	vm11 =	veq.s32 v23, v38;
	v10 =	vsel vm10, $0xFF61B1E6, v10;
	[tilespmem:$0x40] =	vst v11  }
0x8f: {  	vm12 =	veq.s32 v22, v38;
	v7 =	vsel vm11, $0xFF61B1E6, v7;
	[tilespmem:$0x50] =	vst v10  }
0x90: {  	vm13 =	veq.s32 v17, v38;
	v5 =	vsel vm12, $0xFF61B1E6, v5;
	[tilespmem:$0x70] =	vst v7  }
0x91: {  	vm14 =	veq.s32 v15, v38;
	v3 =	vsel vm13, $0xFF61B1E6, v3;
	[tilespmem:$0x90] =	vst v5  }
0x92: {  	vm15 =	veq.s32 v14, v38;
	v1 =	vsel vm14, $0xFF61B1E6, v1;
	[tilespmem:$0xB0] =	vst v3  }
0x93: {  	vm3 =	veq.s32 v27, v38;
	v0 =	vsel vm15, $0xFF61B1E6, v0;
	[tilespmem:$0xD0] =	vst v1  }
0x94: {  	v9 =	vsel vm3, $0xFF61B1E6, v9;
	vm3 =	veq.s32 v21, v38;
	[tilespmem:$0xF0] =	vst v0  }
0x95: {  	[tilespmem:$0x60] =	vst v9;
	v8 =	vsel vm3, $0xFF61B1E6, v8;
	vm3 =	veq.s32 v20, v38  }
0x96: {  	[tilespmem:$0x80] =	vst v8;
	v6 =	vsel vm3, $0xFF61B1E6, v6;
	vm3 =	veq.s32 v19, v38  }
0x97: {  	[tilespmem:$0xA0] =	vst v6;
	v4 =	vsel vm3, $0xFF61B1E6, v4;
	vm3 =	veq.s32 v18, v38  }
0x98: {  	[tilespmem:$0xC0] =	vst v4;
	v2 =	vsel vm3, $0xFF61B1E6, v2  }
0x99: {  	s5 =	simm.s32 $0x0;
	s8 =	simm.s32 $0x100;
	[tilespmem:$0xE0] =	vst v2  }
0x9a: {  	[hbm4b:s7+s5] =	stream.linear.scatter [tilespmem:s8], [sflag:$0x1], $0x20, $0x38;
	[tilespmem:$0x680] =	vst v63  }
0x9b: {  	s7 =	simm.s32 $0x1  }
0x9c: {  	_ =	swait.ge [sflag:s7], $0x20  }
0x9d: {  	[sflag:s7] =	ssyncset.done $0x0  }
0x9e: {  	s31 =	simm.s32 $0x180;
	p0 =	sne.s32 s2, $0x0;
	[sflag:s7] =	ssyncadd.s32 $0xFFFFFFE0  }
0x9f: {  	[hbm4b:s6+s5] =	stream.linear.scatter [tilespmem:s31], [sflag:$0x1], $0x20, $0x38;
	[tilespmem:$0x680] =	vst v63  }
.Ltmp2:
0xa0: {  	_ =	swait.ge [sflag:s7], $0x20;
	(pc) =	sbr.rel @p0 .LBB2_7-.Ltmp2, $3  }
0xa1: {  	[sflag:s7] =	ssyncset.done $0x0  }
0xa2: {  	[sflag:s7] =	ssyncadd.s32 $0xFFFFFFE0  }
0xa3: {  	[bflag:$0x0] =	sbarrier.arrive $0xFFFF;
	_ =	sdelay $0x1  }
0xa4: {  	s6 =	simm.s32 $0x200  }
0xa5: {  	[tilespmem:s6], [sflag:$0x1] =	stream.linear.gather [hbm4b:s4+s5], $0x200, $0x38;
	[tilespmem:$0x680] =	vst v63  }
0xa6: {  	_ =	swait.ge [sflag:s7], $0x200  }
0xa7: {  	[sflag:s7] =	ssyncset.done $0x0  }
0xa8: {  	s30 =	simm.s32 $0x400;
	[sflag:s7] =	ssyncadd.s32 $0xFFFFFE00  }
0xa9: {  	[tilespmem:s30], [sflag:$0x1] =	stream.linear.gather [hbm4b:s3+s5], $0x200, $0x38;
	[tilespmem:$0x680] =	vst v63  }
0xaa: {  	_ =	swait.ge [sflag:s7], $0x200  }
0xab: {  	[sflag:s7] =	ssyncset.done $0x0  }
0xac: {  	[sflag:s7] =	ssyncadd.s32 $0xFFFFFE00  }
0xad: {  	v32 =	vld [tilespmem:$0x210]  }
0xae: {  	v34 =	vld [tilespmem:$0x200]  }
0xaf: {  	v33 =	vld [tilespmem:$0x220]  }
0xb0: {  	v30 =	vld [tilespmem:$0x230]  }
0xb1: {  	v31 =	vld [tilespmem:$0x240]  }
0xb2: {  	v29 =	vld [tilespmem:$0x250]  }
0xb3: {  	v20 =	vld [tilespmem:$0x260];
	v0 =	vmax.f32 v34, v32  }
0xb4: {  	v28 =	vld [tilespmem:$0x270];
	v0 =	vmax.f32 v0, v33  }
0xb5: {  	v27 =	vld [tilespmem:$0x280];
	v0 =	vmax.f32 v0, v30  }
0xb6: {  	v2 =	vld [tilespmem:$0x290];
	v0 =	vmax.f32 v0, v31  }
0xb7: {  	v17 =	vld [tilespmem:$0x2A0];
	v0 =	vmax.f32 v0, v29  }
0xb8: {  	v11 =	vld [tilespmem:$0x2B0];
	v0 =	vmax.f32 v0, v20  }
0xb9: {  	v23 =	vld [tilespmem:$0x2C0];
	v0 =	vmax.f32 v0, v28  }
0xba: {  	v24 =	vld [tilespmem:$0x2D0];
	v0 =	vmax.f32 v0, v27  }
0xbb: {  	v25 =	vld [tilespmem:$0x2E0];
	v0 =	vmax.f32 v0, v2  }
0xbc: {  	v19 =	vld [tilespmem:$0x2F0];
	v0 =	vmax.f32 v0, v17  }
0xbd: {  	v21 =	vld [tilespmem:$0x300];
	v0 =	vmax.f32 v0, v11  }
0xbe: {  	v22 =	vld [tilespmem:$0x310];
	v0 =	vmax.f32 v0, v23  }
0xbf: {  	v18 =	vld [tilespmem:$0x320];
	v0 =	vmax.f32 v0, v24  }
0xc0: {  	v16 =	vld [tilespmem:$0x330];
	v0 =	vmax.f32 v0, v25  }
0xc1: {  	v15 =	vld [tilespmem:$0x340];
	v0 =	vmax.f32 v0, v19  }
0xc2: {  	v14 =	vld [tilespmem:$0x350];
	v0 =	vmax.f32 v0, v21  }
0xc3: {  	v13 =	vld [tilespmem:$0x360];
	v0 =	vmax.f32 v0, v22  }
0xc4: {  	v12 =	vld [tilespmem:$0x370];
	v0 =	vmax.f32 v0, v18  }
0xc5: {  	v10 =	vld [tilespmem:$0x380];
	v0 =	vmax.f32 v0, v16  }
0xc6: {  	v9 =	vld [tilespmem:$0x390];
	v0 =	vmax.f32 v0, v15  }
0xc7: {  	v8 =	vld [tilespmem:$0x3A0];
	v0 =	vmax.f32 v0, v14  }
0xc8: {  	v7 =	vld [tilespmem:$0x3B0];
	v0 =	vmax.f32 v0, v13  }
0xc9: {  	v6 =	vld [tilespmem:$0x3C0];
	v0 =	vmax.f32 v0, v12  }
0xca: {  	v5 =	vld [tilespmem:$0x3D0];
	v0 =	vmax.f32 v0, v10  }
0xcb: {  	v3 =	vld [tilespmem:$0x3E0];
	v0 =	vmax.f32 v0, v9  }
0xcc: {  	v4 =	vld [tilespmem:$0x3F0];
	v0 =	vmax.f32 v0, v8  }
0xcd: {  	v0 =	vmax.f32 v0, v7  }
0xce: {  	v0 =	vmax.f32 v0, v6  }
0xcf: {  	v0 =	vmax.f32 v0, v5  }
0xd0: {  	v0 =	vmax.f32 v0, v3  }
0xd1: {  	v0 =	vmax.f32 v0, v4  }
0xd2: {  	(xrf0) =	vmax.scan.msk.f32 $0xffff, v0;
	_ =	sdelay $0x2  }
0xd3: {  	v0 =	vlaneseq.u32  }
0xd4: {  	v1 =	vmul.u32 $0xFFFFFFFF, v0;
	_ =	sdelay $0x1  }
0xd5: {  	v1 =	vadd.s32 $0xF, v1;
	v26, _, _ =	vpop (xrf0)  }
0xd6: {  	v26 =	vperm.xlane v26, v1;
	_ =	sdelay $0x1  }
0xd7: {  	(xrf0) =	vmax.scan.msk.f32 $0xffff, v26  }
0xd8: {  	v35 =	vld [tilespmem:$0x400];
	_ =	sdelay $0x2  }
0xd9: {  	v36 =	vld [tilespmem:$0x410];
	_ =	sdelay $0x1  }
0xda: {  	v37 =	vld [tilespmem:$0x420];
	vm0 =	vlt.s32 v35, $0x40000000;
	v26, _, _ =	vpop (xrf0)  }
0xdb: {  	v38 =	vnsel vm0, $0x40000000, v35;
	vm0 =	veq.f32 v34, v26  }
0xdc: {  	v39 =	vimm.s32 $0x0;
	v54 =	vld [tilespmem:$0x430];
	v38 =	vnsel vm0, $0x40000000, v38  }
0xdd: {  	v39 =	vsel vm0, $0xFFFFFFFF, v39;
	vm0 =	vlt.s32 v38, v36  }
0xde: {  	v40 =	vld [tilespmem:$0x440];
	vm8 =	veq.f32 v32, v26;
	vm7 =	veq.f32 v33, v26;
	v36 =	vsel vm0, v38, v36  }
0xdf: {  	v37 =	vnsel vm7, $0x40000000, v37;
	v36 =	vsel vm8, v36, v38  }
0xe0: {  	v56 =	vld [tilespmem:$0x450];
	vm0 =	veq.f32 v30, v26;
	vm1 =	vlt.s32 v36, v37  }
0xe1: {  	v57 =	vnsel vm0, $0x40000000, v54;
	v36 =	vsel vm1, v36, v37  }
0xe2: {  	v58 =	vld [tilespmem:$0x460];
	vm10 =	veq.f32 v31, v26;
	vm1 =	vlt.s32 v36, v57  }
0xe3: {  	v59 =	vnsel vm10, $0x40000000, v40;
	v36 =	vsel vm1, v36, v57  }
0xe4: {  	v60 =	vld [tilespmem:$0x470];
	vm13 =	veq.f32 v29, v26;
	vm1 =	vlt.s32 v36, v59  }
0xe5: {  	v55 =	vimm.s32 $0x0;
	v61 =	vnsel vm13, $0x40000000, v56;
	v36 =	vsel vm1, v36, v59  }
0xe6: {  	v63 =	vld [tilespmem:$0x480];
	v38 =	vsel vm0, $0xFFFFFFFF, v55;
	vm0 =	veq.f32 v20, v26;
	vm2 =	vlt.s32 v36, v61  }
0xe7: {  	v43 =	vnsel vm0, $0x40000000, v58;
	v36 =	vsel vm2, v36, v61  }
0xe8: {  	v44 =	vld [tilespmem:$0x490];
	vm11 =	veq.f32 v28, v26;
	vm2 =	vlt.s32 v36, v43  }
0xe9: {  	v45 =	vnsel vm11, $0x40000000, v60;
	v36 =	vsel vm2, v36, v43  }
0xea: {  	v46 =	vld [tilespmem:$0x4A0];
	vm14 =	veq.f32 v27, v26;
	vm2 =	vlt.s32 v36, v45  }
0xeb: {  	v62 =	vimm.s32 $0x0;
	v47 =	vnsel vm14, $0x40000000, v63;
	v36 =	vsel vm2, v36, v45  }
0xec: {  	v49 =	vld [tilespmem:$0x4B0];
	[tilespmem:$0x1FFD0] =	vst v38;
	v38 =	vsel vm0, $0xFFFFFFFF, v62;
	vm0 =	veq.f32 v2, v26;
	vm2 =	vlt.s32 v36, v47  }
0xed: {  	v50 =	vnsel vm0, $0x40000000, v44;
	v36 =	vsel vm2, v36, v47  }
0xee: {  	v51 =	vld [tilespmem:$0x4C0];
	vm12 =	veq.f32 v17, v26;
	vm2 =	vlt.s32 v36, v50  }
0xef: {  	v52 =	vnsel vm12, $0x40000000, v46;
	v36 =	vsel vm2, v36, v50  }
0xf0: {  	v53 =	vld [tilespmem:$0x4D0];
	vm15 =	veq.f32 v11, v26;
	vm2 =	vlt.s32 v36, v52  }
0xf1: {  	v54 =	vnsel vm15, $0x40000000, v49;
	v36 =	vsel vm2, v36, v52  }
0xf2: {  	vm9 =	veq.f32 v23, v26;
	v55 =	vld [tilespmem:$0x4E0];
	vm4 =	vlt.s32 v36, v54  }
0xf3: {  	v56 =	vnsel vm9, $0x40000000, v51;
	v36 =	vsel vm4, v36, v54  }
0xf4: {  	vm3 =	vmmov vm5;
	v57 =	vld [tilespmem:$0x4F0];
	vm4 =	veq.f32 v24, v26;
	vm5 =	vlt.s32 v36, v56  }
0xf5: {  	v58 =	vnsel vm4, $0x40000000, v53;
	v36 =	vsel vm5, v36, v56  }
0xf6: {  	vm6 =	veq.f32 v25, v26;
	v59 =	vld [tilespmem:$0x500];
	vm5 =	vlt.s32 v36, v58  }
0xf7: {  	v48 =	vimm.s32 $0x0;
	v60 =	vnsel vm6, $0x40000000, v55;
	v36 =	vsel vm5, v36, v58  }
0xf8: {  	[tilespmem:$0x1FFE0] =	vst v38;
	v38 =	vsel vm0, $0xFFFFFFFF, v48;
	v61 =	vld [tilespmem:$0x510];
	vm5 =	veq.f32 v19, v26;
	vm0 =	vlt.s32 v36, v60  }
0xf9: {  	v62 =	vnsel vm5, $0x40000000, v57;
	v36 =	vsel vm0, v36, v60  }
0xfa: {  	v63 =	vld [tilespmem:$0x520];
	vm1 =	veq.f32 v21, v26;
	vm0 =	vlt.s32 v36, v62  }
0xfb: {  	v44 =	vimm.s32 $0x0;
	v45 =	vnsel vm1, $0x40000000, v59;
	v36 =	vsel vm0, v36, v62  }
0xfc: {  	v46 =	vld [tilespmem:$0x530];
	v37 =	vsel vm1, $0xFFFFFFFF, v44;
	vm1 =	veq.f32 v22, v26;
	vm0 =	vlt.s32 v36, v45  }
0xfd: {  	v48 =	vnsel vm1, $0x40000000, v61;
	v47 =	vimm.s32 $0x0;
	v36 =	vsel vm0, v36, v45  }
0xfe: {  	v49 =	vld [tilespmem:$0x540];
	[tilespmem:$0x1FEA0] =	vst v37;
	v37 =	vsel vm1, $0xFFFFFFFF, v47;
	vm1 =	veq.f32 v18, v26;
	vm0 =	vlt.s32 v36, v48  }
0xff: {  	v50 =	vimm.s32 $0x0;
	v51 =	vnsel vm1, $0x40000000, v63;
	v36 =	vsel vm0, v36, v48  }
0x100: {  	[tilespmem:$0x1FEB0] =	vst v37;
	v37 =	vsel vm1, $0xFFFFFFFF, v50;
	vm1 =	veq.f32 v16, v26;
	v52 =	vld [tilespmem:$0x550];
	vm0 =	vlt.s32 v36, v51  }
0x101: {  	v54 =	vnsel vm1, $0x40000000, v46;
	v53 =	vimm.s32 $0x0;
	v36 =	vsel vm0, v36, v51  }
0x102: {  	v55 =	vld [tilespmem:$0x560];
	[tilespmem:$0x1FEC0] =	vst v37;
	v37 =	vsel vm1, $0xFFFFFFFF, v53;
	vm1 =	veq.f32 v15, v26;
	vm0 =	vlt.s32 v36, v54  }
0x103: {  	v56 =	vimm.s32 $0x0;
	v57 =	vnsel vm1, $0x40000000, v49;
	v36 =	vsel vm0, v36, v54  }
0x104: {  	[tilespmem:$0x1FED0] =	vst v37;
	v37 =	vsel vm1, $0xFFFFFFFF, v56;
	v58 =	vld [tilespmem:$0x570];
	vm1 =	veq.f32 v14, v26;
	vm0 =	vlt.s32 v36, v57  }
0x105: {  	v59 =	vimm.s32 $0x0;
	v60 =	vnsel vm1, $0x40000000, v52;
	v36 =	vsel vm0, v36, v57  }
0x106: {  	v61 =	vld [tilespmem:$0x580];
	[tilespmem:$0x1FEE0] =	vst v37;
	v37 =	vsel vm1, $0xFFFFFFFF, v59;
	vm1 =	veq.f32 v13, v26;
	vm0 =	vlt.s32 v36, v60  }
0x107: {  	v63 =	vnsel vm1, $0x40000000, v55;
	v62 =	vimm.s32 $0x0;
	v36 =	vsel vm0, v36, v60  }
0x108: {  	v44 =	vld [tilespmem:$0x590];
	[tilespmem:$0x1FEF0] =	vst v37;
	v37 =	vsel vm1, $0xFFFFFFFF, v62;
	vm1 =	veq.f32 v12, v26;
	vm0 =	vlt.s32 v36, v63  }
0x109: {  	v45 =	vimm.s32 $0x0;
	v46 =	vnsel vm1, $0x40000000, v58;
	v36 =	vsel vm0, v36, v63  }
0x10a: {  	v47 =	vld [tilespmem:$0x5A0];
	[tilespmem:$0x1FF00] =	vst v37;
	v37 =	vsel vm1, $0xFFFFFFFF, v45;
	vm1 =	veq.f32 v10, v26;
	vm0 =	vlt.s32 v36, v46  }
0x10b: {  	v48 =	vimm.s32 $0x0;
	v49 =	vnsel vm1, $0x40000000, v61;
	v36 =	vsel vm0, v36, v46  }
0x10c: {  	v50 =	vld [tilespmem:$0x5B0];
	[tilespmem:$0x1FF10] =	vst v37;
	v37 =	vsel vm1, $0xFFFFFFFF, v48;
	vm1 =	veq.f32 v9, v26;
	vm0 =	vlt.s32 v36, v49  }
0x10d: {  	v51 =	vimm.s32 $0x0;
	v52 =	vnsel vm1, $0x40000000, v44;
	v36 =	vsel vm0, v36, v49  }
0x10e: {  	v53 =	vld [tilespmem:$0x5C0];
	[tilespmem:$0x1FF20] =	vst v37;
	v37 =	vsel vm1, $0xFFFFFFFF, v51;
	vm1 =	veq.f32 v8, v26;
	vm0 =	vlt.s32 v36, v52  }
0x10f: {  	v54 =	vimm.s32 $0x0;
	v55 =	vnsel vm1, $0x40000000, v47;
	v36 =	vsel vm0, v36, v52  }
0x110: {  	v56 =	vld [tilespmem:$0x5D0];
	[tilespmem:$0x1FF30] =	vst v37;
	v37 =	vsel vm1, $0xFFFFFFFF, v54;
	vm1 =	veq.f32 v7, v26;
	vm0 =	vlt.s32 v36, v55  }
0x111: {  	v57 =	vimm.s32 $0x0;
	v58 =	vnsel vm1, $0x40000000, v50;
	v36 =	vsel vm0, v36, v55  }
0x112: {  	v59 =	vld [tilespmem:$0x5E0];
	[tilespmem:$0x1FF40] =	vst v37;
	v37 =	vsel vm1, $0xFFFFFFFF, v57;
	vm1 =	veq.f32 v6, v26;
	vm0 =	vlt.s32 v36, v58  }
0x113: {  	v60 =	vimm.s32 $0x0;
	v61 =	vnsel vm1, $0x40000000, v53;
	v36 =	vsel vm0, v36, v58  }
0x114: {  	v62 =	vld [tilespmem:$0x5F0];
	[tilespmem:$0x1FF50] =	vst v37;
	v37 =	vsel vm1, $0xFFFFFFFF, v60;
	vm1 =	veq.f32 v5, v26;
	vm0 =	vlt.s32 v36, v61  }
0x115: {  	v63 =	vimm.s32 $0x0;
	v41 =	vnsel vm1, $0x40000000, v56;
	v36 =	vsel vm0, v36, v61  }
0x116: {  	[tilespmem:$0x1FF60] =	vst v37;
	v37 =	vsel vm1, $0xFFFFFFFF, v63;
	vm1 =	veq.f32 v3, v26;
	vm0 =	vlt.s32 v36, v41  }
0x117: {  	v42 =	vimm.s32 $0x0;
	v43 =	vnsel vm1, $0x40000000, v59;
	v36 =	vsel vm0, v36, v41  }
0x118: {  	[tilespmem:$0x1FF70] =	vst v37;
	v37 =	vsel vm1, $0xFFFFFFFF, v42;
	vm1 =	veq.f32 v4, v26;
	vm0 =	vlt.s32 v36, v43  }
0x119: {  	v45 =	vnsel vm1, $0x40000000, v62;
	v26 =	vsel vm0, v36, v43  }
0x11a: {  	vm0 =	vlt.s32 v26, v45  }
0x11b: {  	v40 =	vld [tilespmem:$0x450];
	v26 =	vsel vm0, v26, v45  }
0x11c: {  	[tilespmem:$0x1FFC0] =	vst v39;
	v39 =	vld [tilespmem:$0x440];
	v26 =	vsub.s32 $0x80000000, v26  }
0x11d: {  	v48 =	vld [tilespmem:$0x1FFC0];
	(xrf0) =	vmax.scan.msk.u32 $0xffff, v26  }
0x11e: {  	[tilespmem:$0x1FFF0] =	vst v38;
	v38 =	vld [tilespmem:$0x430]  }
0x11f: {  	v51 =	vld [tilespmem:$0x500]  }
0x120: {  	v54 =	vld [tilespmem:$0x470]  }
0x121: {  	v50 =	vld [tilespmem:$0x530]  }
0x122: {  	vm2 =	vnez.u8 v48;
	v48 =	vld [tilespmem:$0x550]  }
0x123: {  	v57 =	vld [tilespmem:$0x4A0];
	v26, _, _ =	vpop (xrf0)  }
0x124: {  	v53 =	vld [tilespmem:$0x510];
	v26 =	vxor.u32 $0x80000000, v26  }
0x125: {  	v60 =	vld [tilespmem:$0x4D0];
	v26 =	vperm.xlane v26, v1  }
0x126: {  	v56 =	vld [tilespmem:$0x490]  }
0x127: {  	v63 =	vld [tilespmem:$0x1FFE0];
	v26 =	vxor.u32 $0x80000000, v26  }
0x128: {  	v42 =	vld [tilespmem:$0x460];
	(xrf0) =	vmax.scan.msk.u32 $0xffff, v26  }
0x129: {  	v59 =	vld [tilespmem:$0x4C0]  }
0x12a: {  	v44 =	vimm.s32 $0x0;
	[tilespmem:$0x1FF80] =	vst v37;
	v37 =	vld [tilespmem:$0x420]  }
0x12b: {  	v62 =	vld [tilespmem:$0x1FFD0];
	v36 =	vsel vm1, $0xFFFFFFFF, v44  }
0x12c: {  	s31 =	sand.u32 $0xF, s5;
	v47 =	vimm.s32 $0x0;
	[tilespmem:$0x1FF90] =	vst v36;
	v36 =	vld [tilespmem:$0x410]  }
0x12d: {  	p0 =	por $0x1, $0x1;
	v46 =	vimm.s32 $0x0;
	v49 =	vld [tilespmem:$0x520];
	vm1 =	vmmov vm3;
	v26 =	vmov s31  }
0x12e: {  	v52 =	vld [tilespmem:$0x4F0];
	vm1 =	vmneg @p0 vm1;
	p0 =	por $0x0, $0x0;
	vm0 =	vmmov vm3;
	vm3 =	veq.s32 v26, v0;
	v41, _, _ =	vpop (xrf0)  }
0x12f: {  	v55 =	vld [tilespmem:$0x480];
	vm0 =	vmneg @p0 vm0;
	vm1 =	vmand vm1, vm3;
	v41 =	vxor.u32 $0x7FFFFFFF, v41  }
0x130: {  	v58 =	vld [tilespmem:$0x4B0];
	vm0 =	vmand vm0, vm3;
	v26 =	vadd.s32 $0x1, v41;
	v41 =	vsel vm1, $0xFFFFFFFF, v46  }
0x131: {  	v61 =	vld [tilespmem:$0x4E0];
	[tilespmem:$0x1FFA0] =	vst v41;
	v41 =	vsel vm0, $0xFFFFFFFF, v47;
	vm0 =	veq.s32 v35, v26;
	vm1 =	veq.s32 v36, v26  }
0x132: {  	v43 =	vld [tilespmem:$0x580];
	vm3 =	veq.s32 v37, v26;
	vm0 =	vmand vm2, vm0;
	vm1 =	vmand vm8, vm1  }
0x133: {  	v44 =	vld [tilespmem:$0x590];
	vm3 =	vmand vm7, vm3;
	vm2 =	vnez.u8 v62;
	v34 =	vsel vm0, $0xFF61B1E6, v34  }
0x134: {  	v45 =	vld [tilespmem:$0x570];
	v32 =	vsel vm1, $0xFF61B1E6, v32;
	v33 =	vsel vm3, $0xFF61B1E6, v33;
	vm3 =	veq.s32 v40, v26  }
0x135: {  	v46 =	vld [tilespmem:$0x560];
	[tilespmem:$0x1FFB0] =	vst v41;
	vm0 =	veq.s32 v38, v26;
	vm1 =	veq.s32 v39, v26;
	vm3 =	vmand vm13, vm3  }
0x136: {  	v47 =	vld [tilespmem:$0x540];
	vm0 =	vmand vm2, vm0;
	vm1 =	vmand vm10, vm1;
	[tilespmem:$0x200] =	vst v34;
	v29 =	vsel vm3, $0xFF61B1E6, v29  }
0x137: {  	vm2 =	vnez.u8 v63;
	v30 =	vsel vm0, $0xFF61B1E6, v30;
	v31 =	vsel vm1, $0xFF61B1E6, v31;
	[tilespmem:$0x250] =	vst v29;
	v29 =	vld [tilespmem:$0x1FFF0]  }
0x138: {  	v37 =	vld [tilespmem:$0x5E0];
	[tilespmem:$0x210] =	vst v32;
	vm0 =	veq.s32 v42, v26;
	vm1 =	veq.s32 v54, v26;
	vm3 =	veq.s32 v55, v26  }
0x139: {  	v41 =	vld [tilespmem:$0x5A0];
	[tilespmem:$0x220] =	vst v33;
	vm0 =	vmand vm2, vm0;
	vm1 =	vmand vm11, vm1;
	vm3 =	vmand vm14, vm3  }
0x13a: {  	v40 =	vld [tilespmem:$0x5C0];
	[tilespmem:$0x230] =	vst v30;
	v20 =	vsel vm0, $0xFF61B1E6, v20;
	v28 =	vsel vm1, $0xFF61B1E6, v28;
	v27 =	vsel vm3, $0xFF61B1E6, v27  }
0x13b: {  	v39 =	vld [tilespmem:$0x5D0];
	[tilespmem:$0x240] =	vst v31;
	vm0 =	veq.s32 v56, v26;
	vm1 =	veq.s32 v57, v26;
	vm3 =	veq.s32 v58, v26  }
0x13c: {  	v38 =	vld [tilespmem:$0x5F0];
	vm1 =	vmand vm12, vm1;
	[tilespmem:$0x260] =	vst v20;
	vm3 =	vmand vm15, vm3;
	vm2 =	vnez.u8 v29  }
0x13d: {  	v42 =	vld [tilespmem:$0x5B0];
	[tilespmem:$0x270] =	vst v28;
	v28 =	vsel vm3, $0xFF61B1E6, v11;
	v11 =	vimm.s32 $0x0;
	vm0 =	vmand vm2, vm0  }
0x13e: {  	[tilespmem:$0x280] =	vst v27;
	v20 =	vld [tilespmem:$0x200];
	vm3 =	veq.s32 v59, v26;
	v29 =	vsel vm1, $0xFF61B1E6, v17;
	v30 =	vsel vm0, $0xFF61B1E6, v2  }
0x13f: {  	s4 =	simm.s32 $0x2;
	s3 =	simm.s32 $0x1;
	v17 =	vld [tilespmem:$0x210];
	vm1 =	veq.s32 v61, v26;
	v2 =	vimm.s32 $0x0;
	vm0 =	veq.s32 v60, v26;
	[tilespmem:$0x290] =	vst v30  }
.LBB2_5:
0x140: {  	vm2 =	vmand vm9, vm3  }
0x141: {  	v23 =	vsel vm2, $0xFF61B1E6, v23  }
0x142: {  	[tilespmem:$0x2C0] =	vst v23;
	v23 =	vld [tilespmem:$0x1FEA0];
	_ =	sdelay $0x4  }
0x143: {  	vm3 =	vnez.u8 v23;
	v23 =	vld [tilespmem:$0x1FEB0];
	_ =	sdelay $0x1  }
0x144: {  	vm0 =	vmand vm4, vm0;
	vm1 =	vmand vm6, vm1  }
0x145: {  	v24 =	vsel vm0, $0xFF61B1E6, v24;
	v25 =	vsel vm1, $0xFF61B1E6, v25;
	vm1 =	veq.s32 v51, v26  }
0x146: {  	vm0 =	veq.s32 v52, v26;
	vm2 =	veq.s32 v53, v26;
	vm1 =	vmand vm3, vm1  }
0x147: {  	vm0 =	vmand vm5, vm0;
	v21 =	vsel vm1, $0xFF61B1E6, v21;
	vm3 =	vnez.u8 v23  }
0x148: {  	v19 =	vsel vm0, $0xFF61B1E6, v19;
	[tilespmem:$0x300] =	vst v21;
	v21 =	vld [tilespmem:$0x1FEC0];
	vm2 =	vmand vm3, vm2  }
0x149: {  	[tilespmem:$0x2F0] =	vst v19;
	v19 =	vsel vm2, $0xFF61B1E6, v22  }
0x14a: {  	[tilespmem:$0x310] =	vst v19;
	v19 =	vld [tilespmem:$0x1FED0];
	_ =	sdelay $0x1  }
0x14b: {  	v33 =	vld [tilespmem:$0x220]  }
0x14c: {  	v27 =	vld [tilespmem:$0x230];
	vm0 =	veq.s32 v49, v26;
	vm1 =	vnez.u8 v21  }
0x14d: {  	v30 =	vld [tilespmem:$0x240];
	vm0 =	vmand vm1, vm0  }
0x14e: {  	v34 =	vld [tilespmem:$0x250];
	vm1 =	veq.s32 v50, v26;
	v18 =	vsel vm0, $0xFF61B1E6, v18;
	vm0 =	vnez.u8 v19  }
0x14f: {  	[tilespmem:$0x2A0] =	vst v29;
	v29 =	vld [tilespmem:$0x260];
	vm0 =	vmand vm0, vm1  }
0x150: {  	v32 =	vld [tilespmem:$0x270];
	v23 =	vmax.f32 v20, v17;
	v16 =	vsel vm0, $0xFF61B1E6, v16  }
0x151: {  	v23 =	vmax.f32 v23, v33;
	[tilespmem:$0x330] =	vst v16;
	v16 =	vld [tilespmem:$0x1FEE0]  }
0x152: {  	v22 =	vmax.f32 v23, v27  }
0x153: {  	v21 =	vmax.f32 v22, v30  }
0x154: {  	v19 =	vmax.f32 v21, v34  }
0x155: {  	[tilespmem:$0x320] =	vst v18;
	v18 =	vmax.f32 v19, v29  }
0x156: {  	vm1 =	vnez.u8 v16;
	v16 =	vmax.f32 v18, v32;
	v18 =	vld [tilespmem:$0x1FEF0];
	_ =	sdelay $0x2  }
0x157: {  	vm0 =	veq.s32 v47, v26  }
0x158: {  	vm0 =	vmand vm1, vm0  }
0x159: {  	v36 =	vld [tilespmem:$0x280];
	vm1 =	veq.s32 v48, v26;
	v15 =	vsel vm0, $0xFF61B1E6, v15;
	vm0 =	vnez.u8 v18  }
0x15a: {  	[tilespmem:$0x2B0] =	vst v28;
	v28 =	vld [tilespmem:$0x290];
	vm0 =	vmand vm0, vm1  }
0x15b: {  	v31 =	vld [tilespmem:$0x2A0];
	v14 =	vsel vm0, $0xFF61B1E6, v14  }
0x15c: {  	[tilespmem:$0x350] =	vst v14;
	v14 =	vld [tilespmem:$0x1FF00];
	_ =	sdelay $0x2  }
0x15d: {  	v16 =	vmax.f32 v16, v36  }
0x15e: {  	[tilespmem:$0x340] =	vst v15;
	v15 =	vmax.f32 v16, v28  }
0x15f: {  	vm1 =	vnez.u8 v14;
	v14 =	vmax.f32 v15, v31;
	v15 =	vld [tilespmem:$0x1FF10];
	_ =	sdelay $0x2  }
0x160: {  	vm0 =	veq.s32 v46, v26  }
0x161: {  	vm0 =	vmand vm1, vm0  }
0x162: {  	v35 =	vld [tilespmem:$0x2B0];
	[tilespmem:$0x2D0] =	vst v24;
	vm1 =	veq.s32 v45, v26;
	v13 =	vsel vm0, $0xFF61B1E6, v13;
	vm0 =	vnez.u8 v15  }
0x163: {  	v24 =	vld [tilespmem:$0x2D0];
	vm0 =	vmand vm0, vm1  }
0x164: {  	v23 =	vld [tilespmem:$0x2C0];
	v12 =	vsel vm0, $0xFF61B1E6, v12  }
0x165: {  	[tilespmem:$0x370] =	vst v12;
	v12 =	vld [tilespmem:$0x1FF20];
	_ =	sdelay $0x2  }
0x166: {  	v14 =	vmax.f32 v14, v35  }
0x167: {  	[tilespmem:$0x360] =	vst v13;
	v13 =	vmax.f32 v14, v23  }
0x168: {  	vm1 =	vnez.u8 v12;
	v12 =	vmax.f32 v13, v24;
	v13 =	vld [tilespmem:$0x1FF30];
	_ =	sdelay $0x2  }
0x169: {  	vm0 =	veq.s32 v43, v26  }
0x16a: {  	[tilespmem:$0x2E0] =	vst v25;
	vm0 =	vmand vm1, vm0  }
0x16b: {  	v25 =	vld [tilespmem:$0x2E0];
	vm1 =	veq.s32 v44, v26;
	v10 =	vsel vm0, $0xFF61B1E6, v10;
	vm0 =	vnez.u8 v13  }
0x16c: {  	v21 =	vld [tilespmem:$0x300];
	vm0 =	vmand vm0, vm1  }
0x16d: {  	v19 =	vld [tilespmem:$0x2F0];
	v9 =	vsel vm0, $0xFF61B1E6, v9  }
0x16e: {  	[tilespmem:$0x390] =	vst v9;
	v9 =	vld [tilespmem:$0x1FF40];
	_ =	sdelay $0x2  }
0x16f: {  	v12 =	vmax.f32 v12, v25  }
0x170: {  	[tilespmem:$0x380] =	vst v10;
	v10 =	vmax.f32 v12, v19  }
0x171: {  	vm1 =	vnez.u8 v9;
	v9 =	vmax.f32 v10, v21;
	v10 =	vld [tilespmem:$0x1FF50];
	_ =	sdelay $0x2  }
0x172: {  	vm0 =	veq.s32 v41, v26  }
0x173: {  	vm0 =	vmand vm1, vm0  }
0x174: {  	v22 =	vld [tilespmem:$0x310];
	vm1 =	veq.s32 v42, v26;
	v8 =	vsel vm0, $0xFF61B1E6, v8;
	vm0 =	vnez.u8 v10  }
0x175: {  	v16 =	vld [tilespmem:$0x330];
	vm0 =	vmand vm0, vm1  }
0x176: {  	v18 =	vld [tilespmem:$0x320];
	v7 =	vsel vm0, $0xFF61B1E6, v7  }
0x177: {  	[tilespmem:$0x3B0] =	vst v7;
	v7 =	vld [tilespmem:$0x1FF60];
	_ =	sdelay $0x2  }
0x178: {  	v9 =	vmax.f32 v9, v22  }
0x179: {  	[tilespmem:$0x3A0] =	vst v8;
	v8 =	vmax.f32 v9, v18  }
0x17a: {  	vm1 =	vnez.u8 v7;
	v7 =	vmax.f32 v8, v16;
	v8 =	vld [tilespmem:$0x1FF70];
	_ =	sdelay $0x2  }
0x17b: {  	vm0 =	veq.s32 v40, v26  }
0x17c: {  	vm0 =	vmand vm1, vm0  }
0x17d: {  	v14 =	vld [tilespmem:$0x350];
	vm1 =	veq.s32 v39, v26;
	v6 =	vsel vm0, $0xFF61B1E6, v6;
	vm0 =	vnez.u8 v8  }
0x17e: {  	v15 =	vld [tilespmem:$0x340];
	vm0 =	vmand vm0, vm1  }
0x17f: {  	v13 =	vld [tilespmem:$0x360];
	v5 =	vsel vm0, $0xFF61B1E6, v5  }
0x180: {  	[tilespmem:$0x3D0] =	vst v5;
	v5 =	vld [tilespmem:$0x1FF90];
	_ =	sdelay $0x2  }
0x181: {  	v7 =	vmax.f32 v7, v15  }
0x182: {  	[tilespmem:$0x3C0] =	vst v6;
	v6 =	vmax.f32 v7, v14  }
0x183: {  	vm2 =	vnez.u8 v5;
	v5 =	vmax.f32 v6, v13;
	v6 =	vld [tilespmem:$0x1FF80];
	_ =	sdelay $0x3  }
0x184: {  	v12 =	vld [tilespmem:$0x370];
	vm0 =	veq.s32 v38, v26  }
0x185: {  	v9 =	vld [tilespmem:$0x390];
	vm1 =	veq.s32 v37, v26;
	vm0 =	vmand vm2, vm0;
	vm2 =	vnez.u8 v6  }
0x186: {  	v10 =	vld [tilespmem:$0x380];
	v4 =	vsel vm0, $0xFF61B1E6, v4;
	vm1 =	vmand vm2, vm1  }
0x187: {  	[tilespmem:$0x3F0] =	vst v4;
	v4 =	vld [tilespmem:$0x1FFA0];
	v3 =	vsel vm1, $0xFF61B1E6, v3  }
0x188: {  	[tilespmem:$0x3E0] =	vst v3;
	v3 =	vld [tilespmem:$0x1FFB0]  }
0x189: {  	v8 =	vld [tilespmem:$0x3A0]  }
0x18a: {  	v7 =	vld [tilespmem:$0x3B0]  }
0x18b: {  	v5 =	vmax.f32 v5, v12;
	v6 =	vld [tilespmem:$0x3C0]  }
0x18c: {  	vm0 =	vnez.u8 v4;
	v4 =	vmax.f32 v5, v10;
	v5 =	vld [tilespmem:$0x3D0]  }
0x18d: {  	v11 =	vsel vm0, v26, v11;
	v4 =	vmax.f32 v4, v9;
	vm0 =	vnez.u8 v3;
	v3 =	vld [tilespmem:$0x3E0]  }
0x18e: {  	v2 =	vsel vm0, v26, v2;
	v26 =	vmax.f32 v4, v8;
	v4 =	vld [tilespmem:$0x3F0]  }
0x18f: {  	v26 =	vmax.f32 v26, v7  }
0x190: {  	v26 =	vmax.f32 v26, v6  }
0x191: {  	v26 =	vmax.f32 v26, v5  }
0x192: {  	v26 =	vmax.f32 v26, v3  }
0x193: {  	v26 =	vmax.f32 v26, v4  }
0x194: {  	(xrf0) =	vmax.scan.msk.f32 $0xffff, v26;
	_ =	sdelay $0x5  }
0x195: {  	v26, _, _ =	vpop (xrf0)  }
0x196: {  	v26 =	vperm.xlane v26, v1;
	_ =	sdelay $0x1  }
0x197: {  	v37 =	vld [tilespmem:$0x400];
	(xrf0) =	vmax.scan.msk.f32 $0xffff, v26;
	_ =	sdelay $0x3  }
0x198: {  	v61 =	vimm.s32 $0x0  }
0x199: {  	v54 =	vimm.s32 $0x0;
	v55 =	vimm.s32 $0x0;
	vm0 =	vlt.s32 v37, $0x40000000  }
0x19a: {  	v53 =	vimm.s32 $0x0;
	v52 =	vimm.s32 $0x0;
	v59 =	vnsel vm0, $0x40000000, v37;
	v39, _, _ =	vpop (xrf0)  }
0x19b: {  	v26 =	vld [tilespmem:$0x500];
	vm1 =	veq.f32 v20, v39;
	vm0 =	veq.f32 v21, v39;
	vm2 =	veq.f32 v17, v39  }
0x19c: {  	v57 =	vld [tilespmem:$0x410];
	vm11 =	veq.f32 v30, v39;
	vm13 =	veq.f32 v34, v39;
	vm12 =	veq.f32 v29, v39  }
0x19d: {  	v56 =	vld [tilespmem:$0x510];
	vm14 =	veq.f32 v32, v39;
	vm15 =	veq.f32 v28, v39;
	vm3 =	veq.f32 v8, v39  }
0x19e: {  	vm4 =	veq.f32 v7, v39;
	vm9 =	veq.f32 v23, v39;
	vm6 =	veq.f32 v25, v39  }
0x19f: {  	v58 =	vld [tilespmem:$0x520];
	v44 =	vsel vm1, $0xFFFFFFFF, v61;
	v42 =	vnsel vm1, $0x40000000, v59;
	v46 =	vsel vm0, $0xFFFFFFFF, v53  }
0x1a0: {  	v60 =	vld [tilespmem:$0x420];
	v26 =	vnsel vm0, $0x40000000, v26;
	vm1 =	veq.f32 v22, v39;
	v47 =	vsel vm2, $0xFFFFFFFF, v55  }
0x1a1: {  	v61 =	vimm.s32 $0x0;
	v55 =	vimm.s32 $0x0;
	vm0 =	vlt.s32 v42, v57  }
0x1a2: {  	v63 =	vld [tilespmem:$0x430];
	[tilespmem:$0x1FEA0] =	vst v46;
	v46 =	vsel vm1, $0xFFFFFFFF, v54;
	v38 =	vnsel vm1, $0x40000000, v56;
	vm1 =	veq.f32 v18, v39  }
0x1a3: {  	v62 =	vld [tilespmem:$0x530];
	v56 =	vimm.s32 $0x0;
	v40 =	vsel vm0, v42, v57;
	vm0 =	veq.f32 v33, v39  }
0x1a4: {  	v53 =	vld [tilespmem:$0x550];
	[tilespmem:$0x1FE70] =	vst v47;
	v47 =	vsel vm0, $0xFFFFFFFF, v56;
	v42 =	vsel vm2, v40, v42;
	v40 =	vsel vm1, $0xFFFFFFFF, v52  }
0x1a5: {  	v57 =	vld [tilespmem:$0x440];
	v43 =	vnsel vm0, $0x40000000, v60;
	vm2 =	veq.f32 v27, v39;
	[tilespmem:$0x1FEC0] =	vst v40;
	v40 =	vnsel vm1, $0x40000000, v58  }
0x1a6: {  	v59 =	vld [tilespmem:$0x450];
	vm0 =	vlt.s32 v42, v43;
	v58 =	vimm.s32 $0x0;
	vm1 =	veq.f32 v16, v39  }
0x1a7: {  	[tilespmem:$0x1FEB0] =	vst v46;
	v46 =	vld [tilespmem:$0x540];
	v60 =	vnsel vm2, $0x40000000, v63;
	v41 =	vsel vm2, $0xFFFFFFFF, v58;
	v42 =	vsel vm0, v42, v43  }
0x1a8: {  	v56 =	vld [tilespmem:$0x470];
	v58 =	vimm.s32 $0x0;
	vm2 =	veq.f32 v10, v39;
	[tilespmem:$0x1FE90] =	vst v41;
	v41 =	vsel vm1, $0xFFFFFFFF, v61  }
0x1a9: {  	v63 =	vld [tilespmem:$0x460];
	vm0 =	vlt.s32 v42, v60;
	v61 =	vimm.s32 $0x0;
	[tilespmem:$0x1FED0] =	vst v41;
	v41 =	vnsel vm1, $0x40000000, v62  }
0x1aa: {  	vm1 =	veq.f32 v15, v39;
	v42 =	vsel vm0, v42, v60;
	v54 =	vnsel vm11, $0x40000000, v57  }
0x1ab: {  	[tilespmem:$0x1FE80] =	vst v47;
	v62 =	vld [tilespmem:$0x560];
	v57 =	vnsel vm13, $0x40000000, v59;
	v47 =	vsel vm1, $0xFFFFFFFF, v55;
	vm0 =	vlt.s32 v42, v54  }
0x1ac: {  	v46 =	vnsel vm1, $0x40000000, v46;
	vm1 =	veq.f32 v14, v39;
	v42 =	vsel vm0, v42, v54  }
0x1ad: {  	[tilespmem:$0x1FEE0] =	vst v47;
	v47 =	vld [tilespmem:$0x570];
	v49 =	vsel vm1, $0xFFFFFFFF, v58;
	v48 =	vnsel vm1, $0x40000000, v53;
	vm1 =	veq.f32 v13, v39  }
0x1ae: {  	v59 =	vld [tilespmem:$0x480];
	v60 =	vnsel vm12, $0x40000000, v63;
	v63 =	vnsel vm14, $0x40000000, v56;
	vm0 =	vlt.s32 v42, v57  }
0x1af: {  	[tilespmem:$0x1FE60] =	vst v44;
	v55 =	vld [tilespmem:$0x4C0];
	v56 =	vimm.s32 $0x0;
	v45 =	vsel vm1, $0xFFFFFFFF, v61;
	v42 =	vsel vm0, v42, v57  }
0x1b0: {  	[tilespmem:$0x1FEF0] =	vst v49;
	v49 =	vld [tilespmem:$0x580];
	v44 =	vnsel vm1, $0x40000000, v62;
	vm0 =	vlt.s32 v42, v60;
	vm1 =	veq.f32 v12, v39  }
0x1b1: {  	v61 =	vimm.s32 $0x0;
	v62 =	vld [tilespmem:$0x490];
	v42 =	vsel vm0, v42, v60;
	v50 =	vsel vm1, $0xFFFFFFFF, v56  }
0x1b2: {  	[tilespmem:$0x1FF00] =	vst v45;
	v45 =	vld [tilespmem:$0x590];
	vm0 =	veq.f32 v36, v39;
	v56 =	vimm.s32 $0x0;
	v47 =	vnsel vm1, $0x40000000, v47  }
0x1b3: {  	v57 =	vld [tilespmem:$0x4A0];
	vm1 =	vlt.s32 v42, v63;
	v58 =	vnsel vm0, $0x40000000, v59;
	v59 =	vimm.s32 $0x0  }
0x1b4: {  	[tilespmem:$0x1FF10] =	vst v50;
	v50 =	vld [tilespmem:$0x5A0];
	v53 =	vsel vm3, $0xFFFFFFFF, v56;
	v42 =	vsel vm1, v42, v63;
	v51 =	vsel vm2, $0xFFFFFFFF, v59  }
0x1b5: {  	v54 =	vld [tilespmem:$0x4B0];
	v49 =	vnsel vm2, $0x40000000, v49;
	vm2 =	veq.f32 v9, v39;
	vm1 =	vlt.s32 v42, v58  }
0x1b6: {  	[tilespmem:$0x1FF20] =	vst v51;
	v51 =	vld [tilespmem:$0x5B0];
	v52 =	vsel vm2, $0xFFFFFFFF, v61;
	v42 =	vsel vm1, v42, v58;
	v60 =	vnsel vm15, $0x40000000, v62  }
0x1b7: {  	v45 =	vnsel vm2, $0x40000000, v45;
	vm1 =	veq.f32 v31, v39;
	vm2 =	vlt.s32 v42, v60  }
0x1b8: {  	v56 =	vld [tilespmem:$0x4D0];
	v58 =	vimm.s32 $0x0;
	v63 =	vnsel vm1, $0x40000000, v57;
	v42 =	vsel vm2, v42, v60  }
0x1b9: {  	v62 =	vld [tilespmem:$0x5C0];
	v50 =	vnsel vm3, $0x40000000, v50;
	vm3 =	veq.f32 v35, v39;
	vm2 =	vlt.s32 v42, v63  }
0x1ba: {  	[tilespmem:$0x1FF40] =	vst v53;
	v53 =	vld [tilespmem:$0x5D0];
	v57 =	vnsel vm3, $0x40000000, v54;
	v54 =	vsel vm4, $0xFFFFFFFF, v58;
	v42 =	vsel vm2, v42, v63  }
0x1bb: {  	v59 =	vnsel vm9, $0x40000000, v55;
	[tilespmem:$0x1FF50] =	vst v54;
	v51 =	vnsel vm4, $0x40000000, v51;
	v54 =	vld [tilespmem:$0x4E0];
	vm4 =	vlt.s32 v42, v57  }
0x1bc: {  	v60 =	vimm.s32 $0x0;
	vm2 =	veq.f32 v6, v39;
	v42 =	vsel vm4, v42, v57  }
0x1bd: {  	v61 =	vld [tilespmem:$0x4F0];
	v63 =	vimm.s32 $0x0;
	vm4 =	veq.f32 v24, v39;
	vm5 =	vlt.s32 v42, v59  }
0x1be: {  	[tilespmem:$0x1FF30] =	vst v52;
	v52 =	vnsel vm2, $0x40000000, v62;
	v62 =	vnsel vm4, $0x40000000, v56;
	v42 =	vsel vm5, v42, v59  }
0x1bf: {  	v55 =	vsel vm2, $0xFFFFFFFF, v60;
	vm2 =	veq.f32 v5, v39;
	vm5 =	vlt.s32 v42, v62  }
0x1c0: {  	v53 =	vnsel vm2, $0x40000000, v53;
	v59 =	vnsel vm6, $0x40000000, v54;
	v42 =	vsel vm5, v42, v62  }
0x1c1: {  	v56 =	vsel vm2, $0xFFFFFFFF, v63;
	vm5 =	veq.f32 v19, v39;
	vm2 =	vlt.s32 v42, v59  }
0x1c2: {  	v61 =	vnsel vm5, $0x40000000, v61;
	v60 =	vsel vm2, v42, v59  }
0x1c3: {  	vm2 =	vlt.s32 v60, v61  }
0x1c4: {  	vm7 =	veq.f32 v4, v39;
	vm8 =	veq.f32 v3, v39;
	v39 =	vsel vm2, v60, v61  }
0x1c5: {  	vm2 =	vlt.s32 v39, v26  }
0x1c6: {  	v26 =	vsel vm2, v39, v26  }
0x1c7: {  	vm2 =	vlt.s32 v26, v38  }
0x1c8: {  	v26 =	vsel vm2, v26, v38  }
0x1c9: {  	vm2 =	vlt.s32 v26, v40  }
0x1ca: {  	v26 =	vsel vm2, v26, v40  }
0x1cb: {  	vm2 =	vlt.s32 v26, v41  }
0x1cc: {  	v26 =	vsel vm2, v26, v41  }
0x1cd: {  	vm2 =	vlt.s32 v26, v46  }
0x1ce: {  	v26 =	vsel vm2, v26, v46  }
0x1cf: {  	vm2 =	vlt.s32 v26, v48  }
0x1d0: {  	v26 =	vsel vm2, v26, v48  }
0x1d1: {  	vm2 =	vlt.s32 v26, v44  }
0x1d2: {  	v26 =	vsel vm2, v26, v44  }
0x1d3: {  	vm2 =	vlt.s32 v26, v47  }
0x1d4: {  	v26 =	vsel vm2, v26, v47  }
0x1d5: {  	vm2 =	vlt.s32 v26, v49  }
0x1d6: {  	v26 =	vsel vm2, v26, v49  }
0x1d7: {  	vm2 =	vlt.s32 v26, v45  }
0x1d8: {  	v26 =	vsel vm2, v26, v45  }
0x1d9: {  	vm2 =	vlt.s32 v26, v50  }
0x1da: {  	v26 =	vsel vm2, v26, v50  }
0x1db: {  	v62 =	vld [tilespmem:$0x5E0];
	vm2 =	vlt.s32 v26, v51  }
0x1dc: {  	v26 =	vsel vm2, v26, v51  }
0x1dd: {  	v63 =	vld [tilespmem:$0x5F0];
	vm2 =	vlt.s32 v26, v52  }
0x1de: {  	v26 =	vsel vm2, v26, v52  }
0x1df: {  	vm2 =	vlt.s32 v26, v53  }
0x1e0: {  	v38 =	vnsel vm8, $0x40000000, v62;
	v26 =	vsel vm2, v26, v53  }
0x1e1: {  	vm2 =	vlt.s32 v26, v38  }
0x1e2: {  	v46 =	vnsel vm7, $0x40000000, v63;
	v26 =	vsel vm2, v26, v38  }
0x1e3: {  	vm2 =	vlt.s32 v26, v46  }
0x1e4: {  	v26 =	vsel vm2, v26, v46  }
0x1e5: {  	v26 =	vsub.s32 $0x80000000, v26  }
0x1e6: {  	(xrf0) =	vmax.scan.msk.u32 $0xffff, v26  }
0x1e7: {  	v58 =	vld [tilespmem:$0x4A0]  }
0x1e8: {  	[tilespmem:$0x1FF60] =	vst v55;
	v55 =	vld [tilespmem:$0x470]  }
0x1e9: {  	v57 =	vld [tilespmem:$0x490]  }
0x1ea: {  	[tilespmem:$0x1FF70] =	vst v56;
	v56 =	vld [tilespmem:$0x480]  }
0x1eb: {  	v54 =	vld [tilespmem:$0x460]  }
0x1ec: {  	v42 =	vld [tilespmem:$0x450];
	v26, _, _ =	vpop (xrf0)  }
0x1ed: {  	v59 =	vld [tilespmem:$0x4B0];
	v26 =	vxor.u32 $0x80000000, v26  }
0x1ee: {  	v60 =	vld [tilespmem:$0x4C0];
	v26 =	vperm.xlane v26, v1  }
0x1ef: {  	v61 =	vld [tilespmem:$0x4D0]  }
0x1f0: {  	v39 =	vld [tilespmem:$0x420];
	v26 =	vxor.u32 $0x80000000, v26  }
0x1f1: {  	v62 =	vld [tilespmem:$0x4E0];
	(xrf0) =	vmax.scan.msk.u32 $0xffff, v26  }
0x1f2: {  	v41 =	vld [tilespmem:$0x440];
	v44 =	vimm.s32 $0x0  }
0x1f3: {  	v40 =	vsel vm8, $0xFFFFFFFF, v44;
	v44 =	vld [tilespmem:$0x590];
	v45 =	vimm.s32 $0x0  }
0x1f4: {  	v38 =	vsel vm7, $0xFFFFFFFF, v45;
	v45 =	vld [tilespmem:$0x1FE60]  }
0x1f5: {  	s5 =	sand.u32 $0xF, s3;
	vm8 =	vmxor vm8, vm8;
	[tilespmem:$0x1FF90] =	vst v38;
	v38 =	vld [tilespmem:$0x410]  }
0x1f6: {  	p1 =	slt.u32 s3, $0x10;
	v63 =	vimm.s32 $0x0;
	vm2 =	vmmov vm8;
	v46 =	vld [tilespmem:$0x1FE70];
	v26 =	vmov s5  }
0x1f7: {  	v48 =	vimm.s32 $0x0;
	[tilespmem:$0x1FF80] =	vst v40;
	v40 =	vld [tilespmem:$0x430];
	vm2 =	vmneg @p1 vm2;
	p1 =	sgt.u32 s3, $0xF;
	vm7 =	veq.s32 v26, v0;
	v47, _, _ =	vpop (xrf0)  }
0x1f8: {  	v49 =	vld [tilespmem:$0x520];
	vm8 =	vmneg @p1 vm8;
	vm2 =	vmand vm2, vm7;
	v43 =	vxor.u32 $0x7FFFFFFF, v47  }
0x1f9: {  	v50 =	vld [tilespmem:$0x530];
	v26 =	vadd.s32 $0x1, v43;
	v43 =	vsel vm2, $0xFFFFFFFF, v48;
	vm2 =	vmand vm8, vm7  }
0x1fa: {  	v51 =	vld [tilespmem:$0x500];
	vm10 =	vnez.u8 v45;
	[tilespmem:$0x1FFA0] =	vst v43;
	v43 =	vsel vm2, $0xFFFFFFFF, v63;
	vm2 =	veq.s32 v37, v26  }
0x1fb: {  	v52 =	vld [tilespmem:$0x4F0];
	vm7 =	veq.s32 v38, v26;
	vm2 =	vmand vm10, vm2;
	vm10 =	vnez.u8 v46  }
0x1fc: {  	v63 =	vld [tilespmem:$0x1FE80];
	vm7 =	vmand vm10, vm7  }
0x1fd: {  	v53 =	vld [tilespmem:$0x510];
	v17 =	vsel vm7, $0xFF61B1E6, v17  }
0x1fe: {  	[tilespmem:$0x210] =	vst v17;
	v17 =	vld [tilespmem:$0x1FE90]  }
0x1ff: {  	v45 =	vld [tilespmem:$0x570]  }
0x200: {  	v47 =	vld [tilespmem:$0x540];
	vm8 =	veq.s32 v39, v26;
	v20 =	vsel vm2, $0xFF61B1E6, v20;
	vm7 =	veq.s32 v41, v26  }
0x201: {  	v48 =	vld [tilespmem:$0x550];
	vm2 =	veq.s32 v40, v26;
	vm7 =	vmand vm11, vm7;
	vm10 =	vnez.u8 v63  }
0x202: {  	v39 =	vld [tilespmem:$0x5D0];
	[tilespmem:$0x200] =	vst v20;
	v20 =	vsel vm7, $0xFF61B1E6, v30;
	vm7 =	veq.s32 v55, v26;
	vm8 =	vmand vm10, vm8  }
0x203: {  	v37 =	vld [tilespmem:$0x5E0];
	[tilespmem:$0x1FFB0] =	vst v43;
	vm7 =	vmand vm14, vm7;
	v33 =	vsel vm8, $0xFF61B1E6, v33;
	vm10 =	vnez.u8 v17  }
0x204: {  	v38 =	vld [tilespmem:$0x5F0];
	[tilespmem:$0x240] =	vst v20;
	vm8 =	veq.s32 v42, v26;
	v20 =	vsel vm7, $0xFF61B1E6, v32;
	vm2 =	vmand vm10, vm2  }
0x205: {  	v46 =	vld [tilespmem:$0x560];
	vm8 =	vmand vm13, vm8;
	[tilespmem:$0x220] =	vst v33;
	v17 =	vsel vm2, $0xFF61B1E6, v27;
	vm2 =	veq.s32 v54, v26  }
0x206: {  	p0 =	sne.s32 s4, $0x1F;
	v43 =	vld [tilespmem:$0x580];
	[tilespmem:$0x270] =	vst v20;
	v27 =	vsel vm8, $0xFF61B1E6, v34;
	vm8 =	veq.s32 v56, v26;
	vm2 =	vmand vm12, vm2  }
.Ltmp3:
0x207: {  	v40 =	vld [tilespmem:$0x5C0];
	vm7 =	veq.s32 v59, v26;
	[tilespmem:$0x230] =	vst v17;
	vm0 =	vmand vm0, vm8;
	v17 =	vsel vm2, $0xFF61B1E6, v29;
	(pc) =	sbr.rel @p0 .LBB2_5-.Ltmp3, $4  }
0x208: {  	v41 =	vld [tilespmem:$0x5A0];
	[tilespmem:$0x250] =	vst v27;
	v27 =	vsel vm0, $0xFF61B1E6, v36;
	vm0 =	veq.s32 v57, v26;
	vm2 =	veq.s32 v58, v26  }
0x209: {  	v42 =	vld [tilespmem:$0x5B0];
	[tilespmem:$0x260] =	vst v17;
	vm0 =	vmand vm15, vm0;
	vm1 =	vmand vm1, vm2;
	vm2 =	vmand vm3, vm7  }
0x20a: {  	v20 =	vld [tilespmem:$0x200];
	[tilespmem:$0x280] =	vst v27;
	vm3 =	veq.s32 v60, v26;
	v27 =	vsel vm0, $0xFF61B1E6, v28;
	v29 =	vsel vm1, $0xFF61B1E6, v31  }
0x20b: {  	s3 =	smov.u32 s4;
	s4 =	sadd.s32 $0x1, s4;
	v17 =	vld [tilespmem:$0x210];
	v28 =	vsel vm2, $0xFF61B1E6, v35;
	vm0 =	veq.s32 v61, v26;
	vm1 =	veq.s32 v62, v26;
	[tilespmem:$0x290] =	vst v27  }
0x20c: {  	v36 =	vld [tilespmem:$0x220]  }
0x20d: {  	v27 =	vld [tilespmem:$0x230]  }
0x20e: {  	v33 =	vld [tilespmem:$0x240]  }
0x20f: {  	v34 =	vld [tilespmem:$0x250]  }
0x210: {  	v60 =	vld [tilespmem:$0x1FEA0]  }
0x211: {  	v61 =	vld [tilespmem:$0x1FEB0]  }
0x212: {  	v63 =	vld [tilespmem:$0x1FEC0]  }
0x213: {  	v54 =	vld [tilespmem:$0x1FED0]  }
0x214: {  	vm2 =	vmand vm9, vm3;
	vm0 =	vmand vm4, vm0;
	v58 =	vld [tilespmem:$0x1FEE0]  }
0x215: {  	vm1 =	vmand vm6, vm1;
	vm11 =	veq.s32 v52, v26;
	[tilespmem:$0x2A0] =	vst v29;
	vm10 =	veq.s32 v48, v26;
	v48 =	vld [tilespmem:$0x1FF10]  }
0x216: {  	vm12 =	veq.s32 v51, v26;
	[tilespmem:$0x2B0] =	vst v28;
	v30 =	vsel vm2, $0xFF61B1E6, v23;
	v25 =	vsel vm1, $0xFF61B1E6, v25;
	v23 =	vld [tilespmem:$0x260]  }
0x217: {  	vm13 =	veq.s32 v53, v26;
	v24 =	vsel vm0, $0xFF61B1E6, v24;
	vm0 =	vmand vm5, vm11;
	v29 =	vld [tilespmem:$0x2B0];
	[tilespmem:$0x2E0] =	vst v25  }
0x218: {  	vm4 =	veq.s32 v49, v26;
	v32 =	vsel vm0, $0xFF61B1E6, v19;
	[tilespmem:$0x2C0] =	vst v30;
	v30 =	vld [tilespmem:$0x2E0];
	v31 =	vmax.f32 v20, v17  }
0x219: {  	vm14 =	vnez.u8 v60;
	vm15 =	vnez.u8 v61;
	vm5 =	vnez.u8 v63;
	v61 =	vld [tilespmem:$0x1FEF0]  }
0x21a: {  	vm1 =	vmand vm14, vm12;
	vm0 =	vmand vm5, vm4;
	vm4 =	veq.s32 v43, v26;
	v43 =	vld [tilespmem:$0x1FF60]  }
0x21b: {  	v62 =	vmax.f32 v31, v36;
	vm2 =	vmand vm15, vm13;
	v35 =	vsel vm1, $0xFF61B1E6, v21;
	v21 =	vld [tilespmem:$0x270]  }
0x21c: {  	v19 =	vmax.f32 v62, v27;
	v31 =	vsel vm2, $0xFF61B1E6, v22;
	v22 =	vld [tilespmem:$0x280]  }
0x21d: {  	vm6 =	veq.s32 v50, v26;
	vm7 =	vnez.u8 v54;
	v52 =	vmax.f32 v19, v33;
	v19 =	vld [tilespmem:$0x290]  }
0x21e: {  	v53 =	vsel vm0, $0xFF61B1E6, v18;
	vm0 =	vmand vm7, vm6;
	v18 =	vld [tilespmem:$0x2A0]  }
0x21f: {  	v56 =	vsel vm0, $0xFF61B1E6, v16;
	v16 =	vld [tilespmem:$0x2C0]  }
0x220: {  	vm8 =	veq.s32 v47, v26;
	vm9 =	vnez.u8 v58;
	[tilespmem:$0x300] =	vst v35;
	v35 =	vld [tilespmem:$0x1FF00]  }
0x221: {  	[tilespmem:$0x2D0] =	vst v24;
	v55 =	vmax.f32 v52, v34;
	vm0 =	vmand vm9, vm8;
	v52 =	vld [tilespmem:$0x1FF20]  }
0x222: {  	v60 =	vsel vm0, $0xFF61B1E6, v15;
	v15 =	vld [tilespmem:$0x2D0]  }
0x223: {  	[tilespmem:$0x310] =	vst v31;
	v57 =	vmax.f32 v55, v23;
	v55 =	vld [tilespmem:$0x1FF30];
	vm11 =	vnez.u8 v61  }
0x224: {  	[tilespmem:$0x2F0] =	vst v32;
	vm12 =	veq.s32 v46, v26;
	vm14 =	veq.s32 v45, v26;
	v31 =	vld [tilespmem:$0x310];
	vm0 =	vmand vm11, vm10  }
0x225: {  	vm15 =	vnez.u8 v48;
	v59 =	vmax.f32 v57, v21;
	v62 =	vsel vm0, $0xFF61B1E6, v14;
	v14 =	vld [tilespmem:$0x2F0]  }
0x226: {  	vm6 =	veq.s32 v44, v26;
	vm8 =	veq.s32 v41, v26;
	v24 =	vmax.f32 v59, v22;
	v59 =	vld [tilespmem:$0x1FF40]  }
0x227: {  	vm10 =	veq.s32 v42, v26;
	vm13 =	vnez.u8 v35;
	vm5 =	vnez.u8 v52;
	[tilespmem:$0x350] =	vst v62;
	v62 =	vld [tilespmem:$0x1FF50]  }
0x228: {  	v52 =	vld [tilespmem:$0x1FF90];
	v63 =	vmax.f32 v24, v19;
	vm0 =	vmand vm13, vm12;
	vm7 =	vnez.u8 v55  }
0x229: {  	[tilespmem:$0x320] =	vst v53;
	v46 =	vmax.f32 v63, v18;
	v47 =	vsel vm0, $0xFF61B1E6, v13;
	vm0 =	vmand vm15, vm14;
	v13 =	vld [tilespmem:$0x300]  }
0x22a: {  	vm12 =	veq.s32 v40, v26;
	v24 =	vmax.f32 v46, v29;
	v49 =	vsel vm0, $0xFF61B1E6, v12;
	v12 =	vld [tilespmem:$0x320]  }
0x22b: {  	[tilespmem:$0x330] =	vst v56;
	vm13 =	vnez.u8 v43;
	vm14 =	veq.s32 v39, v26;
	v46 =	vld [tilespmem:$0x1FF70];
	v51 =	vmax.f32 v24, v16  }
0x22c: {  	[tilespmem:$0x340] =	vst v60;
	vm0 =	vmand vm5, vm4;
	vm4 =	veq.s32 v37, v26;
	v24 =	vld [tilespmem:$0x330];
	v53 =	vmax.f32 v51, v15  }
0x22d: {  	v54 =	vsel vm0, $0xFF61B1E6, v10;
	vm0 =	vmand vm7, vm6;
	v10 =	vld [tilespmem:$0x340];
	v56 =	vmax.f32 v53, v30  }
0x22e: {  	vm5 =	veq.s32 v38, v26;
	v57 =	vsel vm0, $0xFF61B1E6, v9;
	v9 =	vld [tilespmem:$0x350];
	v58 =	vmax.f32 v56, v14  }
0x22f: {  	[tilespmem:$0x360] =	vst v47;
	vm9 =	vnez.u8 v59;
	vm11 =	vnez.u8 v62;
	v51 =	vld [tilespmem:$0x1FF80];
	v60 =	vmax.f32 v58, v13  }
0x230: {  	[tilespmem:$0x370] =	vst v49;
	v25 =	vld [tilespmem:$0x360];
	vm7 =	vnez.u8 v52;
	vm0 =	vmand vm9, vm8;
	v63 =	vmax.f32 v60, v31  }
0x231: {  	[tilespmem:$0x380] =	vst v54;
	v61 =	vsel vm0, $0xFF61B1E6, v8;
	vm0 =	vmand vm11, vm10;
	v8 =	vld [tilespmem:$0x370];
	v42 =	vmax.f32 v63, v12  }
0x232: {  	[tilespmem:$0x390] =	vst v57;
	v41 =	vsel vm0, $0xFF61B1E6, v7;
	vm0 =	vmand vm13, vm12;
	v7 =	vld [tilespmem:$0x380];
	v44 =	vmax.f32 v42, v24  }
0x233: {  	v28 =	vld [tilespmem:$0x390];
	[tilespmem:$0x3A0] =	vst v61;
	vm15 =	vnez.u8 v46;
	v45 =	vsel vm0, $0xFF61B1E6, v6;
	v47 =	vmax.f32 v44, v10  }
0x234: {  	vm0 =	vmand vm15, vm14;
	[tilespmem:$0x3B0] =	vst v41;
	v6 =	vld [tilespmem:$0x3A0];
	vm6 =	vnez.u8 v51;
	v49 =	vmax.f32 v47, v9  }
0x235: {  	v48 =	vsel vm0, $0xFF61B1E6, v5;
	[tilespmem:$0x3C0] =	vst v45;
	v5 =	vld [tilespmem:$0x3B0];
	vm0 =	vmand vm6, vm4;
	v50 =	vmax.f32 v49, v25  }
0x236: {  	vm1 =	vmand vm7, vm5;
	[tilespmem:$0x3D0] =	vst v48;
	v35 =	vld [tilespmem:$0x3C0];
	v3 =	vsel vm0, $0xFF61B1E6, v3;
	v32 =	vmax.f32 v50, v8  }
0x237: {  	v4 =	vsel vm1, $0xFF61B1E6, v4;
	[tilespmem:$0x3E0] =	vst v3;
	v53 =	vmax.f32 v32, v7;
	v32 =	vld [tilespmem:$0x3D0]  }
0x238: {  	[tilespmem:$0x3F0] =	vst v4;
	v3 =	vld [tilespmem:$0x3E0];
	v54 =	vmax.f32 v53, v28  }
0x239: {  	v4 =	vld [tilespmem:$0x3F0];
	v37 =	vmax.f32 v54, v6  }
0x23a: {  	v37 =	vmax.f32 v37, v5  }
0x23b: {  	v37 =	vmax.f32 v37, v35  }
0x23c: {  	v37 =	vmax.f32 v37, v32  }
0x23d: {  	v37 =	vmax.f32 v37, v3  }
0x23e: {  	v37 =	vmax.f32 v37, v4  }
0x23f: {  	(xrf0) =	vmax.scan.msk.f32 $0xffff, v37;
	_ =	sdelay $0x5  }
0x240: {  	v37, _, _ =	vpop (xrf0)  }
0x241: {  	v37 =	vperm.xlane v37, v1;
	_ =	sdelay $0x1  }
0x242: {  	(xrf0) =	vmax.scan.msk.f32 $0xffff, v37  }
0x243: {  	v37 =	vld [tilespmem:$0x400];
	_ =	sdelay $0x2  }
0x244: {  	v55 =	vld [tilespmem:$0x410];
	_ =	sdelay $0x1  }
0x245: {  	v56 =	vld [tilespmem:$0x420];
	vm8 =	vlt.s32 v37, $0x40000000;
	v38, _, _ =	vpop (xrf0)  }
0x246: {  	v57 =	vnsel vm8, $0x40000000, v37;
	vm9 =	veq.f32 v20, v38  }
0x247: {  	v59 =	vld [tilespmem:$0x430];
	v41 =	vnsel vm9, $0x40000000, v57  }
0x248: {  	v58 =	vimm.s32 $0x0;
	vm13 =	veq.f32 v36, v38;
	vm0 =	vlt.s32 v41, v55  }
0x249: {  	v60 =	vld [tilespmem:$0x440];
	v42 =	vsel vm9, $0xFFFFFFFF, v58;
	vm9 =	veq.f32 v17, v38;
	v39 =	vsel vm0, v41, v55  }
0x24a: {  	v40 =	vnsel vm13, $0x40000000, v56;
	v39 =	vsel vm9, v39, v41  }
0x24b: {  	v62 =	vld [tilespmem:$0x450];
	vm11 =	veq.f32 v27, v38;
	vm10 =	vlt.s32 v39, v40  }
0x24c: {  	v63 =	vnsel vm11, $0x40000000, v59;
	v39 =	vsel vm10, v39, v40  }
0x24d: {  	v45 =	vld [tilespmem:$0x460];
	vm15 =	veq.f32 v33, v38;
	vm0 =	vlt.s32 v39, v63  }
0x24e: {  	v61 =	vimm.s32 $0x0;
	v46 =	vnsel vm15, $0x40000000, v60;
	v39 =	vsel vm0, v39, v63  }
0x24f: {  	v47 =	vld [tilespmem:$0x470];
	v41 =	vsel vm11, $0xFFFFFFFF, v61;
	vm11 =	veq.f32 v34, v38;
	vm0 =	vlt.s32 v39, v46  }
0x250: {  	v48 =	vnsel vm11, $0x40000000, v62;
	v39 =	vsel vm0, v39, v46  }
0x251: {  	v50 =	vld [tilespmem:$0x480];
	vm12 =	veq.f32 v23, v38;
	vm0 =	vlt.s32 v39, v48  }
0x252: {  	v51 =	vnsel vm12, $0x40000000, v45;
	v39 =	vsel vm0, v39, v48  }
0x253: {  	v53 =	vld [tilespmem:$0x490];
	vm14 =	veq.f32 v21, v38;
	vm0 =	vlt.s32 v39, v51  }
0x254: {  	v54 =	vnsel vm14, $0x40000000, v47;
	v39 =	vsel vm0, v39, v51  }
0x255: {  	vm3 =	veq.f32 v22, v38;
	v55 =	vld [tilespmem:$0x4A0];
	vm0 =	vlt.s32 v39, v54  }
0x256: {  	v56 =	vnsel vm3, $0x40000000, v50;
	v39 =	vsel vm0, v39, v54  }
0x257: {  	vm4 =	veq.f32 v19, v38;
	v58 =	vld [tilespmem:$0x4B0];
	vm0 =	vlt.s32 v39, v56  }
0x258: {  	v49 =	vimm.s32 $0x0;
	v59 =	vnsel vm4, $0x40000000, v53;
	v39 =	vsel vm0, v39, v56  }
0x259: {  	vm5 =	veq.f32 v18, v38;
	v57 =	vimm.s32 $0x0;
	v61 =	vld [tilespmem:$0x4C0];
	vm0 =	vlt.s32 v39, v59  }
0x25a: {  	[tilespmem:$0x1FD40] =	vst v41;
	v41 =	vsel vm12, $0xFFFFFFFF, v49;
	v62 =	vnsel vm5, $0x40000000, v55;
	v39 =	vsel vm0, v39, v59  }
0x25b: {  	[tilespmem:$0x1FD50] =	vst v41;
	v41 =	vsel vm4, $0xFFFFFFFF, v57;
	vm4 =	veq.f32 v29, v38;
	v63 =	vld [tilespmem:$0x4D0];
	vm0 =	vlt.s32 v39, v62  }
0x25c: {  	v52 =	vimm.s32 $0x0;
	v48 =	vnsel vm4, $0x40000000, v58;
	v39 =	vsel vm0, v39, v62  }
0x25d: {  	vm6 =	veq.f32 v16, v38;
	v50 =	vimm.s32 $0x0;
	v49 =	vld [tilespmem:$0x4E0];
	vm0 =	vlt.s32 v39, v48  }
0x25e: {  	[tilespmem:$0x1FD30] =	vst v42;
	v42 =	vsel vm14, $0xFFFFFFFF, v52;
	v51 =	vnsel vm6, $0x40000000, v61;
	v39 =	vsel vm0, v39, v48  }
0x25f: {  	v44 =	vsel vm6, $0xFFFFFFFF, v50;
	v52 =	vld [tilespmem:$0x4F0];
	vm6 =	veq.f32 v15, v38;
	vm0 =	vlt.s32 v39, v51  }
0x260: {  	v53 =	vnsel vm6, $0x40000000, v63;
	v39 =	vsel vm0, v39, v51  }
0x261: {  	vm2 =	veq.f32 v30, v38;
	v54 =	vld [tilespmem:$0x500];
	vm0 =	vlt.s32 v39, v53  }
0x262: {  	vm7 =	veq.f32 v14, v38;
	v55 =	vnsel vm2, $0x40000000, v49;
	v39 =	vsel vm0, v39, v53  }
0x263: {  	vm8 =	veq.f32 v13, v38;
	v60 =	vimm.s32 $0x0;
	v56 =	vld [tilespmem:$0x510];
	vm0 =	vlt.s32 v39, v55  }
0x264: {  	[tilespmem:$0x1FD60] =	vst v42;
	v42 =	vsel vm5, $0xFFFFFFFF, v60;
	v58 =	vnsel vm7, $0x40000000, v52;
	v39 =	vsel vm0, v39, v55  }
0x265: {  	v60 =	vimm.s32 $0x0;
	v57 =	vimm.s32 $0x0;
	v59 =	vld [tilespmem:$0x520];
	vm0 =	vlt.s32 v39, v58  }
0x266: {  	[tilespmem:$0x1FD90] =	vst v44;
	v44 =	vsel vm7, $0xFFFFFFFF, v57;
	v61 =	vnsel vm8, $0x40000000, v54;
	v39 =	vsel vm0, v39, v58  }
0x267: {  	[tilespmem:$0x1FDA0] =	vst v44;
	v44 =	vsel vm8, $0xFFFFFFFF, v60;
	vm8 =	veq.f32 v31, v38;
	v62 =	vld [tilespmem:$0x530];
	vm0 =	vlt.s32 v39, v61  }
0x268: {  	v63 =	vnsel vm8, $0x40000000, v56;
	v39 =	vsel vm0, v39, v61  }
0x269: {  	vm10 =	veq.f32 v12, v38;
	v48 =	vld [tilespmem:$0x540];
	vm0 =	vlt.s32 v39, v63  }
0x26a: {  	v50 =	vnsel vm10, $0x40000000, v59;
	v39 =	vsel vm0, v39, v63  }
0x26b: {  	vm14 =	veq.f32 v24, v38;
	v51 =	vld [tilespmem:$0x550];
	vm0 =	vlt.s32 v39, v50  }
0x26c: {  	v52 =	vnsel vm14, $0x40000000, v62;
	v39 =	vsel vm0, v39, v50  }
0x26d: {  	vm12 =	veq.f32 v10, v38;
	v53 =	vld [tilespmem:$0x560];
	vm0 =	vlt.s32 v39, v52  }
0x26e: {  	v55 =	vnsel vm12, $0x40000000, v48;
	v39 =	vsel vm0, v39, v52  }
0x26f: {  	vm5 =	veq.f32 v9, v38;
	v56 =	vld [tilespmem:$0x570];
	vm0 =	vlt.s32 v39, v55  }
0x270: {  	v57 =	vimm.s32 $0x0;
	v58 =	vnsel vm5, $0x40000000, v51;
	v39 =	vsel vm0, v39, v55  }
0x271: {  	v60 =	vimm.s32 $0x0;
	vm7 =	veq.f32 v25, v38;
	v59 =	vld [tilespmem:$0x580];
	vm0 =	vlt.s32 v39, v58  }
0x272: {  	v49 =	vimm.s32 $0x0;
	v61 =	vnsel vm7, $0x40000000, v53;
	v39 =	vsel vm0, v39, v58  }
0x273: {  	[tilespmem:$0x1FDB0] =	vst v44;
	v44 =	vsel vm10, $0xFFFFFFFF, v49;
	vm10 =	veq.f32 v8, v38;
	v62 =	vld [tilespmem:$0x590];
	vm0 =	vlt.s32 v39, v61  }
0x274: {  	v54 =	vimm.s32 $0x0;
	v48 =	vnsel vm10, $0x40000000, v56;
	v39 =	vsel vm0, v39, v61  }
0x275: {  	v49 =	vld [tilespmem:$0x5A0];
	[tilespmem:$0x1FDC0] =	vst v44;
	v44 =	vsel vm12, $0xFFFFFFFF, v54;
	vm12 =	veq.f32 v7, v38;
	vm0 =	vlt.s32 v39, v48  }
0x276: {  	[tilespmem:$0x1FDD0] =	vst v44;
	v44 =	vsel vm5, $0xFFFFFFFF, v57;
	v51 =	vnsel vm12, $0x40000000, v59;
	v39 =	vsel vm0, v39, v48  }
0x277: {  	[tilespmem:$0x1FDE0] =	vst v44;
	v44 =	vsel vm7, $0xFFFFFFFF, v60;
	vm5 =	veq.f32 v28, v38;
	v52 =	vld [tilespmem:$0x5B0];
	vm0 =	vlt.s32 v39, v51  }
0x278: {  	v54 =	vnsel vm5, $0x40000000, v62;
	v53 =	vimm.s32 $0x0;
	v39 =	vsel vm0, v39, v51  }
0x279: {  	vm7 =	veq.f32 v6, v38;
	v63 =	vimm.s32 $0x0;
	v55 =	vld [tilespmem:$0x5C0];
	vm0 =	vlt.s32 v39, v54  }
0x27a: {  	[tilespmem:$0x1FDF0] =	vst v44;
	v57 =	vnsel vm7, $0x40000000, v49;
	v44 =	vsel vm10, $0xFFFFFFFF, v63;
	v39 =	vsel vm0, v39, v54  }
0x27b: {  	vm10 =	veq.f32 v5, v38;
	v50 =	vimm.s32 $0x0;
	v58 =	vld [tilespmem:$0x5D0];
	vm0 =	vlt.s32 v39, v57  }
0x27c: {  	[tilespmem:$0x1FE00] =	vst v44;
	v44 =	vsel vm12, $0xFFFFFFFF, v50;
	v60 =	vnsel vm10, $0x40000000, v52;
	v39 =	vsel vm0, v39, v57  }
0x27d: {  	[tilespmem:$0x1FE10] =	vst v44;
	v44 =	vsel vm5, $0xFFFFFFFF, v53;
	vm5 =	veq.f32 v35, v38;
	v61 =	vld [tilespmem:$0x5E0];
	vm0 =	vlt.s32 v39, v60  }
0x27e: {  	v56 =	vimm.s32 $0x0;
	v62 =	vnsel vm5, $0x40000000, v55;
	v39 =	vsel vm0, v39, v60  }
0x27f: {  	v63 =	vld [tilespmem:$0x5F0];
	[tilespmem:$0x1FE20] =	vst v44;
	v44 =	vsel vm7, $0xFFFFFFFF, v56;
	vm7 =	veq.f32 v32, v38;
	vm0 =	vlt.s32 v39, v62  }
0x280: {  	v45 =	vnsel vm7, $0x40000000, v58;
	v39 =	vsel vm0, v39, v62  }
0x281: {  	vm12 =	veq.f32 v3, v38;
	vm0 =	vlt.s32 v39, v45  }
0x282: {  	v59 =	vimm.s32 $0x0;
	v47 =	vnsel vm12, $0x40000000, v61;
	v39 =	vsel vm0, v39, v45  }
0x283: {  	vm1 =	veq.f32 v4, v38;
	[tilespmem:$0x1FE30] =	vst v44;
	v44 =	vsel vm10, $0xFFFFFFFF, v59;
	vm10 =	vlt.s32 v39, v47  }
0x284: {  	v49 =	vnsel vm1, $0x40000000, v63;
	v48 =	vsel vm10, v39, v47  }
0x285: {  	vm10 =	vlt.s32 v48, v49  }
0x286: {  	v38 =	vsel vm10, v48, v49  }
0x287: {  	v38 =	vsub.s32 $0x80000000, v38  }
0x288: {  	[tilespmem:$0x1FD80] =	vst v42;
	v42 =	vld [tilespmem:$0x5B0];
	(xrf0) =	vmax.scan.msk.u32 $0xffff, v38  }
0x289: {  	v40 =	vld [tilespmem:$0x1FD40]  }
0x28a: {  	v43 =	vld [tilespmem:$0x1FDE0]  }
0x28b: {  	v46 =	vimm.s32 $0x0;
	v53 =	vld [tilespmem:$0x430]  }
0x28c: {  	[tilespmem:$0x1FD70] =	vst v41;
	v41 =	vsel vm12, $0xFFFFFFFF, v46;
	v46 =	vld [tilespmem:$0x4B0]  }
0x28d: {  	v56 =	vld [tilespmem:$0x1FFA0]  }
0x28e: {  	[tilespmem:$0x1FE50] =	vst v41;
	v41 =	vld [tilespmem:$0x4A0];
	v38, _, _ =	vpop (xrf0)  }
0x28f: {  	v59 =	vld [tilespmem:$0x470];
	v38 =	vxor.u32 $0x80000000, v38  }
0x290: {  	v63 =	vld [tilespmem:$0x490];
	v50 =	vperm.xlane v38, v1  }
0x291: {  	v52 =	vld [tilespmem:$0x420]  }
0x292: {  	v58 =	vld [tilespmem:$0x1FD30];
	v1 =	vxor.u32 $0x80000000, v50  }
0x293: {  	v55 =	vld [tilespmem:$0x450];
	(xrf0) =	vmax.scan.msk.u32 $0xffff, v1  }
0x294: {  	v51 =	vld [tilespmem:$0x410]  }
0x295: {  	v54 =	vld [tilespmem:$0x440]  }
0x296: {  	v57 =	vld [tilespmem:$0x460]  }
0x297: {  	vm12 =	vnez.u8 v58;
	v58 =	vld [tilespmem:$0x520]  }
0x298: {  	v62 =	vld [tilespmem:$0x480]  }
0x299: {  	v47 =	vld [tilespmem:$0x4C0];
	v1, _, _ =	vpop (xrf0)  }
0x29a: {  	v48 =	vld [tilespmem:$0x1FD50];
	v1 =	vxor.u32 $0x7FFFFFFF, v1  }
0x29b: {  	vm10 =	vnez.u8 v56;
	v49 =	vld [tilespmem:$0x1FD60];
	v1 =	vadd.s32 $0x1, v1  }
0x29c: {  	v56 =	vld [tilespmem:$0x510];
	v11 =	vsel vm10, v26, v11;
	vm10 =	veq.s32 v37, v1;
	vm0 =	veq.s32 v51, v1  }
0x29d: {  	v38 =	vld [tilespmem:$0x590];
	vm10 =	vmand vm12, vm10;
	vm0 =	vmand vm9, vm0;
	vm12 =	veq.s32 v52, v1  }
0x29e: {  	v50 =	vld [tilespmem:$0x4D0];
	vm9 =	vmand vm13, vm12;
	v60 =	vsel vm10, $0xFF61B1E6, v20;
	v61 =	vsel vm0, $0xFF61B1E6, v17  }
0x29f: {  	v51 =	vld [tilespmem:$0x4E0];
	vm0 =	veq.s32 v53, v1;
	vm13 =	veq.s32 v54, v1;
	vm12 =	vnez.u8 v40  }
0x2a0: {  	v37 =	vld [tilespmem:$0x1FDC0];
	v36 =	vsel vm9, $0xFF61B1E6, v36;
	vm0 =	vmand vm12, vm0;
	vm9 =	vmand vm15, vm13  }
0x2a1: {  	v52 =	vld [tilespmem:$0x4F0];
	vm13 =	veq.s32 v55, v1;
	vm15 =	veq.s32 v57, v1;
	vm12 =	veq.s32 v59, v1  }
0x2a2: {  	[tilespmem:$0x1FE40] =	vst v44;
	v53 =	vld [tilespmem:$0x1FD70];
	vm10 =	vmand vm11, vm13;
	v44 =	vsel vm0, $0xFF61B1E6, v27;
	v45 =	vsel vm9, $0xFF61B1E6, v33  }
0x2a3: {  	v54 =	vld [tilespmem:$0x1FD80];
	vm13 =	vnez.u8 v48;
	vm11 =	veq.s32 v47, v1;
	v34 =	vsel vm10, $0xFF61B1E6, v34  }
0x2a4: {  	v55 =	vld [tilespmem:$0x500];
	vm0 =	vmand vm13, vm15;
	vm15 =	vnez.u8 v49;
	vm13 =	veq.s32 v63, v1  }
0x2a5: {  	v59 =	vld [tilespmem:$0x1FD90];
	vm9 =	vmand vm15, vm12;
	vm12 =	veq.s32 v62, v1;
	v23 =	vsel vm0, $0xFF61B1E6, v23  }
0x2a6: {  	v40 =	vld [tilespmem:$0x5A0];
	[tilespmem:$0x200] =	vst v60;
	vm15 =	veq.s32 v41, v1;
	vm3 =	vmand vm3, vm12;
	v21 =	vsel vm9, $0xFF61B1E6, v21  }
0x2a7: {  	[tilespmem:$0x210] =	vst v61;
	v27 =	vld [tilespmem:$0x1FDA0];
	vm12 =	vnez.u8 v53;
	vm9 =	veq.s32 v52, v1;
	v22 =	vsel vm3, $0xFF61B1E6, v22  }
0x2a8: {  	v60 =	vld [tilespmem:$0x530];
	[tilespmem:$0x220] =	vst v36;
	vm0 =	vmand vm12, vm13;
	vm13 =	vnez.u8 v54;
	vm12 =	veq.s32 v50, v1  }
0x2a9: {  	v61 =	vld [tilespmem:$0x540];
	[tilespmem:$0x230] =	vst v44;
	vm10 =	veq.s32 v55, v1;
	vm3 =	vmand vm13, vm15;
	vm15 =	veq.s32 v46, v1  }
0x2aa: {  	v33 =	vld [tilespmem:$0x570];
	[tilespmem:$0x240] =	vst v45;
	v19 =	vsel vm0, $0xFF61B1E6, v19;
	vm13 =	vnez.u8 v59;
	vm4 =	vmand vm4, vm15  }
0x2ab: {  	v63 =	vld [tilespmem:$0x550];
	[tilespmem:$0x250] =	vst v34;
	v18 =	vsel vm3, $0xFF61B1E6, v18;
	vm0 =	vmand vm13, vm11;
	vm3 =	vmand vm6, vm12  }
0x2ac: {  	v36 =	vld [tilespmem:$0x580];
	[tilespmem:$0x260] =	vst v23;
	vm15 =	veq.s32 v51, v1;
	vm11 =	vnez.u8 v27;
	vm13 =	veq.s32 v56, v1  }
0x2ad: {  	v41 =	vld [tilespmem:$0x1FDD0];
	[tilespmem:$0x270] =	vst v21;
	vm6 =	veq.s32 v60, v1;
	v57 =	vsel vm4, $0xFF61B1E6, v29;
	vm2 =	vmand vm2, vm15  }
0x2ae: {  	[tilespmem:$0x280] =	vst v22;
	v16 =	vsel vm0, $0xFF61B1E6, v16;
	v15 =	vsel vm3, $0xFF61B1E6, v15;
	vm0 =	vmand vm11, vm9;
	v29 =	vld [tilespmem:$0x1FDB0]  }
0x2af: {  	[tilespmem:$0x290] =	vst v19;
	vm3 =	vmand vm8, vm13;
	vm15 =	veq.s32 v58, v1;
	v62 =	vsel vm2, $0xFF61B1E6, v30;
	v30 =	vld [tilespmem:$0x560]  }
0x2b0: {  	s4 =	sand.u32 $0xF, s3;
	v48 =	vld [tilespmem:$0x1FE00];
	[tilespmem:$0x2A0] =	vst v18;
	vm8 =	vnez.u8 v37;
	vm9 =	veq.s32 v61, v1;
	vm11 =	veq.s32 v63, v1  }
0x2b1: {  	v45 =	vld [tilespmem:$0x1FDF0];
	vm13 =	vnez.u8 v43;
	v58 =	vmov s4;
	[tilespmem:$0x2B0] =	vst v57;
	v14 =	vsel vm0, $0xFF61B1E6, v14  }
0x2b2: {  	v50 =	vld [tilespmem:$0x1FE10];
	[tilespmem:$0x2C0] =	vst v16;
	v34 =	vsel vm3, $0xFF61B1E6, v31;
	vm0 =	vmand vm8, vm15;
	vm15 =	veq.s32 v33, v1  }
0x2b3: {  	v52 =	vld [tilespmem:$0x1FE20];
	[tilespmem:$0x2D0] =	vst v15;
	vm8 =	veq.s32 v36, v1;
	v12 =	vsel vm0, $0xFF61B1E6, v12;
	vm12 =	vnez.u8 v29  }
0x2b4: {  	v54 =	vld [tilespmem:$0x1FE30];
	[tilespmem:$0x2E0] =	vst v62;
	vm2 =	vmand vm12, vm10;
	vm10 =	vnez.u8 v41;
	vm12 =	veq.s32 v30, v1  }
0x2b5: {  	v44 =	vld [tilespmem:$0x5C0];
	[tilespmem:$0x2F0] =	vst v14;
	v13 =	vsel vm2, $0xFF61B1E6, v13;
	vm2 =	vmand vm14, vm6;
	vm0 =	vmand vm10, vm9  }
0x2b6: {  	v55 =	vld [tilespmem:$0x1FE40];
	[tilespmem:$0x310] =	vst v34;
	vm14 =	vnez.u8 v45;
	vm6 =	vnez.u8 v48;
	vm9 =	veq.s32 v38, v1  }
0x2b7: {  	v49 =	vld [tilespmem:$0x5E0];
	[tilespmem:$0x320] =	vst v12;
	vm10 =	vnez.u8 v50;
	v39 =	vsel vm2, $0xFF61B1E6, v24;
	v10 =	vsel vm0, $0xFF61B1E6, v10  }
0x2b8: {  	v47 =	vld [tilespmem:$0x5D0];
	[tilespmem:$0x300] =	vst v13;
	vm2 =	vmand vm13, vm11;
	vm0 =	vmand vm14, vm12;
	vm11 =	vnez.u8 v52  }
0x2b9: {  	v51 =	vld [tilespmem:$0x5F0];
	vm12 =	veq.s32 v40, v1;
	vm13 =	vnez.u8 v54;
	vm14 =	veq.s32 v42, v1;
	[tilespmem:$0x330] =	vst v39  }
0x2ba: {  	v59 =	vld [tilespmem:$0x1FE50];
	v9 =	vsel vm2, $0xFF61B1E6, v9;
	v46 =	vsel vm0, $0xFF61B1E6, v25;
	[tilespmem:$0x340] =	vst v10;
	vm0 =	vmand vm6, vm15  }
0x2bb: {  	vm2 =	vmand vm11, vm9;
	vm15 =	veq.s32 v44, v1;
	vm6 =	vnez.u8 v55;
	[tilespmem:$0x350] =	vst v9  }
0x2bc: {  	vm11 =	veq.s32 v49, v1;
	v8 =	vsel vm0, $0xFF61B1E6, v8;
	vm0 =	vmand vm10, vm8;
	[tilespmem:$0x360] =	vst v46  }
0x2bd: {  	v61 =	vld [tilespmem:$0x1FFB0];
	v53 =	vsel vm2, $0xFF61B1E6, v28;
	vm2 =	vmand vm6, vm14;
	vm8 =	veq.s32 v47, v1;
	[tilespmem:$0x370] =	vst v8  }
0x2be: {  	vm10 =	veq.s32 v51, v1;
	v7 =	vsel vm0, $0xFF61B1E6, v7;
	vm0 =	vmand vm13, vm12;
	[tilespmem:$0x390] =	vst v53  }
0x2bf: {  	v5 =	vsel vm2, $0xFF61B1E6, v5;
	vm9 =	vmand vm7, vm8;
	vm12 =	vnez.u8 v59;
	[tilespmem:$0x380] =	vst v7  }
0x2c0: {  	vm3 =	vmxor vm8, vm8;
	vm13 =	veq.s32 v58, v0;
	v6 =	vsel vm0, $0xFF61B1E6, v6;
	[tilespmem:$0x3B0] =	vst v5  }
0x2c1: {  	vm0 =	vmand vm5, vm15;
	v57 =	vsel vm9, $0xFF61B1E6, v32;
	vm2 =	vmmov vm3;
	[tilespmem:$0x3A0] =	vst v6  }
0x2c2: {  	p0 =	slt.u32 s3, $0x10;
	vm15 =	vnez.u8 v61;
	v56 =	vsel vm0, $0xFF61B1E6, v35;
	vm0 =	vmand vm1, vm10;
	[tilespmem:$0x3D0] =	vst v57  }
0x2c3: {  	vm1 =	vmand vm12, vm11;
	vm2 =	vmneg @p0 vm2;
	p0 =	sgt.u32 s3, $0xF;
	[tilespmem:$0x3C0] =	vst v56;
	v4 =	vsel vm0, $0xFF61B1E6, v4  }
0x2c4: {  	v60 =	vsel vm1, $0xFF61B1E6, v3;
	vm3 =	vmneg @p0 vm3;
	vm14 =	vmand vm2, vm13;
	[tilespmem:$0x3F0] =	vst v4  }
0x2c5: {  	v2 =	vsel vm15, v26, v2;
	vm0 =	vmand vm3, vm13;
	v62 =	vsel vm14, v1, v11;
	[tilespmem:$0x3E0] =	vst v60  }
0x2c6: {  	v63 =	vsel vm0, v1, v2;
	[tilespmem:$0x600] =	vst v62  }
0x2c7: {  	s29 =	simm.s32 $0x0;
	s30 =	simm.s32 $0x600;
	s31 =	simm.s32 $0x1;
	[tilespmem:$0x610] =	vst v63  }
0x2c8: {  	[hbm4b:s1+s29] =	stream.linear.scatter [tilespmem:s30], [sflag:$0x1], $0x80, $0x38;
	[tilespmem:$0x680] =	vst v63  }
0x2c9: {  	_ =	swait.ge [sflag:s31], $0x80  }
0x2ca: {  	[sflag:s31] =	ssyncset.done $0x0  }
0x2cb: {  	[sflag:s31] =	ssyncadd.s32 $0xFFFFFF80  }
.LBB2_7:
0x2cc: {  	_ =	sfence.sel $0x180000  }
0x2cd: {  	[bflag:$0x0] =	sbarrier.arrive $0xFFFF  }
0x2ce: {  	p0 =	sne.s32 s2, $0x0;
	_ =	strace $0x90000047  }
0x2cf: {  	s0 =	sadd.s32 @!p0 $0x100000, s0;
	[bflag:$0x2] =	sbarrier.arrive $0xFFFF  }
0x2d0: {  	[sflag:s0] =	ssyncadd.tile.s32 @!p0 $0x1;
	_ =	shalt  }
.Lfunc_end2:
_tile_overlayer_lowered:
.L_overlay_start_2:
0x2d1: {  	(tag) =	ssettag $0x2  }
0x2d2: {  	s0 =	rddreg [dreg:$0x0];
	s2 =	stileid.u32  }
0x2d3: {  	s1 =	rddreg [dreg:$0x1];
	p0 =	sne.s32 s2, $0x0  }
0x2d4: {  	s3 =	rddreg [dreg:$0x2];
	[bflag:$0x3] =	sbarrier.arrive $0xFFFF;
	s2 =	simm.s32 @!p0 $0x1C01  }
0x2d5: {  	[timem:s3], [sflag:s2] =	dma.local @!p0 [hbm:s0], s1  }
0x2d6: {  	s0 =	simm.s32 @!p0 $0x1  }
0x2d7: {  	_ =	swait.ge @!p0 [sflag:s0], s1  }
0x2d8: {  	s1 =	ssub.s32 @!p0 $0x0, s1;
	[sflag:s0] =	ssyncset.done @!p0 $0x0  }
0x2d9: {  	[sflag:s0] =	ssyncadd.s32 @!p0 s1  }
0x2da: {  	[bflag:$0x3] =	sbarrier.arrive $0xFFFF  }
0x2db: {  	_ =	shalt  }

</sc_bundles>
